<compile_context>
chip_gen: v7x
topology: tpu7x:2x2x1
jax: 0.10.2.dev20260603
libtpu: 0.0.44.dev20260713+nightly
codegen_flags: <defaults>
</compile_context>

<pallas_src>
import functools

import jax
import jax.numpy as jnp
from jax import lax
from jax.experimental import pallas as pl
from jax.experimental.pallas import tpu as pltpu
from jax.experimental.pallas import tpu_sc as plsc

N = 10000
NP = 10240
E = 320000
EP = 327680
D = 128
G = 64
NCLS = 16
NC = 2
NS = 16
CHUNK = 128
EPT = EP // NS
NCH2 = EPT // CHUNK
NCH = NCH2 // NC
NSTA = 2
SCH = NCH // NSTA
NBUF = 2
NSPL = 2
GSL = CHUNK // NSPL
RPT = NP // NS
BLK = 1024
NBLK = NP // BLK

_mesh = plsc.VectorSubcoreMesh(
    core_axis_name="c", subcore_axis_name="s", num_cores=NC, num_subcores=NS)


@functools.partial(
    pl.kernel,
    out_type=jax.ShapeDtypeStruct((NC * NP,), jnp.float32),
    mesh=_mesh,
    scratch_types=[
        pltpu.VMEM((NCH * 2, CHUNK), jnp.int32),
        pltpu.VMEM((CHUNK,), jnp.float32),
        pltpu.VMEM_SHARED((NP,), jnp.float32),
    ],
)
def _deg_kernel(ec_hbm, zc_hbm, out_hbm, ibuf, ones_v, table):
    c = lax.axis_index("c")
    s = lax.axis_index("s")
    for i in range(CHUNK // 16):
        ones_v[pl.ds(i * 16, 16)] = jnp.ones((16,), jnp.float32)
    pltpu.sync_copy(ec_hbm.at[s, pl.ds(c * NCH * 2, NCH * 2)], ibuf)
    pltpu.sync_copy(zc_hbm, table.at[pl.ds(s * RPT, RPT)])
    plsc.subcore_barrier()

    def body(i, carry):
        pltpu.sync_copy(ones_v, table.at[ibuf.at[2 * i + 1]], add=True)
        return carry

    lax.fori_loop(0, NCH, body, 0)
    plsc.subcore_barrier()
    pltpu.sync_copy(table.at[pl.ds(s * RPT, RPT)],
                    out_hbm.at[pl.ds(c * NP + s * RPT, RPT)])


@functools.partial(
    pl.kernel,
    out_type=jax.ShapeDtypeStruct((NC * NP, D), jnp.float32),
    mesh=_mesh,
    scratch_types=[
        pltpu.VMEM((SCH * 2, CHUNK), jnp.int32),
        [pltpu.VMEM((CHUNK, D), jnp.float32) for _ in range(NBUF)],
        [pltpu.SemaphoreType.DMA for _ in range(NBUF * NSPL)],
        pltpu.VMEM_SHARED((NP, D), jnp.float32),
    ],
)
def _agg_kernel(y_hbm, ec_hbm, zr_hbm, out_hbm, ibuf, rows, sems, table):
    c = lax.axis_index("c")
    s = lax.axis_index("s")
    pltpu.sync_copy(zr_hbm, table.at[pl.ds(s * RPT, RPT)])
    plsc.subcore_barrier()

    def gather_descs(j, k):
        return [pltpu.make_async_copy(
                    y_hbm.at[ibuf.at[2 * j, pl.ds(q * GSL, GSL)]],
                    rows[k].at[pl.ds(q * GSL, GSL)],
                    sems[k * NSPL + q])
                for q in range(NSPL)]

    for st in range(NSTA):
        pltpu.sync_copy(
            ec_hbm.at[s, pl.ds(c * NCH * 2 + st * SCH * 2, SCH * 2)], ibuf)
        for k in range(NBUF):
            for dsc in gather_descs(k, k):
                dsc.start()

        def body(t, carry):
            j0 = t * NBUF
            for k in range(NBUF):
                j = j0 + k
                for dsc in gather_descs(j, k):
                    dsc.wait()
                pltpu.sync_copy(rows[k], table.at[ibuf.at[2 * j + 1]],
                                add=True)

                @pl.when(t < SCH // NBUF - 1)
                def _():
                    for dsc in gather_descs(j + NBUF, k):
                        dsc.start()

            return carry

        lax.fori_loop(0, SCH // NBUF, body, 0)
    plsc.subcore_barrier()
    pltpu.sync_copy(table.at[pl.ds(s * RPT, RPT)],
                    out_hbm.at[pl.ds(c * NP + s * RPT, RPT)])


def _dinv(deg_ref):
    return lax.rsqrt(deg_ref[0, :] + deg_ref[1, :] + 1.0)


def _y1_body(x_ref, deg_ref, w_ref, y_ref):
    dinv = _dinv(deg_ref)
    y_ref[...] = jnp.dot(x_ref[...], w_ref[...],
                         preferred_element_type=jnp.float32) * dinv[:, None]


def _mid_body(agg_ref, y1_ref, deg_ref, w_ref, b_ref, y2_ref):
    dinv = _dinv(deg_ref)
    ssum = agg_ref[0] + agg_ref[1] + y1_ref[...]
    h = jnp.maximum(ssum * dinv[:, None] + b_ref[...], 0.0)
    y2_ref[...] = jnp.dot(h, w_ref[...],
                          preferred_element_type=jnp.float32) * dinv[:, None]


def _final_body(agg_ref, y2_ref, deg_ref, batch_ref, b2_ref, wc1_ref, bc1_ref,
                wc2_ref, bc2_ref, out_ref, acc, cnt):
    i = pl.program_id(0)

    @pl.when(i == 0)
    def _():
        acc[...] = jnp.zeros_like(acc)
        cnt[...] = jnp.zeros_like(cnt)

    dinv = _dinv(deg_ref)
    ssum = agg_ref[0] + agg_ref[1] + y2_ref[...]
    h = jnp.maximum(ssum * dinv[:, None] + b2_ref[...], 0.0)
    bb = batch_ref[0, 0, :]
    m = (lax.broadcasted_iota(jnp.int32, (G, BLK), 0)
         == bb[None, :]).astype(jnp.float32)
    acc[...] += jnp.dot(m, h, preferred_element_type=jnp.float32)
    cnt[...] += jnp.broadcast_to(jnp.sum(m, axis=1, keepdims=True), (G, D))

    @pl.when(i == NBLK - 1)
    def _():
        pooled = acc[...] / jnp.maximum(cnt[...], 1.0)
        z = jnp.maximum(jnp.dot(pooled, wc1_ref[...],
                                preferred_element_type=jnp.float32)
                        + bc1_ref[...], 0.0)
        out_ref[...] = jnp.dot(z, wc2_ref[...],
                               preferred_element_type=jnp.float32) + bc2_ref[...]


def kernel(x, edge_index, batch, W1, b1, W2, b2, Wc1, bc1, Wc2, bc2):
    row = edge_index[0].astype(jnp.int32)
    col = edge_index[1].astype(jnp.int32)
    pad_e = EP - E
    rowp = jnp.concatenate([row, jnp.zeros((pad_e,), jnp.int32)])
    colp = jnp.concatenate([col, jnp.full((pad_e,), N, jnp.int32)])
    ec = jnp.stack([rowp.reshape(NS, NCH2, CHUNK),
                    colp.reshape(NS, NCH2, CHUNK)],
                   axis=2).reshape(NS, NCH2 * 2, CHUNK)
    xp = jnp.pad(x, ((0, NP - N), (0, 0)))
    batchp = jnp.concatenate(
        [batch.astype(jnp.int32), jnp.full((NP - N,), G, jnp.int32)]
    ).reshape(NBLK, 1, BLK)
    zc = jnp.zeros((RPT,), jnp.float32)
    zr = jnp.zeros((RPT, D), jnp.float32)

    deg2 = _deg_kernel(ec, zc).reshape(NC, NP)

    y1 = pl.pallas_call(
        _y1_body,
        grid=(NBLK,),
        in_specs=[
            pl.BlockSpec((BLK, D), lambda i: (i, 0)),
            pl.BlockSpec((NC, BLK), lambda i: (0, i)),
            pl.BlockSpec((D, D), lambda i: (0, 0)),
        ],
        out_specs=pl.BlockSpec((BLK, D), lambda i: (i, 0)),
        out_shape=jax.ShapeDtypeStruct((NP, D), jnp.float32),
    )(xp, deg2, W1)

    agg1 = _agg_kernel(y1, ec, zr).reshape(NC, NP, D)

    y2 = pl.pallas_call(
        _mid_body,
        grid=(NBLK,),
        in_specs=[
            pl.BlockSpec((NC, BLK, D), lambda i: (0, i, 0)),
            pl.BlockSpec((BLK, D), lambda i: (i, 0)),
            pl.BlockSpec((NC, BLK), lambda i: (0, i)),
            pl.BlockSpec((D, D), lambda i: (0, 0)),
            pl.BlockSpec((1, D), lambda i: (0, 0)),
        ],
        out_specs=pl.BlockSpec((BLK, D), lambda i: (i, 0)),
        out_shape=jax.ShapeDtypeStruct((NP, D), jnp.float32),
    )(agg1, y1, deg2, W2, b1.reshape(1, D))

    agg2 = _agg_kernel(y2, ec, zr).reshape(NC, NP, D)

    out = pl.pallas_call(
        _final_body,
        grid=(NBLK,),
        in_specs=[
            pl.BlockSpec((NC, BLK, D), lambda i: (0, i, 0)),
            pl.BlockSpec((BLK, D), lambda i: (i, 0)),
            pl.BlockSpec((NC, BLK), lambda i: (0, i)),
            pl.BlockSpec((1, 1, BLK), lambda i: (i, 0, 0)),
            pl.BlockSpec((1, D), lambda i: (0, 0)),
            pl.BlockSpec((D, D), lambda i: (0, 0)),
            pl.BlockSpec((1, D), lambda i: (0, 0)),
            pl.BlockSpec((D, NCLS), lambda i: (0, 0)),
            pl.BlockSpec((1, NCLS), lambda i: (0, 0)),
        ],
        out_specs=pl.BlockSpec((G, NCLS), lambda i: (0, 0)),
        out_shape=jax.ShapeDtypeStruct((G, NCLS), jnp.float32),
        scratch_shapes=[
            pltpu.VMEM((G, D), jnp.float32),
            pltpu.VMEM((G, D), jnp.float32),
        ],
    )(agg2, y2, deg2, batchp, b2.reshape(1, D), Wc1, bc1.reshape(1, D),
      Wc2, bc2.reshape(1, NCLS))

    return out

# --- scband reference (transcript-rebuilt; emitter-appended) ---
"""Pipeline reference for scband-gnnmodel-1322849927837 (READ-ONLY COPY).

The authoritative reference and input builder live on the scoring server;
editing this copy changes nothing except your own understanding.
"""

import jax, jax.numpy as jnp
import numpy as np

N_NODES = 10000
N_EDGES = 320000
D_IN = 128
D_HID = 128
N_CLASSES = 16
NUM_GRAPHS = 64


def setup_inputs(seed: int = 0) -> dict:
    key = jax.random.key(seed)
    ks = jax.random.split(key, 12)
    x = jax.random.normal(ks[0], (N_NODES, D_IN), dtype=jnp.float32)
    edge_index = jax.random.randint(ks[1], (2, N_EDGES), 0, N_NODES, dtype=jnp.int64)
    batch = jnp.sort(jax.random.randint(ks[2], (N_NODES,), 0, NUM_GRAPHS, dtype=jnp.int64))
    def glorot(k, fan_in, fan_out):
        s = float(np.sqrt(6.0 / (fan_in + fan_out)))
        return jax.random.uniform(k, (fan_in, fan_out), dtype=jnp.float32, minval=-s, maxval=s)
    W1 = glorot(ks[3], D_IN, D_HID)
    b1 = jnp.zeros((D_HID,), dtype=jnp.float32)
    W2 = glorot(ks[4], D_HID, D_HID)
    b2 = jnp.zeros((D_HID,), dtype=jnp.float32)
    Wc1 = glorot(ks[5], D_HID, D_HID)
    bc1 = jnp.zeros((D_HID,), dtype=jnp.float32)
    Wc2 = glorot(ks[6], D_HID, N_CLASSES)
    bc2 = jnp.zeros((N_CLASSES,), dtype=jnp.float32)
    return {"x": x, "edge_index": edge_index, "batch": batch,
            "W1": W1, "b1": b1, "W2": W2, "b2": b2,
            "Wc1": Wc1, "bc1": bc1, "Wc2": Wc2, "bc2": bc2}


def gcn_conv(x, edge_index, W, b):
    # Faithful PyG GCNConv: add self-loops, symmetric normalization,
    # linear transform, scatter-add aggregation at target nodes, plus bias.
    N = x.shape[0]
    self_loops = jnp.arange(N, dtype=edge_index.dtype)
    row = jnp.concatenate([edge_index[0], self_loops])  # source
    col = jnp.concatenate([edge_index[1], self_loops])  # target
    ew = jnp.ones(row.shape[0], dtype=x.dtype)
    deg = jax.ops.segment_sum(ew, col, num_segments=N)
    dinv = jnp.where(deg > 0, jax.lax.rsqrt(jnp.maximum(deg, 1e-12)), 0.0)
    norm = dinv[row] * dinv[col]
    xw = x @ W
    msgs = jnp.take(xw, row, axis=0) * norm[:, None]
    out = jax.ops.segment_sum(msgs, col, num_segments=N)
    return out + b


def reference(x, edge_index, batch, W1, b1, W2, b2, Wc1, bc1, Wc2, bc2):
    h = jax.nn.relu(gcn_conv(x, edge_index, W1, b1))
    h = jax.nn.relu(gcn_conv(h, edge_index, W2, b2))
    # per-graph mean pooling: x[batch == i].mean(0) for each graph id
    sums = jax.ops.segment_sum(h, batch, num_segments=NUM_GRAPHS)
    counts = jax.ops.segment_sum(jnp.ones(h.shape[0], dtype=h.dtype), batch, num_segments=NUM_GRAPHS)
    pooled = sums / jnp.maximum(counts, 1.0)[:, None]
    z = jax.nn.relu(pooled @ Wc1 + bc1)
    return z @ Wc2 + bc2

if __name__ == "__main__":
    import jax
    _d = setup_inputs()
    print(jax.jit(kernel)(*tuple(_d.values())))

</pallas_src>

<mosaic_0001>
#map = affine_map<(d0, d1) -> (0, 0)>
#map1 = affine_map<(d0, d1) -> (0, 0, 0)>
module attributes {stable_mosaic.version = 14 : i64} {
  func.func @_agg_kernel(%arg0: i32, %arg1: i32, %arg2: memref<10240x128xf32, #tpu.memory_space<hbm>>, %arg3: memref<16x320x128xi32, #tpu.memory_space<hbm>>, %arg4: memref<640x128xf32, #tpu.memory_space<hbm>>, %arg5: memref<20480x128xf32, #tpu.memory_space<hbm>>, %arg6: memref<80x128xi32, #tpu.memory_space<vmem>>, %arg7: memref<128x128xf32, #tpu.memory_space<vmem>>, %arg8: memref<128x128xf32, #tpu.memory_space<vmem>>, %arg9: memref<!tpu.dma_semaphore, #tpu.memory_space<semaphore_mem>>, %arg10: memref<!tpu.dma_semaphore, #tpu.memory_space<semaphore_mem>>, %arg11: memref<!tpu.dma_semaphore, #tpu.memory_space<semaphore_mem>>, %arg12: memref<!tpu.dma_semaphore, #tpu.memory_space<semaphore_mem>>, %arg13: memref<10240x128xf32, #tpu.memory_space<vmem_shared>>) attributes {dimension_semantics = [#tpu.dimension_semantics<core_parallel>, #tpu.dimension_semantics<subcore_parallel>], iteration_bounds = array<i64: 2, 16>, scalar_prefetch = 0 : i64, scratch_operands = 8 : i64, tpu.core_type = #tpu.core_type<sc_vector_subcore>, window_params = [{transform_indices = #map}, {transform_indices = #map1}, {transform_indices = #map}, {transform_indices = #map}]} {
    %mul3A = arith.constant 640 : i32
    %mul3A_0 = arith.muli %arg1, %mul3A : i32
    "tpu.region"() ({
      %run_scoped3A = tpu.sem_alloc : memref<!tpu.dma_semaphore, #tpu.memory_space<semaphore_mem>>
      %dma_start3A_110 = arith.constant 0 : i32
      %dma_start3A_111 = tpu.memref_slice %arg13[%mul3A_0, %dma_start3A_110] : memref<10240x128xf32, #tpu.memory_space<vmem_shared>> -> memref<640x128xf32, #tpu.memory_space<vmem_shared>>
      tpu.enqueue_dma source(%arg4 : memref<640x128xf32, #tpu.memory_space<hbm>>) target(%dma_start3A_111 : memref<640x128xf32, #tpu.memory_space<vmem_shared>>) target_semaphore(%run_scoped3A : memref<!tpu.dma_semaphore, #tpu.memory_space<semaphore_mem>>)
      %dma_wait3A = arith.constant 0 : i32
      %dma_wait3A_112 = tpu.memref_slice %arg13[%mul3A_0, %dma_wait3A] : memref<10240x128xf32, #tpu.memory_space<vmem_shared>> -> memref<640x128xf32, #tpu.memory_space<vmem_shared>>
      tpu.wait_dma2 semaphore(%run_scoped3A : memref<!tpu.dma_semaphore, #tpu.memory_space<semaphore_mem>>) src(%arg4 : memref<640x128xf32, #tpu.memory_space<hbm>>) dst(%dma_wait3A_112 : memref<640x128xf32, #tpu.memory_space<vmem_shared>>)
      tpu.yield
    }) : () -> ()
    %barrier3A = arith.constant 0 : index
    tpu.barrier barrier_id(%barrier3A)
    %mul3A_1 = arith.constant 80 : i32
    %mul3A_2 = arith.muli %arg0, %mul3A_1 : i32
    %mul3A_3 = arith.constant 2 : i32
    %mul3A_4 = arith.muli %mul3A_2, %mul3A_3 : i32
    %add3A = arith.constant 0 : i32
    %add3A_5 = arith.addi %mul3A_4, %add3A : i32
    "tpu.region"() ({
      %run_scoped3A = tpu.sem_alloc : memref<!tpu.dma_semaphore, #tpu.memory_space<semaphore_mem>>
      %dma_start3A_110 = arith.constant 0 : i32
      %dma_start3A_111 = tpu.memref_slice %arg3[%arg1, %add3A_5, %dma_start3A_110] : memref<16x320x128xi32, #tpu.memory_space<hbm>> -> memref<1x80x128xi32, #tpu.memory_space<hbm>>
      %dma_start3A_112 = tpu.memref_squeeze %dma_start3A_111 : memref<1x80x128xi32, #tpu.memory_space<hbm>> -> memref<80x128xi32, #tpu.memory_space<hbm>>
      %dma_start3A_113 = arith.constant 0 : i32
      %dma_start3A_114 = tpu.memref_slice %arg3[%arg1, %add3A_5, %dma_start3A_113] : memref<16x320x128xi32, #tpu.memory_space<hbm>> -> memref<1x80x128xi32, #tpu.memory_space<hbm>>
      %dma_start3A_115 = tpu.memref_squeeze %dma_start3A_114 : memref<1x80x128xi32, #tpu.memory_space<hbm>> -> memref<80x128xi32, #tpu.memory_space<hbm>>
      tpu.enqueue_dma source(%dma_start3A_115 : memref<80x128xi32, #tpu.memory_space<hbm>>) target(%arg6 : memref<80x128xi32, #tpu.memory_space<vmem>>) target_semaphore(%run_scoped3A : memref<!tpu.dma_semaphore, #tpu.memory_space<semaphore_mem>>)
      %dma_wait3A = arith.constant 0 : i32
      %dma_wait3A_116 = tpu.memref_slice %arg3[%arg1, %add3A_5, %dma_wait3A] : memref<16x320x128xi32, #tpu.memory_space<hbm>> -> memref<1x80x128xi32, #tpu.memory_space<hbm>>
      %dma_wait3A_117 = tpu.memref_squeeze %dma_wait3A_116 : memref<1x80x128xi32, #tpu.memory_space<hbm>> -> memref<80x128xi32, #tpu.memory_space<hbm>>
      %dma_wait3A_118 = arith.constant 0 : i32
      %dma_wait3A_119 = tpu.memref_slice %arg3[%arg1, %add3A_5, %dma_wait3A_118] : memref<16x320x128xi32, #tpu.memory_space<hbm>> -> memref<1x80x128xi32, #tpu.memory_space<hbm>>
      %dma_wait3A_120 = tpu.memref_squeeze %dma_wait3A_119 : memref<1x80x128xi32, #tpu.memory_space<hbm>> -> memref<80x128xi32, #tpu.memory_space<hbm>>
      tpu.wait_dma2 semaphore(%run_scoped3A : memref<!tpu.dma_semaphore, #tpu.memory_space<semaphore_mem>>) src(%dma_wait3A_120 : memref<80x128xi32, #tpu.memory_space<hbm>>) dst(%arg6 : memref<80x128xi32, #tpu.memory_space<vmem>>)
      tpu.yield
    }) : () -> ()
    %dma_start3A = arith.constant 0 : i32
    %dma_start3A_6 = arith.constant 0 : i32
    %dma_start3A_7 = arith.constant 0 : i32
    %dma_start3A_8 = tpu.memref_slice %arg7[%dma_start3A_6, %dma_start3A_7] : memref<128x128xf32, #tpu.memory_space<vmem>> -> memref<64x128xf32, #tpu.memory_space<vmem>>
    %dma_start3A_9 = arith.constant 0 : i32
    %dma_start3A_10 = tpu.memref_slice %arg6[%dma_start3A, %dma_start3A_9] : memref<80x128xi32, #tpu.memory_space<vmem>> -> memref<1x64xi32, #tpu.memory_space<vmem>>
    %dma_start3A_11 = tpu.memref_squeeze %dma_start3A_10 : memref<1x64xi32, #tpu.memory_space<vmem>> -> memref<64xi32, #tpu.memory_space<vmem>>
    %dma_start3A_12 = arith.constant 0 : i32
    %dma_start3A_13 = arith.constant 0 : i32
    %dma_start3A_14 = tpu.memref_slice %arg2[%dma_start3A_12, %dma_start3A_13] : memref<10240x128xf32, #tpu.memory_space<hbm>> -> memref<10240x128xf32, #tpu.memory_space<hbm>>
    tpu.enqueue_indirect_dma source(%dma_start3A_14 : memref<10240x128xf32, #tpu.memory_space<hbm>>) target(%dma_start3A_8 : memref<64x128xf32, #tpu.memory_space<vmem>>) offsets(%dma_start3A_11 : memref<64xi32, #tpu.memory_space<vmem>>) semaphore(%arg9 : memref<!tpu.dma_semaphore, #tpu.memory_space<semaphore_mem>>)
    %dma_start3A_15 = arith.constant 0 : i32
    %dma_start3A_16 = arith.constant 64 : i32
    %dma_start3A_17 = arith.constant 0 : i32
    %dma_start3A_18 = tpu.memref_slice %arg7[%dma_start3A_16, %dma_start3A_17] : memref<128x128xf32, #tpu.memory_space<vmem>> -> memref<64x128xf32, #tpu.memory_space<vmem>>
    %dma_start3A_19 = arith.constant 64 : i32
    %dma_start3A_20 = tpu.memref_slice %arg6[%dma_start3A_15, %dma_start3A_19] : memref<80x128xi32, #tpu.memory_space<vmem>> -> memref<1x64xi32, #tpu.memory_space<vmem>>
    %dma_start3A_21 = tpu.memref_squeeze %dma_start3A_20 : memref<1x64xi32, #tpu.memory_space<vmem>> -> memref<64xi32, #tpu.memory_space<vmem>>
    %dma_start3A_22 = arith.constant 0 : i32
    %dma_start3A_23 = arith.constant 0 : i32
    %dma_start3A_24 = tpu.memref_slice %arg2[%dma_start3A_22, %dma_start3A_23] : memref<10240x128xf32, #tpu.memory_space<hbm>> -> memref<10240x128xf32, #tpu.memory_space<hbm>>
    tpu.enqueue_indirect_dma source(%dma_start3A_24 : memref<10240x128xf32, #tpu.memory_space<hbm>>) target(%dma_start3A_18 : memref<64x128xf32, #tpu.memory_space<vmem>>) offsets(%dma_start3A_21 : memref<64xi32, #tpu.memory_space<vmem>>) semaphore(%arg10 : memref<!tpu.dma_semaphore, #tpu.memory_space<semaphore_mem>>)
    %dma_start3A_25 = arith.constant 2 : i32
    %dma_start3A_26 = arith.constant 0 : i32
    %dma_start3A_27 = arith.constant 0 : i32
    %dma_start3A_28 = tpu.memref_slice %arg8[%dma_start3A_26, %dma_start3A_27] : memref<128x128xf32, #tpu.memory_space<vmem>> -> memref<64x128xf32, #tpu.memory_space<vmem>>
    %dma_start3A_29 = arith.constant 0 : i32
    %dma_start3A_30 = tpu.memref_slice %arg6[%dma_start3A_25, %dma_start3A_29] : memref<80x128xi32, #tpu.memory_space<vmem>> -> memref<1x64xi32, #tpu.memory_space<vmem>>
    %dma_start3A_31 = tpu.memref_squeeze %dma_start3A_30 : memref<1x64xi32, #tpu.memory_space<vmem>> -> memref<64xi32, #tpu.memory_space<vmem>>
    %dma_start3A_32 = arith.constant 0 : i32
    %dma_start3A_33 = arith.constant 0 : i32
    %dma_start3A_34 = tpu.memref_slice %arg2[%dma_start3A_32, %dma_start3A_33] : memref<10240x128xf32, #tpu.memory_space<hbm>> -> memref<10240x128xf32, #tpu.memory_space<hbm>>
    tpu.enqueue_indirect_dma source(%dma_start3A_34 : memref<10240x128xf32, #tpu.memory_space<hbm>>) target(%dma_start3A_28 : memref<64x128xf32, #tpu.memory_space<vmem>>) offsets(%dma_start3A_31 : memref<64xi32, #tpu.memory_space<vmem>>) semaphore(%arg11 : memref<!tpu.dma_semaphore, #tpu.memory_space<semaphore_mem>>)
    %dma_start3A_35 = arith.constant 2 : i32
    %dma_start3A_36 = arith.constant 64 : i32
    %dma_start3A_37 = arith.constant 0 : i32
    %dma_start3A_38 = tpu.memref_slice %arg8[%dma_start3A_36, %dma_start3A_37] : memref<128x128xf32, #tpu.memory_space<vmem>> -> memref<64x128xf32, #tpu.memory_space<vmem>>
    %dma_start3A_39 = arith.constant 64 : i32
    %dma_start3A_40 = tpu.memref_slice %arg6[%dma_start3A_35, %dma_start3A_39] : memref<80x128xi32, #tpu.memory_space<vmem>> -> memref<1x64xi32, #tpu.memory_space<vmem>>
    %dma_start3A_41 = tpu.memref_squeeze %dma_start3A_40 : memref<1x64xi32, #tpu.memory_space<vmem>> -> memref<64xi32, #tpu.memory_space<vmem>>
    %dma_start3A_42 = arith.constant 0 : i32
    %dma_start3A_43 = arith.constant 0 : i32
    %dma_start3A_44 = tpu.memref_slice %arg2[%dma_start3A_42, %dma_start3A_43] : memref<10240x128xf32, #tpu.memory_space<hbm>> -> memref<10240x128xf32, #tpu.memory_space<hbm>>
    tpu.enqueue_indirect_dma source(%dma_start3A_44 : memref<10240x128xf32, #tpu.memory_space<hbm>>) target(%dma_start3A_38 : memref<64x128xf32, #tpu.memory_space<vmem>>) offsets(%dma_start3A_41 : memref<64xi32, #tpu.memory_space<vmem>>) semaphore(%arg12 : memref<!tpu.dma_semaphore, #tpu.memory_space<semaphore_mem>>)
    %scan3A = arith.constant 0 : i32
    %scan3A_45 = arith.constant 0 : i32
    %scan3A_46 = arith.constant 20 : i32
    %scan3A_47 = arith.addi %scan3A_45, %scan3A_46 : i32
    %scan3A_48 = arith.constant 1 : i32
    scf.for %scan3A_110 = %scan3A_45 to %scan3A_47 step %scan3A_48  : i32 {
      %mul3A_111 = arith.constant 2 : i32
      %mul3A_112 = arith.muli %scan3A_110, %mul3A_111 : i32
      %add3A_113 = arith.constant 0 : i32
      %add3A_114 = arith.addi %mul3A_112, %add3A_113 : i32
      %mul3A_115 = arith.constant 2 : i32
      %mul3A_116 = arith.muli %mul3A_115, %add3A_114 : i32
      %mul3A_117 = arith.constant 2 : i32
      %mul3A_118 = arith.muli %mul3A_117, %add3A_114 : i32
      %dma_wait3A = arith.constant 0 : i32
      %dma_wait3A_119 = arith.constant 0 : i32
      %dma_wait3A_120 = tpu.memref_slice %arg7[%dma_wait3A, %dma_wait3A_119] : memref<128x128xf32, #tpu.memory_space<vmem>> -> memref<64x128xf32, #tpu.memory_space<vmem>>
      %dma_wait3A_121 = arith.constant 0 : i32
      %dma_wait3A_122 = tpu.memref_slice %arg6[%mul3A_116, %dma_wait3A_121] : memref<80x128xi32, #tpu.memory_space<vmem>> -> memref<1x64xi32, #tpu.memory_space<vmem>>
      %dma_wait3A_123 = tpu.memref_squeeze %dma_wait3A_122 : memref<1x64xi32, #tpu.memory_space<vmem>> -> memref<64xi32, #tpu.memory_space<vmem>>
      %dma_wait3A_124 = arith.constant 0 : i32
      %dma_wait3A_125 = arith.constant 0 : i32
      %dma_wait3A_126 = tpu.memref_slice %arg2[%dma_wait3A_124, %dma_wait3A_125] : memref<10240x128xf32, #tpu.memory_space<hbm>> -> memref<10240x128xf32, #tpu.memory_space<hbm>>
      tpu.wait_indirect_dma semaphore(%arg9 : memref<!tpu.dma_semaphore, #tpu.memory_space<semaphore_mem>>) src(%dma_wait3A_126 : memref<10240x128xf32, #tpu.memory_space<hbm>>) dst(%dma_wait3A_120 : memref<64x128xf32, #tpu.memory_space<vmem>>)
      %dma_wait3A_127 = arith.constant 64 : i32
      %dma_wait3A_128 = arith.constant 0 : i32
      %dma_wait3A_129 = tpu.memref_slice %arg7[%dma_wait3A_127, %dma_wait3A_128] : memref<128x128xf32, #tpu.memory_space<vmem>> -> memref<64x128xf32, #tpu.memory_space<vmem>>
      %dma_wait3A_130 = arith.constant 64 : i32
      %dma_wait3A_131 = tpu.memref_slice %arg6[%mul3A_118, %dma_wait3A_130] : memref<80x128xi32, #tpu.memory_space<vmem>> -> memref<1x64xi32, #tpu.memory_space<vmem>>
      %dma_wait3A_132 = tpu.memref_squeeze %dma_wait3A_131 : memref<1x64xi32, #tpu.memory_space<vmem>> -> memref<64xi32, #tpu.memory_space<vmem>>
      %dma_wait3A_133 = arith.constant 0 : i32
      %dma_wait3A_134 = arith.constant 0 : i32
      %dma_wait3A_135 = tpu.memref_slice %arg2[%dma_wait3A_133, %dma_wait3A_134] : memref<10240x128xf32, #tpu.memory_space<hbm>> -> memref<10240x128xf32, #tpu.memory_space<hbm>>
      tpu.wait_indirect_dma semaphore(%arg10 : memref<!tpu.dma_semaphore, #tpu.memory_space<semaphore_mem>>) src(%dma_wait3A_135 : memref<10240x128xf32, #tpu.memory_space<hbm>>) dst(%dma_wait3A_129 : memref<64x128xf32, #tpu.memory_space<vmem>>)
      %mul3A_136 = arith.constant 2 : i32
      %mul3A_137 = arith.muli %mul3A_136, %add3A_114 : i32
      %add3A_138 = arith.constant 1 : i32
      %add3A_139 = arith.addi %mul3A_137, %add3A_138 : i32
      "tpu.region"() ({
        %run_scoped3A = tpu.sem_alloc : memref<!tpu.dma_semaphore, #tpu.memory_space<semaphore_mem>>
        %dma_start3A_175 = arith.constant 0 : i32
        %dma_start3A_176 = tpu.memref_slice %arg6[%add3A_139, %dma_start3A_175] : memref<80x128xi32, #tpu.memory_space<vmem>> -> memref<1x128xi32, #tpu.memory_space<vmem>>
        %dma_start3A_177 = tpu.memref_squeeze %dma_start3A_176 : memref<1x128xi32, #tpu.memory_space<vmem>> -> memref<128xi32, #tpu.memory_space<vmem>>
        %dma_start3A_178 = arith.constant 0 : i32
        %dma_start3A_179 = arith.constant 0 : i32
        %dma_start3A_180 = tpu.memref_slice %arg13[%dma_start3A_178, %dma_start3A_179] : memref<10240x128xf32, #tpu.memory_space<vmem_shared>> -> memref<10240x128xf32, #tpu.memory_space<vmem_shared>>
        tpu.enqueue_indirect_dma source(%arg7 : memref<128x128xf32, #tpu.memory_space<vmem>>) target(%dma_start3A_180 : memref<10240x128xf32, #tpu.memory_space<vmem_shared>>) offsets(%dma_start3A_177 : memref<128xi32, #tpu.memory_space<vmem>>) semaphore(%run_scoped3A : memref<!tpu.dma_semaphore, #tpu.memory_space<semaphore_mem>>) {add = true}
        %dma_wait3A_181 = arith.constant 0 : i32
        %dma_wait3A_182 = tpu.memref_slice %arg6[%add3A_139, %dma_wait3A_181] : memref<80x128xi32, #tpu.memory_space<vmem>> -> memref<1x128xi32, #tpu.memory_space<vmem>>
        %dma_wait3A_183 = tpu.memref_squeeze %dma_wait3A_182 : memref<1x128xi32, #tpu.memory_space<vmem>> -> memref<128xi32, #tpu.memory_space<vmem>>
        %dma_wait3A_184 = arith.constant 0 : i32
        %dma_wait3A_185 = arith.constant 0 : i32
        %dma_wait3A_186 = tpu.memref_slice %arg13[%dma_wait3A_184, %dma_wait3A_185] : memref<10240x128xf32, #tpu.memory_space<vmem_shared>> -> memref<10240x128xf32, #tpu.memory_space<vmem_shared>>
        tpu.wait_indirect_dma semaphore(%run_scoped3A : memref<!tpu.dma_semaphore, #tpu.memory_space<semaphore_mem>>) src(%arg7 : memref<128x128xf32, #tpu.memory_space<vmem>>) dst(%dma_wait3A_186 : memref<10240x128xf32, #tpu.memory_space<vmem_shared>>)
        tpu.yield
      }) : () -> ()
      %lt3A = arith.constant 19 : i32
      %lt3A_140 = arith.cmpi slt, %scan3A_110, %lt3A : i32
      %convert_element_type3A = arith.extui %lt3A_140 : i1 to i32
      %cond3A = arith.constant 0 : i32
      %cond3A_141 = arith.cmpi ne, %convert_element_type3A, %cond3A : i32
      scf.if %cond3A_141 {
        %add3A_175 = arith.constant 2 : i32
        %add3A_176 = arith.addi %add3A_114, %add3A_175 : i32
        %mul3A_177 = arith.constant 2 : i32
        %mul3A_178 = arith.muli %mul3A_177, %add3A_176 : i32
        %mul3A_179 = arith.constant 2 : i32
        %mul3A_180 = arith.muli %mul3A_179, %add3A_176 : i32
        %dma_start3A_181 = arith.constant 0 : i32
        %dma_start3A_182 = arith.constant 0 : i32
        %dma_start3A_183 = tpu.memref_slice %arg7[%dma_start3A_181, %dma_start3A_182] : memref<128x128xf32, #tpu.memory_space<vmem>> -> memref<64x128xf32, #tpu.memory_space<vmem>>
        %dma_start3A_184 = arith.constant 0 : i32
        %dma_start3A_185 = tpu.memref_slice %arg6[%mul3A_178, %dma_start3A_184] : memref<80x128xi32, #tpu.memory_space<vmem>> -> memref<1x64xi32, #tpu.memory_space<vmem>>
        %dma_start3A_186 = tpu.memref_squeeze %dma_start3A_185 : memref<1x64xi32, #tpu.memory_space<vmem>> -> memref<64xi32, #tpu.memory_space<vmem>>
        %dma_start3A_187 = arith.constant 0 : i32
        %dma_start3A_188 = arith.constant 0 : i32
        %dma_start3A_189 = tpu.memref_slice %arg2[%dma_start3A_187, %dma_start3A_188] : memref<10240x128xf32, #tpu.memory_space<hbm>> -> memref<10240x128xf32, #tpu.memory_space<hbm>>
        tpu.enqueue_indirect_dma source(%dma_start3A_189 : memref<10240x128xf32, #tpu.memory_space<hbm>>) target(%dma_start3A_183 : memref<64x128xf32, #tpu.memory_space<vmem>>) offsets(%dma_start3A_186 : memref<64xi32, #tpu.memory_space<vmem>>) semaphore(%arg9 : memref<!tpu.dma_semaphore, #tpu.memory_space<semaphore_mem>>)
        %dma_start3A_190 = arith.constant 64 : i32
        %dma_start3A_191 = arith.constant 0 : i32
        %dma_start3A_192 = tpu.memref_slice %arg7[%dma_start3A_190, %dma_start3A_191] : memref<128x128xf32, #tpu.memory_space<vmem>> -> memref<64x128xf32, #tpu.memory_space<vmem>>
        %dma_start3A_193 = arith.constant 64 : i32
        %dma_start3A_194 = tpu.memref_slice %arg6[%mul3A_180, %dma_start3A_193] : memref<80x128xi32, #tpu.memory_space<vmem>> -> memref<1x64xi32, #tpu.memory_space<vmem>>
        %dma_start3A_195 = tpu.memref_squeeze %dma_start3A_194 : memref<1x64xi32, #tpu.memory_space<vmem>> -> memref<64xi32, #tpu.memory_space<vmem>>
        %dma_start3A_196 = arith.constant 0 : i32
        %dma_start3A_197 = arith.constant 0 : i32
        %dma_start3A_198 = tpu.memref_slice %arg2[%dma_start3A_196, %dma_start3A_197] : memref<10240x128xf32, #tpu.memory_space<hbm>> -> memref<10240x128xf32, #tpu.memory_space<hbm>>
        tpu.enqueue_indirect_dma source(%dma_start3A_198 : memref<10240x128xf32, #tpu.memory_space<hbm>>) target(%dma_start3A_192 : memref<64x128xf32, #tpu.memory_space<vmem>>) offsets(%dma_start3A_195 : memref<64xi32, #tpu.memory_space<vmem>>) semaphore(%arg10 : memref<!tpu.dma_semaphore, #tpu.memory_space<semaphore_mem>>)
      } else {
      }
      %add3A_142 = arith.constant 1 : i32
      %add3A_143 = arith.addi %mul3A_112, %add3A_142 : i32
      %mul3A_144 = arith.constant 2 : i32
      %mul3A_145 = arith.muli %mul3A_144, %add3A_143 : i32
      %mul3A_146 = arith.constant 2 : i32
      %mul3A_147 = arith.muli %mul3A_146, %add3A_143 : i32
      %dma_wait3A_148 = arith.constant 0 : i32
      %dma_wait3A_149 = arith.constant 0 : i32
      %dma_wait3A_150 = tpu.memref_slice %arg8[%dma_wait3A_148, %dma_wait3A_149] : memref<128x128xf32, #tpu.memory_space<vmem>> -> memref<64x128xf32, #tpu.memory_space<vmem>>
      %dma_wait3A_151 = arith.constant 0 : i32
      %dma_wait3A_152 = tpu.memref_slice %arg6[%mul3A_145, %dma_wait3A_151] : memref<80x128xi32, #tpu.memory_space<vmem>> -> memref<1x64xi32, #tpu.memory_space<vmem>>
      %dma_wait3A_153 = tpu.memref_squeeze %dma_wait3A_152 : memref<1x64xi32, #tpu.memory_space<vmem>> -> memref<64xi32, #tpu.memory_space<vmem>>
      %dma_wait3A_154 = arith.constant 0 : i32
      %dma_wait3A_155 = arith.constant 0 : i32
      %dma_wait3A_156 = tpu.memref_slice %arg2[%dma_wait3A_154, %dma_wait3A_155] : memref<10240x128xf32, #tpu.memory_space<hbm>> -> memref<10240x128xf32, #tpu.memory_space<hbm>>
      tpu.wait_indirect_dma semaphore(%arg11 : memref<!tpu.dma_semaphore, #tpu.memory_space<semaphore_mem>>) src(%dma_wait3A_156 : memref<10240x128xf32, #tpu.memory_space<hbm>>) dst(%dma_wait3A_150 : memref<64x128xf32, #tpu.memory_space<vmem>>)
      %dma_wait3A_157 = arith.constant 64 : i32
      %dma_wait3A_158 = arith.constant 0 : i32
      %dma_wait3A_159 = tpu.memref_slice %arg8[%dma_wait3A_157, %dma_wait3A_158] : memref<128x128xf32, #tpu.memory_space<vmem>> -> memref<64x128xf32, #tpu.memory_space<vmem>>
      %dma_wait3A_160 = arith.constant 64 : i32
      %dma_wait3A_161 = tpu.memref_slice %arg6[%mul3A_147, %dma_wait3A_160] : memref<80x128xi32, #tpu.memory_space<vmem>> -> memref<1x64xi32, #tpu.memory_space<vmem>>
      %dma_wait3A_162 = tpu.memref_squeeze %dma_wait3A_161 : memref<1x64xi32, #tpu.memory_space<vmem>> -> memref<64xi32, #tpu.memory_space<vmem>>
      %dma_wait3A_163 = arith.constant 0 : i32
      %dma_wait3A_164 = arith.constant 0 : i32
      %dma_wait3A_165 = tpu.memref_slice %arg2[%dma_wait3A_163, %dma_wait3A_164] : memref<10240x128xf32, #tpu.memory_space<hbm>> -> memref<10240x128xf32, #tpu.memory_space<hbm>>
      tpu.wait_indirect_dma semaphore(%arg12 : memref<!tpu.dma_semaphore, #tpu.memory_space<semaphore_mem>>) src(%dma_wait3A_165 : memref<10240x128xf32, #tpu.memory_space<hbm>>) dst(%dma_wait3A_159 : memref<64x128xf32, #tpu.memory_space<vmem>>)
      %mul3A_166 = arith.constant 2 : i32
      %mul3A_167 = arith.muli %mul3A_166, %add3A_143 : i32
      %add3A_168 = arith.constant 1 : i32
      %add3A_169 = arith.addi %mul3A_167, %add3A_168 : i32
      "tpu.region"() ({
        %run_scoped3A = tpu.sem_alloc : memref<!tpu.dma_semaphore, #tpu.memory_space<semaphore_mem>>
        %dma_start3A_175 = arith.constant 0 : i32
        %dma_start3A_176 = tpu.memref_slice %arg6[%add3A_169, %dma_start3A_175] : memref<80x128xi32, #tpu.memory_space<vmem>> -> memref<1x128xi32, #tpu.memory_space<vmem>>
        %dma_start3A_177 = tpu.memref_squeeze %dma_start3A_176 : memref<1x128xi32, #tpu.memory_space<vmem>> -> memref<128xi32, #tpu.memory_space<vmem>>
        %dma_start3A_178 = arith.constant 0 : i32
        %dma_start3A_179 = arith.constant 0 : i32
        %dma_start3A_180 = tpu.memref_slice %arg13[%dma_start3A_178, %dma_start3A_179] : memref<10240x128xf32, #tpu.memory_space<vmem_shared>> -> memref<10240x128xf32, #tpu.memory_space<vmem_shared>>
        tpu.enqueue_indirect_dma source(%arg8 : memref<128x128xf32, #tpu.memory_space<vmem>>) target(%dma_start3A_180 : memref<10240x128xf32, #tpu.memory_space<vmem_shared>>) offsets(%dma_start3A_177 : memref<128xi32, #tpu.memory_space<vmem>>) semaphore(%run_scoped3A : memref<!tpu.dma_semaphore, #tpu.memory_space<semaphore_mem>>) {add = true}
        %dma_wait3A_181 = arith.constant 0 : i32
        %dma_wait3A_182 = tpu.memref_slice %arg6[%add3A_169, %dma_wait3A_181] : memref<80x128xi32, #tpu.memory_space<vmem>> -> memref<1x128xi32, #tpu.memory_space<vmem>>
        %dma_wait3A_183 = tpu.memref_squeeze %dma_wait3A_182 : memref<1x128xi32, #tpu.memory_space<vmem>> -> memref<128xi32, #tpu.memory_space<vmem>>
        %dma_wait3A_184 = arith.constant 0 : i32
        %dma_wait3A_185 = arith.constant 0 : i32
        %dma_wait3A_186 = tpu.memref_slice %arg13[%dma_wait3A_184, %dma_wait3A_185] : memref<10240x128xf32, #tpu.memory_space<vmem_shared>> -> memref<10240x128xf32, #tpu.memory_space<vmem_shared>>
        tpu.wait_indirect_dma semaphore(%run_scoped3A : memref<!tpu.dma_semaphore, #tpu.memory_space<semaphore_mem>>) src(%arg8 : memref<128x128xf32, #tpu.memory_space<vmem>>) dst(%dma_wait3A_186 : memref<10240x128xf32, #tpu.memory_space<vmem_shared>>)
        tpu.yield
      }) : () -> ()
      %lt3A_170 = arith.constant 19 : i32
      %lt3A_171 = arith.cmpi slt, %scan3A_110, %lt3A_170 : i32
      %convert_element_type3A_172 = arith.extui %lt3A_171 : i1 to i32
      %cond3A_173 = arith.constant 0 : i32
      %cond3A_174 = arith.cmpi ne, %convert_element_type3A_172, %cond3A_173 : i32
      scf.if %cond3A_174 {
        %add3A_175 = arith.constant 2 : i32
        %add3A_176 = arith.addi %add3A_143, %add3A_175 : i32
        %mul3A_177 = arith.constant 2 : i32
        %mul3A_178 = arith.muli %mul3A_177, %add3A_176 : i32
        %mul3A_179 = arith.constant 2 : i32
        %mul3A_180 = arith.muli %mul3A_179, %add3A_176 : i32
        %dma_start3A_181 = arith.constant 0 : i32
        %dma_start3A_182 = arith.constant 0 : i32
        %dma_start3A_183 = tpu.memref_slice %arg8[%dma_start3A_181, %dma_start3A_182] : memref<128x128xf32, #tpu.memory_space<vmem>> -> memref<64x128xf32, #tpu.memory_space<vmem>>
        %dma_start3A_184 = arith.constant 0 : i32
        %dma_start3A_185 = tpu.memref_slice %arg6[%mul3A_178, %dma_start3A_184] : memref<80x128xi32, #tpu.memory_space<vmem>> -> memref<1x64xi32, #tpu.memory_space<vmem>>
        %dma_start3A_186 = tpu.memref_squeeze %dma_start3A_185 : memref<1x64xi32, #tpu.memory_space<vmem>> -> memref<64xi32, #tpu.memory_space<vmem>>
        %dma_start3A_187 = arith.constant 0 : i32
        %dma_start3A_188 = arith.constant 0 : i32
        %dma_start3A_189 = tpu.memref_slice %arg2[%dma_start3A_187, %dma_start3A_188] : memref<10240x128xf32, #tpu.memory_space<hbm>> -> memref<10240x128xf32, #tpu.memory_space<hbm>>
        tpu.enqueue_indirect_dma source(%dma_start3A_189 : memref<10240x128xf32, #tpu.memory_space<hbm>>) target(%dma_start3A_183 : memref<64x128xf32, #tpu.memory_space<vmem>>) offsets(%dma_start3A_186 : memref<64xi32, #tpu.memory_space<vmem>>) semaphore(%arg11 : memref<!tpu.dma_semaphore, #tpu.memory_space<semaphore_mem>>)
        %dma_start3A_190 = arith.constant 64 : i32
        %dma_start3A_191 = arith.constant 0 : i32
        %dma_start3A_192 = tpu.memref_slice %arg8[%dma_start3A_190, %dma_start3A_191] : memref<128x128xf32, #tpu.memory_space<vmem>> -> memref<64x128xf32, #tpu.memory_space<vmem>>
        %dma_start3A_193 = arith.constant 64 : i32
        %dma_start3A_194 = tpu.memref_slice %arg6[%mul3A_180, %dma_start3A_193] : memref<80x128xi32, #tpu.memory_space<vmem>> -> memref<1x64xi32, #tpu.memory_space<vmem>>
        %dma_start3A_195 = tpu.memref_squeeze %dma_start3A_194 : memref<1x64xi32, #tpu.memory_space<vmem>> -> memref<64xi32, #tpu.memory_space<vmem>>
        %dma_start3A_196 = arith.constant 0 : i32
        %dma_start3A_197 = arith.constant 0 : i32
        %dma_start3A_198 = tpu.memref_slice %arg2[%dma_start3A_196, %dma_start3A_197] : memref<10240x128xf32, #tpu.memory_space<hbm>> -> memref<10240x128xf32, #tpu.memory_space<hbm>>
        tpu.enqueue_indirect_dma source(%dma_start3A_198 : memref<10240x128xf32, #tpu.memory_space<hbm>>) target(%dma_start3A_192 : memref<64x128xf32, #tpu.memory_space<vmem>>) offsets(%dma_start3A_195 : memref<64xi32, #tpu.memory_space<vmem>>) semaphore(%arg12 : memref<!tpu.dma_semaphore, #tpu.memory_space<semaphore_mem>>)
      } else {
      }
    }
    %scan3A_49 = arith.constant 20 : i32
    %mul3A_50 = arith.constant 80 : i32
    %mul3A_51 = arith.muli %arg0, %mul3A_50 : i32
    %mul3A_52 = arith.constant 2 : i32
    %mul3A_53 = arith.muli %mul3A_51, %mul3A_52 : i32
    %add3A_54 = arith.constant 80 : i32
    %add3A_55 = arith.addi %mul3A_53, %add3A_54 : i32
    "tpu.region"() ({
      %run_scoped3A = tpu.sem_alloc : memref<!tpu.dma_semaphore, #tpu.memory_space<semaphore_mem>>
      %dma_start3A_110 = arith.constant 0 : i32
      %dma_start3A_111 = tpu.memref_slice %arg3[%arg1, %add3A_55, %dma_start3A_110] : memref<16x320x128xi32, #tpu.memory_space<hbm>> -> memref<1x80x128xi32, #tpu.memory_space<hbm>>
      %dma_start3A_112 = tpu.memref_squeeze %dma_start3A_111 : memref<1x80x128xi32, #tpu.memory_space<hbm>> -> memref<80x128xi32, #tpu.memory_space<hbm>>
      %dma_start3A_113 = arith.constant 0 : i32
      %dma_start3A_114 = tpu.memref_slice %arg3[%arg1, %add3A_55, %dma_start3A_113] : memref<16x320x128xi32, #tpu.memory_space<hbm>> -> memref<1x80x128xi32, #tpu.memory_space<hbm>>
      %dma_start3A_115 = tpu.memref_squeeze %dma_start3A_114 : memref<1x80x128xi32, #tpu.memory_space<hbm>> -> memref<80x128xi32, #tpu.memory_space<hbm>>
      tpu.enqueue_dma source(%dma_start3A_115 : memref<80x128xi32, #tpu.memory_space<hbm>>) target(%arg6 : memref<80x128xi32, #tpu.memory_space<vmem>>) target_semaphore(%run_scoped3A : memref<!tpu.dma_semaphore, #tpu.memory_space<semaphore_mem>>)
      %dma_wait3A = arith.constant 0 : i32
      %dma_wait3A_116 = tpu.memref_slice %arg3[%arg1, %add3A_55, %dma_wait3A] : memref<16x320x128xi32, #tpu.memory_space<hbm>> -> memref<1x80x128xi32, #tpu.memory_space<hbm>>
      %dma_wait3A_117 = tpu.memref_squeeze %dma_wait3A_116 : memref<1x80x128xi32, #tpu.memory_space<hbm>> -> memref<80x128xi32, #tpu.memory_space<hbm>>
      %dma_wait3A_118 = arith.constant 0 : i32
      %dma_wait3A_119 = tpu.memref_slice %arg3[%arg1, %add3A_55, %dma_wait3A_118] : memref<16x320x128xi32, #tpu.memory_space<hbm>> -> memref<1x80x128xi32, #tpu.memory_space<hbm>>
      %dma_wait3A_120 = tpu.memref_squeeze %dma_wait3A_119 : memref<1x80x128xi32, #tpu.memory_space<hbm>> -> memref<80x128xi32, #tpu.memory_space<hbm>>
      tpu.wait_dma2 semaphore(%run_scoped3A : memref<!tpu.dma_semaphore, #tpu.memory_space<semaphore_mem>>) src(%dma_wait3A_120 : memref<80x128xi32, #tpu.memory_space<hbm>>) dst(%arg6 : memref<80x128xi32, #tpu.memory_space<vmem>>)
      tpu.yield
    }) : () -> ()
    %dma_start3A_56 = arith.constant 0 : i32
    %dma_start3A_57 = arith.constant 0 : i32
    %dma_start3A_58 = arith.constant 0 : i32
    %dma_start3A_59 = tpu.memref_slice %arg7[%dma_start3A_57, %dma_start3A_58] : memref<128x128xf32, #tpu.memory_space<vmem>> -> memref<64x128xf32, #tpu.memory_space<vmem>>
    %dma_start3A_60 = arith.constant 0 : i32
    %dma_start3A_61 = tpu.memref_slice %arg6[%dma_start3A_56, %dma_start3A_60] : memref<80x128xi32, #tpu.memory_space<vmem>> -> memref<1x64xi32, #tpu.memory_space<vmem>>
    %dma_start3A_62 = tpu.memref_squeeze %dma_start3A_61 : memref<1x64xi32, #tpu.memory_space<vmem>> -> memref<64xi32, #tpu.memory_space<vmem>>
    %dma_start3A_63 = arith.constant 0 : i32
    %dma_start3A_64 = arith.constant 0 : i32
    %dma_start3A_65 = tpu.memref_slice %arg2[%dma_start3A_63, %dma_start3A_64] : memref<10240x128xf32, #tpu.memory_space<hbm>> -> memref<10240x128xf32, #tpu.memory_space<hbm>>
    tpu.enqueue_indirect_dma source(%dma_start3A_65 : memref<10240x128xf32, #tpu.memory_space<hbm>>) target(%dma_start3A_59 : memref<64x128xf32, #tpu.memory_space<vmem>>) offsets(%dma_start3A_62 : memref<64xi32, #tpu.memory_space<vmem>>) semaphore(%arg9 : memref<!tpu.dma_semaphore, #tpu.memory_space<semaphore_mem>>)
    %dma_start3A_66 = arith.constant 0 : i32
    %dma_start3A_67 = arith.constant 64 : i32
    %dma_start3A_68 = arith.constant 0 : i32
    %dma_start3A_69 = tpu.memref_slice %arg7[%dma_start3A_67, %dma_start3A_68] : memref<128x128xf32, #tpu.memory_space<vmem>> -> memref<64x128xf32, #tpu.memory_space<vmem>>
    %dma_start3A_70 = arith.constant 64 : i32
    %dma_start3A_71 = tpu.memref_slice %arg6[%dma_start3A_66, %dma_start3A_70] : memref<80x128xi32, #tpu.memory_space<vmem>> -> memref<1x64xi32, #tpu.memory_space<vmem>>
    %dma_start3A_72 = tpu.memref_squeeze %dma_start3A_71 : memref<1x64xi32, #tpu.memory_space<vmem>> -> memref<64xi32, #tpu.memory_space<vmem>>
    %dma_start3A_73 = arith.constant 0 : i32
    %dma_start3A_74 = arith.constant 0 : i32
    %dma_start3A_75 = tpu.memref_slice %arg2[%dma_start3A_73, %dma_start3A_74] : memref<10240x128xf32, #tpu.memory_space<hbm>> -> memref<10240x128xf32, #tpu.memory_space<hbm>>
    tpu.enqueue_indirect_dma source(%dma_start3A_75 : memref<10240x128xf32, #tpu.memory_space<hbm>>) target(%dma_start3A_69 : memref<64x128xf32, #tpu.memory_space<vmem>>) offsets(%dma_start3A_72 : memref<64xi32, #tpu.memory_space<vmem>>) semaphore(%arg10 : memref<!tpu.dma_semaphore, #tpu.memory_space<semaphore_mem>>)
    %dma_start3A_76 = arith.constant 2 : i32
    %dma_start3A_77 = arith.constant 0 : i32
    %dma_start3A_78 = arith.constant 0 : i32
    %dma_start3A_79 = tpu.memref_slice %arg8[%dma_start3A_77, %dma_start3A_78] : memref<128x128xf32, #tpu.memory_space<vmem>> -> memref<64x128xf32, #tpu.memory_space<vmem>>
    %dma_start3A_80 = arith.constant 0 : i32
    %dma_start3A_81 = tpu.memref_slice %arg6[%dma_start3A_76, %dma_start3A_80] : memref<80x128xi32, #tpu.memory_space<vmem>> -> memref<1x64xi32, #tpu.memory_space<vmem>>
    %dma_start3A_82 = tpu.memref_squeeze %dma_start3A_81 : memref<1x64xi32, #tpu.memory_space<vmem>> -> memref<64xi32, #tpu.memory_space<vmem>>
    %dma_start3A_83 = arith.constant 0 : i32
    %dma_start3A_84 = arith.constant 0 : i32
    %dma_start3A_85 = tpu.memref_slice %arg2[%dma_start3A_83, %dma_start3A_84] : memref<10240x128xf32, #tpu.memory_space<hbm>> -> memref<10240x128xf32, #tpu.memory_space<hbm>>
    tpu.enqueue_indirect_dma source(%dma_start3A_85 : memref<10240x128xf32, #tpu.memory_space<hbm>>) target(%dma_start3A_79 : memref<64x128xf32, #tpu.memory_space<vmem>>) offsets(%dma_start3A_82 : memref<64xi32, #tpu.memory_space<vmem>>) semaphore(%arg11 : memref<!tpu.dma_semaphore, #tpu.memory_space<semaphore_mem>>)
    %dma_start3A_86 = arith.constant 2 : i32
    %dma_start3A_87 = arith.constant 64 : i32
    %dma_start3A_88 = arith.constant 0 : i32
    %dma_start3A_89 = tpu.memref_slice %arg8[%dma_start3A_87, %dma_start3A_88] : memref<128x128xf32, #tpu.memory_space<vmem>> -> memref<64x128xf32, #tpu.memory_space<vmem>>
    %dma_start3A_90 = arith.constant 64 : i32
    %dma_start3A_91 = tpu.memref_slice %arg6[%dma_start3A_86, %dma_start3A_90] : memref<80x128xi32, #tpu.memory_space<vmem>> -> memref<1x64xi32, #tpu.memory_space<vmem>>
    %dma_start3A_92 = tpu.memref_squeeze %dma_start3A_91 : memref<1x64xi32, #tpu.memory_space<vmem>> -> memref<64xi32, #tpu.memory_space<vmem>>
    %dma_start3A_93 = arith.constant 0 : i32
    %dma_start3A_94 = arith.constant 0 : i32
    %dma_start3A_95 = tpu.memref_slice %arg2[%dma_start3A_93, %dma_start3A_94] : memref<10240x128xf32, #tpu.memory_space<hbm>> -> memref<10240x128xf32, #tpu.memory_space<hbm>>
    tpu.enqueue_indirect_dma source(%dma_start3A_95 : memref<10240x128xf32, #tpu.memory_space<hbm>>) target(%dma_start3A_89 : memref<64x128xf32, #tpu.memory_space<vmem>>) offsets(%dma_start3A_92 : memref<64xi32, #tpu.memory_space<vmem>>) semaphore(%arg12 : memref<!tpu.dma_semaphore, #tpu.memory_space<semaphore_mem>>)
    %scan3A_96 = arith.constant 0 : i32
    %scan3A_97 = arith.constant 0 : i32
    %scan3A_98 = arith.constant 20 : i32
    %scan3A_99 = arith.addi %scan3A_97, %scan3A_98 : i32
    %scan3A_100 = arith.constant 1 : i32
    scf.for %scan3A_110 = %scan3A_97 to %scan3A_99 step %scan3A_100  : i32 {
      %mul3A_111 = arith.constant 2 : i32
      %mul3A_112 = arith.muli %scan3A_110, %mul3A_111 : i32
      %add3A_113 = arith.constant 0 : i32
      %add3A_114 = arith.addi %mul3A_112, %add3A_113 : i32
      %mul3A_115 = arith.constant 2 : i32
      %mul3A_116 = arith.muli %mul3A_115, %add3A_114 : i32
      %mul3A_117 = arith.constant 2 : i32
      %mul3A_118 = arith.muli %mul3A_117, %add3A_114 : i32
      %dma_wait3A = arith.constant 0 : i32
      %dma_wait3A_119 = arith.constant 0 : i32
      %dma_wait3A_120 = tpu.memref_slice %arg7[%dma_wait3A, %dma_wait3A_119] : memref<128x128xf32, #tpu.memory_space<vmem>> -> memref<64x128xf32, #tpu.memory_space<vmem>>
      %dma_wait3A_121 = arith.constant 0 : i32
      %dma_wait3A_122 = tpu.memref_slice %arg6[%mul3A_116, %dma_wait3A_121] : memref<80x128xi32, #tpu.memory_space<vmem>> -> memref<1x64xi32, #tpu.memory_space<vmem>>
      %dma_wait3A_123 = tpu.memref_squeeze %dma_wait3A_122 : memref<1x64xi32, #tpu.memory_space<vmem>> -> memref<64xi32, #tpu.memory_space<vmem>>
      %dma_wait3A_124 = arith.constant 0 : i32
      %dma_wait3A_125 = arith.constant 0 : i32
      %dma_wait3A_126 = tpu.memref_slice %arg2[%dma_wait3A_124, %dma_wait3A_125] : memref<10240x128xf32, #tpu.memory_space<hbm>> -> memref<10240x128xf32, #tpu.memory_space<hbm>>
      tpu.wait_indirect_dma semaphore(%arg9 : memref<!tpu.dma_semaphore, #tpu.memory_space<semaphore_mem>>) src(%dma_wait3A_126 : memref<10240x128xf32, #tpu.memory_space<hbm>>) dst(%dma_wait3A_120 : memref<64x128xf32, #tpu.memory_space<vmem>>)
      %dma_wait3A_127 = arith.constant 64 : i32
      %dma_wait3A_128 = arith.constant 0 : i32
      %dma_wait3A_129 = tpu.memref_slice %arg7[%dma_wait3A_127, %dma_wait3A_128] : memref<128x128xf32, #tpu.memory_space<vmem>> -> memref<64x128xf32, #tpu.memory_space<vmem>>
      %dma_wait3A_130 = arith.constant 64 : i32
      %dma_wait3A_131 = tpu.memref_slice %arg6[%mul3A_118, %dma_wait3A_130] : memref<80x128xi32, #tpu.memory_space<vmem>> -> memref<1x64xi32, #tpu.memory_space<vmem>>
      %dma_wait3A_132 = tpu.memref_squeeze %dma_wait3A_131 : memref<1x64xi32, #tpu.memory_space<vmem>> -> memref<64xi32, #tpu.memory_space<vmem>>
      %dma_wait3A_133 = arith.constant 0 : i32
      %dma_wait3A_134 = arith.constant 0 : i32
      %dma_wait3A_135 = tpu.memref_slice %arg2[%dma_wait3A_133, %dma_wait3A_134] : memref<10240x128xf32, #tpu.memory_space<hbm>> -> memref<10240x128xf32, #tpu.memory_space<hbm>>
      tpu.wait_indirect_dma semaphore(%arg10 : memref<!tpu.dma_semaphore, #tpu.memory_space<semaphore_mem>>) src(%dma_wait3A_135 : memref<10240x128xf32, #tpu.memory_space<hbm>>) dst(%dma_wait3A_129 : memref<64x128xf32, #tpu.memory_space<vmem>>)
      %mul3A_136 = arith.constant 2 : i32
      %mul3A_137 = arith.muli %mul3A_136, %add3A_114 : i32
      %add3A_138 = arith.constant 1 : i32
      %add3A_139 = arith.addi %mul3A_137, %add3A_138 : i32
      "tpu.region"() ({
        %run_scoped3A = tpu.sem_alloc : memref<!tpu.dma_semaphore, #tpu.memory_space<semaphore_mem>>
        %dma_start3A_175 = arith.constant 0 : i32
        %dma_start3A_176 = tpu.memref_slice %arg6[%add3A_139, %dma_start3A_175] : memref<80x128xi32, #tpu.memory_space<vmem>> -> memref<1x128xi32, #tpu.memory_space<vmem>>
        %dma_start3A_177 = tpu.memref_squeeze %dma_start3A_176 : memref<1x128xi32, #tpu.memory_space<vmem>> -> memref<128xi32, #tpu.memory_space<vmem>>
        %dma_start3A_178 = arith.constant 0 : i32
        %dma_start3A_179 = arith.constant 0 : i32
        %dma_start3A_180 = tpu.memref_slice %arg13[%dma_start3A_178, %dma_start3A_179] : memref<10240x128xf32, #tpu.memory_space<vmem_shared>> -> memref<10240x128xf32, #tpu.memory_space<vmem_shared>>
        tpu.enqueue_indirect_dma source(%arg7 : memref<128x128xf32, #tpu.memory_space<vmem>>) target(%dma_start3A_180 : memref<10240x128xf32, #tpu.memory_space<vmem_shared>>) offsets(%dma_start3A_177 : memref<128xi32, #tpu.memory_space<vmem>>) semaphore(%run_scoped3A : memref<!tpu.dma_semaphore, #tpu.memory_space<semaphore_mem>>) {add = true}
        %dma_wait3A_181 = arith.constant 0 : i32
        %dma_wait3A_182 = tpu.memref_slice %arg6[%add3A_139, %dma_wait3A_181] : memref<80x128xi32, #tpu.memory_space<vmem>> -> memref<1x128xi32, #tpu.memory_space<vmem>>
        %dma_wait3A_183 = tpu.memref_squeeze %dma_wait3A_182 : memref<1x128xi32, #tpu.memory_space<vmem>> -> memref<128xi32, #tpu.memory_space<vmem>>
        %dma_wait3A_184 = arith.constant 0 : i32
        %dma_wait3A_185 = arith.constant 0 : i32
        %dma_wait3A_186 = tpu.memref_slice %arg13[%dma_wait3A_184, %dma_wait3A_185] : memref<10240x128xf32, #tpu.memory_space<vmem_shared>> -> memref<10240x128xf32, #tpu.memory_space<vmem_shared>>
        tpu.wait_indirect_dma semaphore(%run_scoped3A : memref<!tpu.dma_semaphore, #tpu.memory_space<semaphore_mem>>) src(%arg7 : memref<128x128xf32, #tpu.memory_space<vmem>>) dst(%dma_wait3A_186 : memref<10240x128xf32, #tpu.memory_space<vmem_shared>>)
        tpu.yield
      }) : () -> ()
      %lt3A = arith.constant 19 : i32
      %lt3A_140 = arith.cmpi slt, %scan3A_110, %lt3A : i32
      %convert_element_type3A = arith.extui %lt3A_140 : i1 to i32
      %cond3A = arith.constant 0 : i32
      %cond3A_141 = arith.cmpi ne, %convert_element_type3A, %cond3A : i32
      scf.if %cond3A_141 {
        %add3A_175 = arith.constant 2 : i32
        %add3A_176 = arith.addi %add3A_114, %add3A_175 : i32
        %mul3A_177 = arith.constant 2 : i32
        %mul3A_178 = arith.muli %mul3A_177, %add3A_176 : i32
        %mul3A_179 = arith.constant 2 : i32
        %mul3A_180 = arith.muli %mul3A_179, %add3A_176 : i32
        %dma_start3A_181 = arith.constant 0 : i32
        %dma_start3A_182 = arith.constant 0 : i32
        %dma_start3A_183 = tpu.memref_slice %arg7[%dma_start3A_181, %dma_start3A_182] : memref<128x128xf32, #tpu.memory_space<vmem>> -> memref<64x128xf32, #tpu.memory_space<vmem>>
        %dma_start3A_184 = arith.constant 0 : i32
        %dma_start3A_185 = tpu.memref_slice %arg6[%mul3A_178, %dma_start3A_184] : memref<80x128xi32, #tpu.memory_space<vmem>> -> memref<1x64xi32, #tpu.memory_space<vmem>>
        %dma_start3A_186 = tpu.memref_squeeze %dma_start3A_185 : memref<1x64xi32, #tpu.memory_space<vmem>> -> memref<64xi32, #tpu.memory_space<vmem>>
        %dma_start3A_187 = arith.constant 0 : i32
        %dma_start3A_188 = arith.constant 0 : i32
        %dma_start3A_189 = tpu.memref_slice %arg2[%dma_start3A_187, %dma_start3A_188] : memref<10240x128xf32, #tpu.memory_space<hbm>> -> memref<10240x128xf32, #tpu.memory_space<hbm>>
        tpu.enqueue_indirect_dma source(%dma_start3A_189 : memref<10240x128xf32, #tpu.memory_space<hbm>>) target(%dma_start3A_183 : memref<64x128xf32, #tpu.memory_space<vmem>>) offsets(%dma_start3A_186 : memref<64xi32, #tpu.memory_space<vmem>>) semaphore(%arg9 : memref<!tpu.dma_semaphore, #tpu.memory_space<semaphore_mem>>)
        %dma_start3A_190 = arith.constant 64 : i32
        %dma_start3A_191 = arith.constant 0 : i32
        %dma_start3A_192 = tpu.memref_slice %arg7[%dma_start3A_190, %dma_start3A_191] : memref<128x128xf32, #tpu.memory_space<vmem>> -> memref<64x128xf32, #tpu.memory_space<vmem>>
        %dma_start3A_193 = arith.constant 64 : i32
        %dma_start3A_194 = tpu.memref_slice %arg6[%mul3A_180, %dma_start3A_193] : memref<80x128xi32, #tpu.memory_space<vmem>> -> memref<1x64xi32, #tpu.memory_space<vmem>>
        %dma_start3A_195 = tpu.memref_squeeze %dma_start3A_194 : memref<1x64xi32, #tpu.memory_space<vmem>> -> memref<64xi32, #tpu.memory_space<vmem>>
        %dma_start3A_196 = arith.constant 0 : i32
        %dma_start3A_197 = arith.constant 0 : i32
        %dma_start3A_198 = tpu.memref_slice %arg2[%dma_start3A_196, %dma_start3A_197] : memref<10240x128xf32, #tpu.memory_space<hbm>> -> memref<10240x128xf32, #tpu.memory_space<hbm>>
        tpu.enqueue_indirect_dma source(%dma_start3A_198 : memref<10240x128xf32, #tpu.memory_space<hbm>>) target(%dma_start3A_192 : memref<64x128xf32, #tpu.memory_space<vmem>>) offsets(%dma_start3A_195 : memref<64xi32, #tpu.memory_space<vmem>>) semaphore(%arg10 : memref<!tpu.dma_semaphore, #tpu.memory_space<semaphore_mem>>)
      } else {
      }
      %add3A_142 = arith.constant 1 : i32
      %add3A_143 = arith.addi %mul3A_112, %add3A_142 : i32
      %mul3A_144 = arith.constant 2 : i32
      %mul3A_145 = arith.muli %mul3A_144, %add3A_143 : i32
      %mul3A_146 = arith.constant 2 : i32
      %mul3A_147 = arith.muli %mul3A_146, %add3A_143 : i32
      %dma_wait3A_148 = arith.constant 0 : i32
      %dma_wait3A_149 = arith.constant 0 : i32
      %dma_wait3A_150 = tpu.memref_slice %arg8[%dma_wait3A_148, %dma_wait3A_149] : memref<128x128xf32, #tpu.memory_space<vmem>> -> memref<64x128xf32, #tpu.memory_space<vmem>>
      %dma_wait3A_151 = arith.constant 0 : i32
      %dma_wait3A_152 = tpu.memref_slice %arg6[%mul3A_145, %dma_wait3A_151] : memref<80x128xi32, #tpu.memory_space<vmem>> -> memref<1x64xi32, #tpu.memory_space<vmem>>
      %dma_wait3A_153 = tpu.memref_squeeze %dma_wait3A_152 : memref<1x64xi32, #tpu.memory_space<vmem>> -> memref<64xi32, #tpu.memory_space<vmem>>
      %dma_wait3A_154 = arith.constant 0 : i32
      %dma_wait3A_155 = arith.constant 0 : i32
      %dma_wait3A_156 = tpu.memref_slice %arg2[%dma_wait3A_154, %dma_wait3A_155] : memref<10240x128xf32, #tpu.memory_space<hbm>> -> memref<10240x128xf32, #tpu.memory_space<hbm>>
      tpu.wait_indirect_dma semaphore(%arg11 : memref<!tpu.dma_semaphore, #tpu.memory_space<semaphore_mem>>) src(%dma_wait3A_156 : memref<10240x128xf32, #tpu.memory_space<hbm>>) dst(%dma_wait3A_150 : memref<64x128xf32, #tpu.memory_space<vmem>>)
      %dma_wait3A_157 = arith.constant 64 : i32
      %dma_wait3A_158 = arith.constant 0 : i32
      %dma_wait3A_159 = tpu.memref_slice %arg8[%dma_wait3A_157, %dma_wait3A_158] : memref<128x128xf32, #tpu.memory_space<vmem>> -> memref<64x128xf32, #tpu.memory_space<vmem>>
      %dma_wait3A_160 = arith.constant 64 : i32
      %dma_wait3A_161 = tpu.memref_slice %arg6[%mul3A_147, %dma_wait3A_160] : memref<80x128xi32, #tpu.memory_space<vmem>> -> memref<1x64xi32, #tpu.memory_space<vmem>>
      %dma_wait3A_162 = tpu.memref_squeeze %dma_wait3A_161 : memref<1x64xi32, #tpu.memory_space<vmem>> -> memref<64xi32, #tpu.memory_space<vmem>>
      %dma_wait3A_163 = arith.constant 0 : i32
      %dma_wait3A_164 = arith.constant 0 : i32
      %dma_wait3A_165 = tpu.memref_slice %arg2[%dma_wait3A_163, %dma_wait3A_164] : memref<10240x128xf32, #tpu.memory_space<hbm>> -> memref<10240x128xf32, #tpu.memory_space<hbm>>
      tpu.wait_indirect_dma semaphore(%arg12 : memref<!tpu.dma_semaphore, #tpu.memory_space<semaphore_mem>>) src(%dma_wait3A_165 : memref<10240x128xf32, #tpu.memory_space<hbm>>) dst(%dma_wait3A_159 : memref<64x128xf32, #tpu.memory_space<vmem>>)
      %mul3A_166 = arith.constant 2 : i32
      %mul3A_167 = arith.muli %mul3A_166, %add3A_143 : i32
      %add3A_168 = arith.constant 1 : i32
      %add3A_169 = arith.addi %mul3A_167, %add3A_168 : i32
      "tpu.region"() ({
        %run_scoped3A = tpu.sem_alloc : memref<!tpu.dma_semaphore, #tpu.memory_space<semaphore_mem>>
        %dma_start3A_175 = arith.constant 0 : i32
        %dma_start3A_176 = tpu.memref_slice %arg6[%add3A_169, %dma_start3A_175] : memref<80x128xi32, #tpu.memory_space<vmem>> -> memref<1x128xi32, #tpu.memory_space<vmem>>
        %dma_start3A_177 = tpu.memref_squeeze %dma_start3A_176 : memref<1x128xi32, #tpu.memory_space<vmem>> -> memref<128xi32, #tpu.memory_space<vmem>>
        %dma_start3A_178 = arith.constant 0 : i32
        %dma_start3A_179 = arith.constant 0 : i32
        %dma_start3A_180 = tpu.memref_slice %arg13[%dma_start3A_178, %dma_start3A_179] : memref<10240x128xf32, #tpu.memory_space<vmem_shared>> -> memref<10240x128xf32, #tpu.memory_space<vmem_shared>>
        tpu.enqueue_indirect_dma source(%arg8 : memref<128x128xf32, #tpu.memory_space<vmem>>) target(%dma_start3A_180 : memref<10240x128xf32, #tpu.memory_space<vmem_shared>>) offsets(%dma_start3A_177 : memref<128xi32, #tpu.memory_space<vmem>>) semaphore(%run_scoped3A : memref<!tpu.dma_semaphore, #tpu.memory_space<semaphore_mem>>) {add = true}
        %dma_wait3A_181 = arith.constant 0 : i32
        %dma_wait3A_182 = tpu.memref_slice %arg6[%add3A_169, %dma_wait3A_181] : memref<80x128xi32, #tpu.memory_space<vmem>> -> memref<1x128xi32, #tpu.memory_space<vmem>>
        %dma_wait3A_183 = tpu.memref_squeeze %dma_wait3A_182 : memref<1x128xi32, #tpu.memory_space<vmem>> -> memref<128xi32, #tpu.memory_space<vmem>>
        %dma_wait3A_184 = arith.constant 0 : i32
        %dma_wait3A_185 = arith.constant 0 : i32
        %dma_wait3A_186 = tpu.memref_slice %arg13[%dma_wait3A_184, %dma_wait3A_185] : memref<10240x128xf32, #tpu.memory_space<vmem_shared>> -> memref<10240x128xf32, #tpu.memory_space<vmem_shared>>
        tpu.wait_indirect_dma semaphore(%run_scoped3A : memref<!tpu.dma_semaphore, #tpu.memory_space<semaphore_mem>>) src(%arg8 : memref<128x128xf32, #tpu.memory_space<vmem>>) dst(%dma_wait3A_186 : memref<10240x128xf32, #tpu.memory_space<vmem_shared>>)
        tpu.yield
      }) : () -> ()
      %lt3A_170 = arith.constant 19 : i32
      %lt3A_171 = arith.cmpi slt, %scan3A_110, %lt3A_170 : i32
      %convert_element_type3A_172 = arith.extui %lt3A_171 : i1 to i32
      %cond3A_173 = arith.constant 0 : i32
      %cond3A_174 = arith.cmpi ne, %convert_element_type3A_172, %cond3A_173 : i32
      scf.if %cond3A_174 {
        %add3A_175 = arith.constant 2 : i32
        %add3A_176 = arith.addi %add3A_143, %add3A_175 : i32
        %mul3A_177 = arith.constant 2 : i32
        %mul3A_178 = arith.muli %mul3A_177, %add3A_176 : i32
        %mul3A_179 = arith.constant 2 : i32
        %mul3A_180 = arith.muli %mul3A_179, %add3A_176 : i32
        %dma_start3A_181 = arith.constant 0 : i32
        %dma_start3A_182 = arith.constant 0 : i32
        %dma_start3A_183 = tpu.memref_slice %arg8[%dma_start3A_181, %dma_start3A_182] : memref<128x128xf32, #tpu.memory_space<vmem>> -> memref<64x128xf32, #tpu.memory_space<vmem>>
        %dma_start3A_184 = arith.constant 0 : i32
        %dma_start3A_185 = tpu.memref_slice %arg6[%mul3A_178, %dma_start3A_184] : memref<80x128xi32, #tpu.memory_space<vmem>> -> memref<1x64xi32, #tpu.memory_space<vmem>>
        %dma_start3A_186 = tpu.memref_squeeze %dma_start3A_185 : memref<1x64xi32, #tpu.memory_space<vmem>> -> memref<64xi32, #tpu.memory_space<vmem>>
        %dma_start3A_187 = arith.constant 0 : i32
        %dma_start3A_188 = arith.constant 0 : i32
        %dma_start3A_189 = tpu.memref_slice %arg2[%dma_start3A_187, %dma_start3A_188] : memref<10240x128xf32, #tpu.memory_space<hbm>> -> memref<10240x128xf32, #tpu.memory_space<hbm>>
        tpu.enqueue_indirect_dma source(%dma_start3A_189 : memref<10240x128xf32, #tpu.memory_space<hbm>>) target(%dma_start3A_183 : memref<64x128xf32, #tpu.memory_space<vmem>>) offsets(%dma_start3A_186 : memref<64xi32, #tpu.memory_space<vmem>>) semaphore(%arg11 : memref<!tpu.dma_semaphore, #tpu.memory_space<semaphore_mem>>)
        %dma_start3A_190 = arith.constant 64 : i32
        %dma_start3A_191 = arith.constant 0 : i32
        %dma_start3A_192 = tpu.memref_slice %arg8[%dma_start3A_190, %dma_start3A_191] : memref<128x128xf32, #tpu.memory_space<vmem>> -> memref<64x128xf32, #tpu.memory_space<vmem>>
        %dma_start3A_193 = arith.constant 64 : i32
        %dma_start3A_194 = tpu.memref_slice %arg6[%mul3A_180, %dma_start3A_193] : memref<80x128xi32, #tpu.memory_space<vmem>> -> memref<1x64xi32, #tpu.memory_space<vmem>>
        %dma_start3A_195 = tpu.memref_squeeze %dma_start3A_194 : memref<1x64xi32, #tpu.memory_space<vmem>> -> memref<64xi32, #tpu.memory_space<vmem>>
        %dma_start3A_196 = arith.constant 0 : i32
        %dma_start3A_197 = arith.constant 0 : i32
        %dma_start3A_198 = tpu.memref_slice %arg2[%dma_start3A_196, %dma_start3A_197] : memref<10240x128xf32, #tpu.memory_space<hbm>> -> memref<10240x128xf32, #tpu.memory_space<hbm>>
        tpu.enqueue_indirect_dma source(%dma_start3A_198 : memref<10240x128xf32, #tpu.memory_space<hbm>>) target(%dma_start3A_192 : memref<64x128xf32, #tpu.memory_space<vmem>>) offsets(%dma_start3A_195 : memref<64xi32, #tpu.memory_space<vmem>>) semaphore(%arg12 : memref<!tpu.dma_semaphore, #tpu.memory_space<semaphore_mem>>)
      } else {
      }
    }
    %scan3A_101 = arith.constant 20 : i32
    %barrier3A_102 = arith.constant 0 : index
    tpu.barrier barrier_id(%barrier3A_102)
    %mul3A_103 = arith.constant 640 : i32
    %mul3A_104 = arith.muli %arg1, %mul3A_103 : i32
    %mul3A_105 = arith.constant 10240 : i32
    %mul3A_106 = arith.muli %arg0, %mul3A_105 : i32
    %mul3A_107 = arith.constant 640 : i32
    %mul3A_108 = arith.muli %arg1, %mul3A_107 : i32
    %add3A_109 = arith.addi %mul3A_106, %mul3A_108 : i32
    "tpu.region"() ({
      %run_scoped3A = tpu.sem_alloc : memref<!tpu.dma_semaphore, #tpu.memory_space<semaphore_mem>>
      %dma_start3A_110 = arith.constant 0 : i32
      %dma_start3A_111 = tpu.memref_slice %arg5[%add3A_109, %dma_start3A_110] : memref<20480x128xf32, #tpu.memory_space<hbm>> -> memref<640x128xf32, #tpu.memory_space<hbm>>
      %dma_start3A_112 = arith.constant 0 : i32
      %dma_start3A_113 = tpu.memref_slice %arg13[%mul3A_104, %dma_start3A_112] : memref<10240x128xf32, #tpu.memory_space<vmem_shared>> -> memref<640x128xf32, #tpu.memory_space<vmem_shared>>
      tpu.enqueue_dma source(%dma_start3A_113 : memref<640x128xf32, #tpu.memory_space<vmem_shared>>) target(%dma_start3A_111 : memref<640x128xf32, #tpu.memory_space<hbm>>) target_semaphore(%run_scoped3A : memref<!tpu.dma_semaphore, #tpu.memory_space<semaphore_mem>>)
      %dma_wait3A = arith.constant 0 : i32
      %dma_wait3A_114 = tpu.memref_slice %arg5[%add3A_109, %dma_wait3A] : memref<20480x128xf32, #tpu.memory_space<hbm>> -> memref<640x128xf32, #tpu.memory_space<hbm>>
      %dma_wait3A_115 = arith.constant 0 : i32
      %dma_wait3A_116 = tpu.memref_slice %arg13[%mul3A_104, %dma_wait3A_115] : memref<10240x128xf32, #tpu.memory_space<vmem_shared>> -> memref<640x128xf32, #tpu.memory_space<vmem_shared>>
      tpu.wait_dma2 semaphore(%run_scoped3A : memref<!tpu.dma_semaphore, #tpu.memory_space<semaphore_mem>>) src(%dma_wait3A_116 : memref<640x128xf32, #tpu.memory_space<vmem_shared>>) dst(%dma_wait3A_114 : memref<640x128xf32, #tpu.memory_space<hbm>>)
      tpu.yield
    }) : () -> ()
    return
  }
}

#map = affine_map<(d0, d1) -> (0, 0, 0)>
#map1 = affine_map<(d0, d1) -> (0)>
module attributes {stable_mosaic.version = 14 : i64} {
  func.func @_deg_kernel(%arg0: i32, %arg1: i32, %arg2: memref<16x320x128xi32, #tpu.memory_space<hbm>>, %arg3: memref<640xf32, #tpu.memory_space<hbm>>, %arg4: memref<20480xf32, #tpu.memory_space<hbm>>, %arg5: memref<160x128xi32, #tpu.memory_space<vmem>>, %arg6: memref<128xf32, #tpu.memory_space<vmem>>, %arg7: memref<10240xf32, #tpu.memory_space<vmem_shared>>) attributes {dimension_semantics = [#tpu.dimension_semantics<core_parallel>, #tpu.dimension_semantics<subcore_parallel>], iteration_bounds = array<i64: 2, 16>, scalar_prefetch = 0 : i64, scratch_operands = 3 : i64, tpu.core_type = #tpu.core_type<sc_vector_subcore>, window_params = [{transform_indices = #map}, {transform_indices = #map1}, {transform_indices = #map1}]} {
    %broadcast_in_dim3A = arith.constant 1.000000e+00 : f32
    %broadcast_in_dim3A_0 = vector.broadcast %broadcast_in_dim3A : f32 to vector<16xf32>
    %swap3A = arith.constant 0 : index
    %swap3A_1 = tpu.vector_load %arg6[%swap3A] {strides = array<i32>} : memref<128xf32, #tpu.memory_space<vmem>>, vector<16xf32>,
    %swap3A_2 = vector.shape_cast %swap3A_1 : vector<16xf32> to vector<16xf32>
    %swap3A_3 = vector.shape_cast %broadcast_in_dim3A_0 : vector<16xf32> to vector<16xf32>
    tpu.vector_store %arg6[%swap3A], %swap3A_3 {strides = array<i32>} : memref<128xf32, #tpu.memory_space<vmem>>, vector<16xf32>,
    %broadcast_in_dim3A_4 = arith.constant 1.000000e+00 : f32
    %broadcast_in_dim3A_5 = vector.broadcast %broadcast_in_dim3A_4 : f32 to vector<16xf32>
    %swap3A_6 = arith.constant 16 : index
    %swap3A_7 = tpu.vector_load %arg6[%swap3A_6] {strides = array<i32>} : memref<128xf32, #tpu.memory_space<vmem>>, vector<16xf32>,
    %swap3A_8 = vector.shape_cast %swap3A_7 : vector<16xf32> to vector<16xf32>
    %swap3A_9 = vector.shape_cast %broadcast_in_dim3A_5 : vector<16xf32> to vector<16xf32>
    tpu.vector_store %arg6[%swap3A_6], %swap3A_9 {strides = array<i32>} : memref<128xf32, #tpu.memory_space<vmem>>, vector<16xf32>,
    %broadcast_in_dim3A_10 = arith.constant 1.000000e+00 : f32
    %broadcast_in_dim3A_11 = vector.broadcast %broadcast_in_dim3A_10 : f32 to vector<16xf32>
    %swap3A_12 = arith.constant 32 : index
    %swap3A_13 = tpu.vector_load %arg6[%swap3A_12] {strides = array<i32>} : memref<128xf32, #tpu.memory_space<vmem>>, vector<16xf32>,
    %swap3A_14 = vector.shape_cast %swap3A_13 : vector<16xf32> to vector<16xf32>
    %swap3A_15 = vector.shape_cast %broadcast_in_dim3A_11 : vector<16xf32> to vector<16xf32>
    tpu.vector_store %arg6[%swap3A_12], %swap3A_15 {strides = array<i32>} : memref<128xf32, #tpu.memory_space<vmem>>, vector<16xf32>,
    %broadcast_in_dim3A_16 = arith.constant 1.000000e+00 : f32
    %broadcast_in_dim3A_17 = vector.broadcast %broadcast_in_dim3A_16 : f32 to vector<16xf32>
    %swap3A_18 = arith.constant 48 : index
    %swap3A_19 = tpu.vector_load %arg6[%swap3A_18] {strides = array<i32>} : memref<128xf32, #tpu.memory_space<vmem>>, vector<16xf32>,
    %swap3A_20 = vector.shape_cast %swap3A_19 : vector<16xf32> to vector<16xf32>
    %swap3A_21 = vector.shape_cast %broadcast_in_dim3A_17 : vector<16xf32> to vector<16xf32>
    tpu.vector_store %arg6[%swap3A_18], %swap3A_21 {strides = array<i32>} : memref<128xf32, #tpu.memory_space<vmem>>, vector<16xf32>,
    %broadcast_in_dim3A_22 = arith.constant 1.000000e+00 : f32
    %broadcast_in_dim3A_23 = vector.broadcast %broadcast_in_dim3A_22 : f32 to vector<16xf32>
    %swap3A_24 = arith.constant 64 : index
    %swap3A_25 = tpu.vector_load %arg6[%swap3A_24] {strides = array<i32>} : memref<128xf32, #tpu.memory_space<vmem>>, vector<16xf32>,
    %swap3A_26 = vector.shape_cast %swap3A_25 : vector<16xf32> to vector<16xf32>
    %swap3A_27 = vector.shape_cast %broadcast_in_dim3A_23 : vector<16xf32> to vector<16xf32>
    tpu.vector_store %arg6[%swap3A_24], %swap3A_27 {strides = array<i32>} : memref<128xf32, #tpu.memory_space<vmem>>, vector<16xf32>,
    %broadcast_in_dim3A_28 = arith.constant 1.000000e+00 : f32
    %broadcast_in_dim3A_29 = vector.broadcast %broadcast_in_dim3A_28 : f32 to vector<16xf32>
    %swap3A_30 = arith.constant 80 : index
    %swap3A_31 = tpu.vector_load %arg6[%swap3A_30] {strides = array<i32>} : memref<128xf32, #tpu.memory_space<vmem>>, vector<16xf32>,
    %swap3A_32 = vector.shape_cast %swap3A_31 : vector<16xf32> to vector<16xf32>
    %swap3A_33 = vector.shape_cast %broadcast_in_dim3A_29 : vector<16xf32> to vector<16xf32>
    tpu.vector_store %arg6[%swap3A_30], %swap3A_33 {strides = array<i32>} : memref<128xf32, #tpu.memory_space<vmem>>, vector<16xf32>,
    %broadcast_in_dim3A_34 = arith.constant 1.000000e+00 : f32
    %broadcast_in_dim3A_35 = vector.broadcast %broadcast_in_dim3A_34 : f32 to vector<16xf32>
    %swap3A_36 = arith.constant 96 : index
    %swap3A_37 = tpu.vector_load %arg6[%swap3A_36] {strides = array<i32>} : memref<128xf32, #tpu.memory_space<vmem>>, vector<16xf32>,
    %swap3A_38 = vector.shape_cast %swap3A_37 : vector<16xf32> to vector<16xf32>
    %swap3A_39 = vector.shape_cast %broadcast_in_dim3A_35 : vector<16xf32> to vector<16xf32>
    tpu.vector_store %arg6[%swap3A_36], %swap3A_39 {strides = array<i32>} : memref<128xf32, #tpu.memory_space<vmem>>, vector<16xf32>,
    %broadcast_in_dim3A_40 = arith.constant 1.000000e+00 : f32
    %broadcast_in_dim3A_41 = vector.broadcast %broadcast_in_dim3A_40 : f32 to vector<16xf32>
    %swap3A_42 = arith.constant 112 : index
    %swap3A_43 = tpu.vector_load %arg6[%swap3A_42] {strides = array<i32>} : memref<128xf32, #tpu.memory_space<vmem>>, vector<16xf32>,
    %swap3A_44 = vector.shape_cast %swap3A_43 : vector<16xf32> to vector<16xf32>
    %swap3A_45 = vector.shape_cast %broadcast_in_dim3A_41 : vector<16xf32> to vector<16xf32>
    tpu.vector_store %arg6[%swap3A_42], %swap3A_45 {strides = array<i32>} : memref<128xf32, #tpu.memory_space<vmem>>, vector<16xf32>,
    %mul3A = arith.constant 80 : i32
    %mul3A_46 = arith.muli %arg0, %mul3A : i32
    %mul3A_47 = arith.constant 2 : i32
    %mul3A_48 = arith.muli %mul3A_46, %mul3A_47 : i32
    "tpu.region"() ({
      %run_scoped3A = tpu.sem_alloc : memref<!tpu.dma_semaphore, #tpu.memory_space<semaphore_mem>>
      %dma_start3A = arith.constant 0 : i32
      %dma_start3A_63 = tpu.memref_slice %arg2[%arg1, %mul3A_48, %dma_start3A] : memref<16x320x128xi32, #tpu.memory_space<hbm>> -> memref<1x160x128xi32, #tpu.memory_space<hbm>>
      %dma_start3A_64 = tpu.memref_squeeze %dma_start3A_63 : memref<1x160x128xi32, #tpu.memory_space<hbm>> -> memref<160x128xi32, #tpu.memory_space<hbm>>
      %dma_start3A_65 = arith.constant 0 : i32
      %dma_start3A_66 = tpu.memref_slice %arg2[%arg1, %mul3A_48, %dma_start3A_65] : memref<16x320x128xi32, #tpu.memory_space<hbm>> -> memref<1x160x128xi32, #tpu.memory_space<hbm>>
      %dma_start3A_67 = tpu.memref_squeeze %dma_start3A_66 : memref<1x160x128xi32, #tpu.memory_space<hbm>> -> memref<160x128xi32, #tpu.memory_space<hbm>>
      tpu.enqueue_dma source(%dma_start3A_67 : memref<160x128xi32, #tpu.memory_space<hbm>>) target(%arg5 : memref<160x128xi32, #tpu.memory_space<vmem>>) target_semaphore(%run_scoped3A : memref<!tpu.dma_semaphore, #tpu.memory_space<semaphore_mem>>)
      %dma_wait3A = arith.constant 0 : i32
      %dma_wait3A_68 = tpu.memref_slice %arg2[%arg1, %mul3A_48, %dma_wait3A] : memref<16x320x128xi32, #tpu.memory_space<hbm>> -> memref<1x160x128xi32, #tpu.memory_space<hbm>>
      %dma_wait3A_69 = tpu.memref_squeeze %dma_wait3A_68 : memref<1x160x128xi32, #tpu.memory_space<hbm>> -> memref<160x128xi32, #tpu.memory_space<hbm>>
      %dma_wait3A_70 = arith.constant 0 : i32
      %dma_wait3A_71 = tpu.memref_slice %arg2[%arg1, %mul3A_48, %dma_wait3A_70] : memref<16x320x128xi32, #tpu.memory_space<hbm>> -> memref<1x160x128xi32, #tpu.memory_space<hbm>>
      %dma_wait3A_72 = tpu.memref_squeeze %dma_wait3A_71 : memref<1x160x128xi32, #tpu.memory_space<hbm>> -> memref<160x128xi32, #tpu.memory_space<hbm>>
      tpu.wait_dma2 semaphore(%run_scoped3A : memref<!tpu.dma_semaphore, #tpu.memory_space<semaphore_mem>>) src(%dma_wait3A_72 : memref<160x128xi32, #tpu.memory_space<hbm>>) dst(%arg5 : memref<160x128xi32, #tpu.memory_space<vmem>>)
      tpu.yield
    }) : () -> ()
    %mul3A_49 = arith.constant 640 : i32
    %mul3A_50 = arith.muli %arg1, %mul3A_49 : i32
    "tpu.region"() ({
      %run_scoped3A = tpu.sem_alloc : memref<!tpu.dma_semaphore, #tpu.memory_space<semaphore_mem>>
      %dma_start3A = tpu.memref_slice %arg7[%mul3A_50] : memref<10240xf32, #tpu.memory_space<vmem_shared>> -> memref<640xf32, #tpu.memory_space<vmem_shared>>
      tpu.enqueue_dma source(%arg3 : memref<640xf32, #tpu.memory_space<hbm>>) target(%dma_start3A : memref<640xf32, #tpu.memory_space<vmem_shared>>) target_semaphore(%run_scoped3A : memref<!tpu.dma_semaphore, #tpu.memory_space<semaphore_mem>>)
      %dma_wait3A = tpu.memref_slice %arg7[%mul3A_50] : memref<10240xf32, #tpu.memory_space<vmem_shared>> -> memref<640xf32, #tpu.memory_space<vmem_shared>>
      tpu.wait_dma2 semaphore(%run_scoped3A : memref<!tpu.dma_semaphore, #tpu.memory_space<semaphore_mem>>) src(%arg3 : memref<640xf32, #tpu.memory_space<hbm>>) dst(%dma_wait3A : memref<640xf32, #tpu.memory_space<vmem_shared>>)
      tpu.yield
    }) : () -> ()
    %barrier3A = arith.constant 0 : index
    tpu.barrier barrier_id(%barrier3A)
    %scan3A = arith.constant 0 : i32
    %scan3A_51 = arith.constant 0 : i32
    %scan3A_52 = arith.constant 80 : i32
    %scan3A_53 = arith.addi %scan3A_51, %scan3A_52 : i32
    %scan3A_54 = arith.constant 1 : i32
    scf.for %scan3A_63 = %scan3A_51 to %scan3A_53 step %scan3A_54  : i32 {
      %mul3A_64 = arith.constant 2 : i32
      %mul3A_65 = arith.muli %mul3A_64, %scan3A_63 : i32
      %add3A_66 = arith.constant 1 : i32
      %add3A_67 = arith.addi %mul3A_65, %add3A_66 : i32
      "tpu.region"() ({
        %run_scoped3A = tpu.sem_alloc : memref<!tpu.dma_semaphore, #tpu.memory_space<semaphore_mem>>
        %dma_start3A = arith.constant 0 : i32
        %dma_start3A_68 = tpu.memref_slice %arg5[%add3A_67, %dma_start3A] : memref<160x128xi32, #tpu.memory_space<vmem>> -> memref<1x128xi32, #tpu.memory_space<vmem>>
        %dma_start3A_69 = tpu.memref_squeeze %dma_start3A_68 : memref<1x128xi32, #tpu.memory_space<vmem>> -> memref<128xi32, #tpu.memory_space<vmem>>
        %dma_start3A_70 = arith.constant 0 : i32
        %dma_start3A_71 = tpu.memref_slice %arg7[%dma_start3A_70] : memref<10240xf32, #tpu.memory_space<vmem_shared>> -> memref<10240xf32, #tpu.memory_space<vmem_shared>>
        tpu.enqueue_indirect_dma source(%arg6 : memref<128xf32, #tpu.memory_space<vmem>>) target(%dma_start3A_71 : memref<10240xf32, #tpu.memory_space<vmem_shared>>) offsets(%dma_start3A_69 : memref<128xi32, #tpu.memory_space<vmem>>) semaphore(%run_scoped3A : memref<!tpu.dma_semaphore, #tpu.memory_space<semaphore_mem>>) {add = true}
        %dma_wait3A = arith.constant 0 : i32
        %dma_wait3A_72 = tpu.memref_slice %arg5[%add3A_67, %dma_wait3A] : memref<160x128xi32, #tpu.memory_space<vmem>> -> memref<1x128xi32, #tpu.memory_space<vmem>>
        %dma_wait3A_73 = tpu.memref_squeeze %dma_wait3A_72 : memref<1x128xi32, #tpu.memory_space<vmem>> -> memref<128xi32, #tpu.memory_space<vmem>>
        %dma_wait3A_74 = arith.constant 0 : i32
        %dma_wait3A_75 = tpu.memref_slice %arg7[%dma_wait3A_74] : memref<10240xf32, #tpu.memory_space<vmem_shared>> -> memref<10240xf32, #tpu.memory_space<vmem_shared>>
        tpu.wait_indirect_dma semaphore(%run_scoped3A : memref<!tpu.dma_semaphore, #tpu.memory_space<semaphore_mem>>) src(%arg6 : memref<128xf32, #tpu.memory_space<vmem>>) dst(%dma_wait3A_75 : memref<10240xf32, #tpu.memory_space<vmem_shared>>)
        tpu.yield
      }) : () -> ()
    }
    %scan3A_55 = arith.constant 80 : i32
    %barrier3A_56 = arith.constant 0 : index
    tpu.barrier barrier_id(%barrier3A_56)
    %mul3A_57 = arith.constant 640 : i32
    %mul3A_58 = arith.muli %arg1, %mul3A_57 : i32
    %mul3A_59 = arith.constant 10240 : i32
    %mul3A_60 = arith.muli %arg0, %mul3A_59 : i32
    %mul3A_61 = arith.constant 640 : i32
    %mul3A_62 = arith.muli %arg1, %mul3A_61 : i32
    %add3A = arith.addi %mul3A_60, %mul3A_62 : i32
    "tpu.region"() ({
      %run_scoped3A = tpu.sem_alloc : memref<!tpu.dma_semaphore, #tpu.memory_space<semaphore_mem>>
      %dma_start3A = tpu.memref_slice %arg4[%add3A] : memref<20480xf32, #tpu.memory_space<hbm>> -> memref<640xf32, #tpu.memory_space<hbm>>
      %dma_start3A_63 = tpu.memref_slice %arg7[%mul3A_58] : memref<10240xf32, #tpu.memory_space<vmem_shared>> -> memref<640xf32, #tpu.memory_space<vmem_shared>>
      tpu.enqueue_dma source(%dma_start3A_63 : memref<640xf32, #tpu.memory_space<vmem_shared>>) target(%dma_start3A : memref<640xf32, #tpu.memory_space<hbm>>) target_semaphore(%run_scoped3A : memref<!tpu.dma_semaphore, #tpu.memory_space<semaphore_mem>>)
      %dma_wait3A = tpu.memref_slice %arg4[%add3A] : memref<20480xf32, #tpu.memory_space<hbm>> -> memref<640xf32, #tpu.memory_space<hbm>>
      %dma_wait3A_64 = tpu.memref_slice %arg7[%mul3A_58] : memref<10240xf32, #tpu.memory_space<vmem_shared>> -> memref<640xf32, #tpu.memory_space<vmem_shared>>
      tpu.wait_dma2 semaphore(%run_scoped3A : memref<!tpu.dma_semaphore, #tpu.memory_space<semaphore_mem>>) src(%dma_wait3A_64 : memref<640xf32, #tpu.memory_space<vmem_shared>>) dst(%dma_wait3A : memref<640xf32, #tpu.memory_space<hbm>>)
      tpu.yield
    }) : () -> ()
    return
  }
}

#map = affine_map<(d0, d1) -> (0, 0)>
#map1 = affine_map<(d0, d1) -> (0, 0, 0)>
module attributes {stable_mosaic.version = 14 : i64} {
  func.func @_agg_kernel(%arg0: i32, %arg1: i32, %arg2: memref<10240x128xf32, #tpu.memory_space<hbm>>, %arg3: memref<16x320x128xi32, #tpu.memory_space<hbm>>, %arg4: memref<640x128xf32, #tpu.memory_space<hbm>>, %arg5: memref<20480x128xf32, #tpu.memory_space<hbm>>, %arg6: memref<80x128xi32, #tpu.memory_space<vmem>>, %arg7: memref<128x128xf32, #tpu.memory_space<vmem>>, %arg8: memref<128x128xf32, #tpu.memory_space<vmem>>, %arg9: memref<!tpu.dma_semaphore, #tpu.memory_space<semaphore_mem>>, %arg10: memref<!tpu.dma_semaphore, #tpu.memory_space<semaphore_mem>>, %arg11: memref<!tpu.dma_semaphore, #tpu.memory_space<semaphore_mem>>, %arg12: memref<!tpu.dma_semaphore, #tpu.memory_space<semaphore_mem>>, %arg13: memref<10240x128xf32, #tpu.memory_space<vmem_shared>>) attributes {dimension_semantics = [#tpu.dimension_semantics<core_parallel>, #tpu.dimension_semantics<subcore_parallel>], iteration_bounds = array<i64: 2, 16>, scalar_prefetch = 0 : i64, scratch_operands = 8 : i64, tpu.core_type = #tpu.core_type<sc_vector_subcore>, window_params = [{transform_indices = #map}, {transform_indices = #map1}, {transform_indices = #map}, {transform_indices = #map}]} {
    %mul3A = arith.constant 640 : i32
    %mul3A_0 = arith.muli %arg1, %mul3A : i32
    "tpu.region"() ({
      %run_scoped3A = tpu.sem_alloc : memref<!tpu.dma_semaphore, #tpu.memory_space<semaphore_mem>>
      %dma_start3A_110 = arith.constant 0 : i32
      %dma_start3A_111 = tpu.memref_slice %arg13[%mul3A_0, %dma_start3A_110] : memref<10240x128xf32, #tpu.memory_space<vmem_shared>> -> memref<640x128xf32, #tpu.memory_space<vmem_shared>>
      tpu.enqueue_dma source(%arg4 : memref<640x128xf32, #tpu.memory_space<hbm>>) target(%dma_start3A_111 : memref<640x128xf32, #tpu.memory_space<vmem_shared>>) target_semaphore(%run_scoped3A : memref<!tpu.dma_semaphore, #tpu.memory_space<semaphore_mem>>)
      %dma_wait3A = arith.constant 0 : i32
      %dma_wait3A_112 = tpu.memref_slice %arg13[%mul3A_0, %dma_wait3A] : memref<10240x128xf32, #tpu.memory_space<vmem_shared>> -> memref<640x128xf32, #tpu.memory_space<vmem_shared>>
      tpu.wait_dma2 semaphore(%run_scoped3A : memref<!tpu.dma_semaphore, #tpu.memory_space<semaphore_mem>>) src(%arg4 : memref<640x128xf32, #tpu.memory_space<hbm>>) dst(%dma_wait3A_112 : memref<640x128xf32, #tpu.memory_space<vmem_shared>>)
      tpu.yield
    }) : () -> ()
    %barrier3A = arith.constant 0 : index
    tpu.barrier barrier_id(%barrier3A)
    %mul3A_1 = arith.constant 80 : i32
    %mul3A_2 = arith.muli %arg0, %mul3A_1 : i32
    %mul3A_3 = arith.constant 2 : i32
    %mul3A_4 = arith.muli %mul3A_2, %mul3A_3 : i32
    %add3A = arith.constant 0 : i32
    %add3A_5 = arith.addi %mul3A_4, %add3A : i32
    "tpu.region"() ({
      %run_scoped3A = tpu.sem_alloc : memref<!tpu.dma_semaphore, #tpu.memory_space<semaphore_mem>>
      %dma_start3A_110 = arith.constant 0 : i32
      %dma_start3A_111 = tpu.memref_slice %arg3[%arg1, %add3A_5, %dma_start3A_110] : memref<16x320x128xi32, #tpu.memory_space<hbm>> -> memref<1x80x128xi32, #tpu.memory_space<hbm>>
      %dma_start3A_112 = tpu.memref_squeeze %dma_start3A_111 : memref<1x80x128xi32, #tpu.memory_space<hbm>> -> memref<80x128xi32, #tpu.memory_space<hbm>>
      %dma_start3A_113 = arith.constant 0 : i32
      %dma_start3A_114 = tpu.memref_slice %arg3[%arg1, %add3A_5, %dma_start3A_113] : memref<16x320x128xi32, #tpu.memory_space<hbm>> -> memref<1x80x128xi32, #tpu.memory_space<hbm>>
      %dma_start3A_115 = tpu.memref_squeeze %dma_start3A_114 : memref<1x80x128xi32, #tpu.memory_space<hbm>> -> memref<80x128xi32, #tpu.memory_space<hbm>>
      tpu.enqueue_dma source(%dma_start3A_115 : memref<80x128xi32, #tpu.memory_space<hbm>>) target(%arg6 : memref<80x128xi32, #tpu.memory_space<vmem>>) target_semaphore(%run_scoped3A : memref<!tpu.dma_semaphore, #tpu.memory_space<semaphore_mem>>)
      %dma_wait3A = arith.constant 0 : i32
      %dma_wait3A_116 = tpu.memref_slice %arg3[%arg1, %add3A_5, %dma_wait3A] : memref<16x320x128xi32, #tpu.memory_space<hbm>> -> memref<1x80x128xi32, #tpu.memory_space<hbm>>
      %dma_wait3A_117 = tpu.memref_squeeze %dma_wait3A_116 : memref<1x80x128xi32, #tpu.memory_space<hbm>> -> memref<80x128xi32, #tpu.memory_space<hbm>>
      %dma_wait3A_118 = arith.constant 0 : i32
      %dma_wait3A_119 = tpu.memref_slice %arg3[%arg1, %add3A_5, %dma_wait3A_118] : memref<16x320x128xi32, #tpu.memory_space<hbm>> -> memref<1x80x128xi32, #tpu.memory_space<hbm>>
      %dma_wait3A_120 = tpu.memref_squeeze %dma_wait3A_119 : memref<1x80x128xi32, #tpu.memory_space<hbm>> -> memref<80x128xi32, #tpu.memory_space<hbm>>
      tpu.wait_dma2 semaphore(%run_scoped3A : memref<!tpu.dma_semaphore, #tpu.memory_space<semaphore_mem>>) src(%dma_wait3A_120 : memref<80x128xi32, #tpu.memory_space<hbm>>) dst(%arg6 : memref<80x128xi32, #tpu.memory_space<vmem>>)
      tpu.yield
    }) : () -> ()
    %dma_start3A = arith.constant 0 : i32
    %dma_start3A_6 = arith.constant 0 : i32
    %dma_start3A_7 = arith.constant 0 : i32
    %dma_start3A_8 = tpu.memref_slice %arg7[%dma_start3A_6, %dma_start3A_7] : memref<128x128xf32, #tpu.memory_space<vmem>> -> memref<64x128xf32, #tpu.memory_space<vmem>>
    %dma_start3A_9 = arith.constant 0 : i32
    %dma_start3A_10 = tpu.memref_slice %arg6[%dma_start3A, %dma_start3A_9] : memref<80x128xi32, #tpu.memory_space<vmem>> -> memref<1x64xi32, #tpu.memory_space<vmem>>
    %dma_start3A_11 = tpu.memref_squeeze %dma_start3A_10 : memref<1x64xi32, #tpu.memory_space<vmem>> -> memref<64xi32, #tpu.memory_space<vmem>>
    %dma_start3A_12 = arith.constant 0 : i32
    %dma_start3A_13 = arith.constant 0 : i32
    %dma_start3A_14 = tpu.memref_slice %arg2[%dma_start3A_12, %dma_start3A_13] : memref<10240x128xf32, #tpu.memory_space<hbm>> -> memref<10240x128xf32, #tpu.memory_space<hbm>>
    tpu.enqueue_indirect_dma source(%dma_start3A_14 : memref<10240x128xf32, #tpu.memory_space<hbm>>) target(%dma_start3A_8 : memref<64x128xf32, #tpu.memory_space<vmem>>) offsets(%dma_start3A_11 : memref<64xi32, #tpu.memory_space<vmem>>) semaphore(%arg9 : memref<!tpu.dma_semaphore, #tpu.memory_space<semaphore_mem>>)
    %dma_start3A_15 = arith.constant 0 : i32
    %dma_start3A_16 = arith.constant 64 : i32
    %dma_start3A_17 = arith.constant 0 : i32
    %dma_start3A_18 = tpu.memref_slice %arg7[%dma_start3A_16, %dma_start3A_17] : memref<128x128xf32, #tpu.memory_space<vmem>> -> memref<64x128xf32, #tpu.memory_space<vmem>>
    %dma_start3A_19 = arith.constant 64 : i32
    %dma_start3A_20 = tpu.memref_slice %arg6[%dma_start3A_15, %dma_start3A_19] : memref<80x128xi32, #tpu.memory_space<vmem>> -> memref<1x64xi32, #tpu.memory_space<vmem>>
    %dma_start3A_21 = tpu.memref_squeeze %dma_start3A_20 : memref<1x64xi32, #tpu.memory_space<vmem>> -> memref<64xi32, #tpu.memory_space<vmem>>
    %dma_start3A_22 = arith.constant 0 : i32
    %dma_start3A_23 = arith.constant 0 : i32
    %dma_start3A_24 = tpu.memref_slice %arg2[%dma_start3A_22, %dma_start3A_23] : memref<10240x128xf32, #tpu.memory_space<hbm>> -> memref<10240x128xf32, #tpu.memory_space<hbm>>
    tpu.enqueue_indirect_dma source(%dma_start3A_24 : memref<10240x128xf32, #tpu.memory_space<hbm>>) target(%dma_start3A_18 : memref<64x128xf32, #tpu.memory_space<vmem>>) offsets(%dma_start3A_21 : memref<64xi32, #tpu.memory_space<vmem>>) semaphore(%arg10 : memref<!tpu.dma_semaphore, #tpu.memory_space<semaphore_mem>>)
    %dma_start3A_25 = arith.constant 2 : i32
    %dma_start3A_26 = arith.constant 0 : i32
    %dma_start3A_27 = arith.constant 0 : i32
    %dma_start3A_28 = tpu.memref_slice %arg8[%dma_start3A_26, %dma_start3A_27] : memref<128x128xf32, #tpu.memory_space<vmem>> -> memref<64x128xf32, #tpu.memory_space<vmem>>
    %dma_start3A_29 = arith.constant 0 : i32
    %dma_start3A_30 = tpu.memref_slice %arg6[%dma_start3A_25, %dma_start3A_29] : memref<80x128xi32, #tpu.memory_space<vmem>> -> memref<1x64xi32, #tpu.memory_space<vmem>>
    %dma_start3A_31 = tpu.memref_squeeze %dma_start3A_30 : memref<1x64xi32, #tpu.memory_space<vmem>> -> memref<64xi32, #tpu.memory_space<vmem>>
    %dma_start3A_32 = arith.constant 0 : i32
    %dma_start3A_33 = arith.constant 0 : i32
    %dma_start3A_34 = tpu.memref_slice %arg2[%dma_start3A_32, %dma_start3A_33] : memref<10240x128xf32, #tpu.memory_space<hbm>> -> memref<10240x128xf32, #tpu.memory_space<hbm>>
    tpu.enqueue_indirect_dma source(%dma_start3A_34 : memref<10240x128xf32, #tpu.memory_space<hbm>>) target(%dma_start3A_28 : memref<64x128xf32, #tpu.memory_space<vmem>>) offsets(%dma_start3A_31 : memref<64xi32, #tpu.memory_space<vmem>>) semaphore(%arg11 : memref<!tpu.dma_semaphore, #tpu.memory_space<semaphore_mem>>)
    %dma_start3A_35 = arith.constant 2 : i32
    %dma_start3A_36 = arith.constant 64 : i32
    %dma_start3A_37 = arith.constant 0 : i32
    %dma_start3A_38 = tpu.memref_slice %arg8[%dma_start3A_36, %dma_start3A_37] : memref<128x128xf32, #tpu.memory_space<vmem>> -> memref<64x128xf32, #tpu.memory_space<vmem>>
    %dma_start3A_39 = arith.constant 64 : i32
    %dma_start3A_40 = tpu.memref_slice %arg6[%dma_start3A_35, %dma_start3A_39] : memref<80x128xi32, #tpu.memory_space<vmem>> -> memref<1x64xi32, #tpu.memory_space<vmem>>
    %dma_start3A_41 = tpu.memref_squeeze %dma_start3A_40 : memref<1x64xi32, #tpu.memory_space<vmem>> -> memref<64xi32, #tpu.memory_space<vmem>>
    %dma_start3A_42 = arith.constant 0 : i32
    %dma_start3A_43 = arith.constant 0 : i32
    %dma_start3A_44 = tpu.memref_slice %arg2[%dma_start3A_42, %dma_start3A_43] : memref<10240x128xf32, #tpu.memory_space<hbm>> -> memref<10240x128xf32, #tpu.memory_space<hbm>>
    tpu.enqueue_indirect_dma source(%dma_start3A_44 : memref<10240x128xf32, #tpu.memory_space<hbm>>) target(%dma_start3A_38 : memref<64x128xf32, #tpu.memory_space<vmem>>) offsets(%dma_start3A_41 : memref<64xi32, #tpu.memory_space<vmem>>) semaphore(%arg12 : memref<!tpu.dma_semaphore, #tpu.memory_space<semaphore_mem>>)
    %scan3A = arith.constant 0 : i32
    %scan3A_45 = arith.constant 0 : i32
    %scan3A_46 = arith.constant 20 : i32
    %scan3A_47 = arith.addi %scan3A_45, %scan3A_46 : i32
    %scan3A_48 = arith.constant 1 : i32
    scf.for %scan3A_110 = %scan3A_45 to %scan3A_47 step %scan3A_48  : i32 {
      %mul3A_111 = arith.constant 2 : i32
      %mul3A_112 = arith.muli %scan3A_110, %mul3A_111 : i32
      %add3A_113 = arith.constant 0 : i32
      %add3A_114 = arith.addi %mul3A_112, %add3A_113 : i32
      %mul3A_115 = arith.constant 2 : i32
      %mul3A_116 = arith.muli %mul3A_115, %add3A_114 : i32
      %mul3A_117 = arith.constant 2 : i32
      %mul3A_118 = arith.muli %mul3A_117, %add3A_114 : i32
      %dma_wait3A = arith.constant 0 : i32
      %dma_wait3A_119 = arith.constant 0 : i32
      %dma_wait3A_120 = tpu.memref_slice %arg7[%dma_wait3A, %dma_wait3A_119] : memref<128x128xf32, #tpu.memory_space<vmem>> -> memref<64x128xf32, #tpu.memory_space<vmem>>
      %dma_wait3A_121 = arith.constant 0 : i32
      %dma_wait3A_122 = tpu.memref_slice %arg6[%mul3A_116, %dma_wait3A_121] : memref<80x128xi32, #tpu.memory_space<vmem>> -> memref<1x64xi32, #tpu.memory_space<vmem>>
      %dma_wait3A_123 = tpu.memref_squeeze %dma_wait3A_122 : memref<1x64xi32, #tpu.memory_space<vmem>> -> memref<64xi32, #tpu.memory_space<vmem>>
      %dma_wait3A_124 = arith.constant 0 : i32
      %dma_wait3A_125 = arith.constant 0 : i32
      %dma_wait3A_126 = tpu.memref_slice %arg2[%dma_wait3A_124, %dma_wait3A_125] : memref<10240x128xf32, #tpu.memory_space<hbm>> -> memref<10240x128xf32, #tpu.memory_space<hbm>>
      tpu.wait_indirect_dma semaphore(%arg9 : memref<!tpu.dma_semaphore, #tpu.memory_space<semaphore_mem>>) src(%dma_wait3A_126 : memref<10240x128xf32, #tpu.memory_space<hbm>>) dst(%dma_wait3A_120 : memref<64x128xf32, #tpu.memory_space<vmem>>)
      %dma_wait3A_127 = arith.constant 64 : i32
      %dma_wait3A_128 = arith.constant 0 : i32
      %dma_wait3A_129 = tpu.memref_slice %arg7[%dma_wait3A_127, %dma_wait3A_128] : memref<128x128xf32, #tpu.memory_space<vmem>> -> memref<64x128xf32, #tpu.memory_space<vmem>>
      %dma_wait3A_130 = arith.constant 64 : i32
      %dma_wait3A_131 = tpu.memref_slice %arg6[%mul3A_118, %dma_wait3A_130] : memref<80x128xi32, #tpu.memory_space<vmem>> -> memref<1x64xi32, #tpu.memory_space<vmem>>
      %dma_wait3A_132 = tpu.memref_squeeze %dma_wait3A_131 : memref<1x64xi32, #tpu.memory_space<vmem>> -> memref<64xi32, #tpu.memory_space<vmem>>
      %dma_wait3A_133 = arith.constant 0 : i32
      %dma_wait3A_134 = arith.constant 0 : i32
      %dma_wait3A_135 = tpu.memref_slice %arg2[%dma_wait3A_133, %dma_wait3A_134] : memref<10240x128xf32, #tpu.memory_space<hbm>> -> memref<10240x128xf32, #tpu.memory_space<hbm>>
      tpu.wait_indirect_dma semaphore(%arg10 : memref<!tpu.dma_semaphore, #tpu.memory_space<semaphore_mem>>) src(%dma_wait3A_135 : memref<10240x128xf32, #tpu.memory_space<hbm>>) dst(%dma_wait3A_129 : memref<64x128xf32, #tpu.memory_space<vmem>>)
      %mul3A_136 = arith.constant 2 : i32
      %mul3A_137 = arith.muli %mul3A_136, %add3A_114 : i32
      %add3A_138 = arith.constant 1 : i32
      %add3A_139 = arith.addi %mul3A_137, %add3A_138 : i32
      "tpu.region"() ({
        %run_scoped3A = tpu.sem_alloc : memref<!tpu.dma_semaphore, #tpu.memory_space<semaphore_mem>>
        %dma_start3A_175 = arith.constant 0 : i32
        %dma_start3A_176 = tpu.memref_slice %arg6[%add3A_139, %dma_start3A_175] : memref<80x128xi32, #tpu.memory_space<vmem>> -> memref<1x128xi32, #tpu.memory_space<vmem>>
        %dma_start3A_177 = tpu.memref_squeeze %dma_start3A_176 : memref<1x128xi32, #tpu.memory_space<vmem>> -> memref<128xi32, #tpu.memory_space<vmem>>
        %dma_start3A_178 = arith.constant 0 : i32
        %dma_start3A_179 = arith.constant 0 : i32
        %dma_start3A_180 = tpu.memref_slice %arg13[%dma_start3A_178, %dma_start3A_179] : memref<10240x128xf32, #tpu.memory_space<vmem_shared>> -> memref<10240x128xf32, #tpu.memory_space<vmem_shared>>
        tpu.enqueue_indirect_dma source(%arg7 : memref<128x128xf32, #tpu.memory_space<vmem>>) target(%dma_start3A_180 : memref<10240x128xf32, #tpu.memory_space<vmem_shared>>) offsets(%dma_start3A_177 : memref<128xi32, #tpu.memory_space<vmem>>) semaphore(%run_scoped3A : memref<!tpu.dma_semaphore, #tpu.memory_space<semaphore_mem>>) {add = true}
        %dma_wait3A_181 = arith.constant 0 : i32
        %dma_wait3A_182 = tpu.memref_slice %arg6[%add3A_139, %dma_wait3A_181] : memref<80x128xi32, #tpu.memory_space<vmem>> -> memref<1x128xi32, #tpu.memory_space<vmem>>
        %dma_wait3A_183 = tpu.memref_squeeze %dma_wait3A_182 : memref<1x128xi32, #tpu.memory_space<vmem>> -> memref<128xi32, #tpu.memory_space<vmem>>
        %dma_wait3A_184 = arith.constant 0 : i32
        %dma_wait3A_185 = arith.constant 0 : i32
        %dma_wait3A_186 = tpu.memref_slice %arg13[%dma_wait3A_184, %dma_wait3A_185] : memref<10240x128xf32, #tpu.memory_space<vmem_shared>> -> memref<10240x128xf32, #tpu.memory_space<vmem_shared>>
        tpu.wait_indirect_dma semaphore(%run_scoped3A : memref<!tpu.dma_semaphore, #tpu.memory_space<semaphore_mem>>) src(%arg7 : memref<128x128xf32, #tpu.memory_space<vmem>>) dst(%dma_wait3A_186 : memref<10240x128xf32, #tpu.memory_space<vmem_shared>>)
        tpu.yield
      }) : () -> ()
      %lt3A = arith.constant 19 : i32
      %lt3A_140 = arith.cmpi slt, %scan3A_110, %lt3A : i32
      %convert_element_type3A = arith.extui %lt3A_140 : i1 to i32
      %cond3A = arith.constant 0 : i32
      %cond3A_141 = arith.cmpi ne, %convert_element_type3A, %cond3A : i32
      scf.if %cond3A_141 {
        %add3A_175 = arith.constant 2 : i32
        %add3A_176 = arith.addi %add3A_114, %add3A_175 : i32
        %mul3A_177 = arith.constant 2 : i32
        %mul3A_178 = arith.muli %mul3A_177, %add3A_176 : i32
        %mul3A_179 = arith.constant 2 : i32
        %mul3A_180 = arith.muli %mul3A_179, %add3A_176 : i32
        %dma_start3A_181 = arith.constant 0 : i32
        %dma_start3A_182 = arith.constant 0 : i32
        %dma_start3A_183 = tpu.memref_slice %arg7[%dma_start3A_181, %dma_start3A_182] : memref<128x128xf32, #tpu.memory_space<vmem>> -> memref<64x128xf32, #tpu.memory_space<vmem>>
        %dma_start3A_184 = arith.constant 0 : i32
        %dma_start3A_185 = tpu.memref_slice %arg6[%mul3A_178, %dma_start3A_184] : memref<80x128xi32, #tpu.memory_space<vmem>> -> memref<1x64xi32, #tpu.memory_space<vmem>>
        %dma_start3A_186 = tpu.memref_squeeze %dma_start3A_185 : memref<1x64xi32, #tpu.memory_space<vmem>> -> memref<64xi32, #tpu.memory_space<vmem>>
        %dma_start3A_187 = arith.constant 0 : i32
        %dma_start3A_188 = arith.constant 0 : i32
        %dma_start3A_189 = tpu.memref_slice %arg2[%dma_start3A_187, %dma_start3A_188] : memref<10240x128xf32, #tpu.memory_space<hbm>> -> memref<10240x128xf32, #tpu.memory_space<hbm>>
        tpu.enqueue_indirect_dma source(%dma_start3A_189 : memref<10240x128xf32, #tpu.memory_space<hbm>>) target(%dma_start3A_183 : memref<64x128xf32, #tpu.memory_space<vmem>>) offsets(%dma_start3A_186 : memref<64xi32, #tpu.memory_space<vmem>>) semaphore(%arg9 : memref<!tpu.dma_semaphore, #tpu.memory_space<semaphore_mem>>)
        %dma_start3A_190 = arith.constant 64 : i32
        %dma_start3A_191 = arith.constant 0 : i32
        %dma_start3A_192 = tpu.memref_slice %arg7[%dma_start3A_190, %dma_start3A_191] : memref<128x128xf32, #tpu.memory_space<vmem>> -> memref<64x128xf32, #tpu.memory_space<vmem>>
        %dma_start3A_193 = arith.constant 64 : i32
        %dma_start3A_194 = tpu.memref_slice %arg6[%mul3A_180, %dma_start3A_193] : memref<80x128xi32, #tpu.memory_space<vmem>> -> memref<1x64xi32, #tpu.memory_space<vmem>>
        %dma_start3A_195 = tpu.memref_squeeze %dma_start3A_194 : memref<1x64xi32, #tpu.memory_space<vmem>> -> memref<64xi32, #tpu.memory_space<vmem>>
        %dma_start3A_196 = arith.constant 0 : i32
        %dma_start3A_197 = arith.constant 0 : i32
        %dma_start3A_198 = tpu.memref_slice %arg2[%dma_start3A_196, %dma_start3A_197] : memref<10240x128xf32, #tpu.memory_space<hbm>> -> memref<10240x128xf32, #tpu.memory_space<hbm>>
        tpu.enqueue_indirect_dma source(%dma_start3A_198 : memref<10240x128xf32, #tpu.memory_space<hbm>>) target(%dma_start3A_192 : memref<64x128xf32, #tpu.memory_space<vmem>>) offsets(%dma_start3A_195 : memref<64xi32, #tpu.memory_space<vmem>>) semaphore(%arg10 : memref<!tpu.dma_semaphore, #tpu.memory_space<semaphore_mem>>)
      } else {
      }
      %add3A_142 = arith.constant 1 : i32
      %add3A_143 = arith.addi %mul3A_112, %add3A_142 : i32
      %mul3A_144 = arith.constant 2 : i32
      %mul3A_145 = arith.muli %mul3A_144, %add3A_143 : i32
      %mul3A_146 = arith.constant 2 : i32
      %mul3A_147 = arith.muli %mul3A_146, %add3A_143 : i32
      %dma_wait3A_148 = arith.constant 0 : i32
      %dma_wait3A_149 = arith.constant 0 : i32
      %dma_wait3A_150 = tpu.memref_slice %arg8[%dma_wait3A_148, %dma_wait3A_149] : memref<128x128xf32, #tpu.memory_space<vmem>> -> memref<64x128xf32, #tpu.memory_space<vmem>>
      %dma_wait3A_151 = arith.constant 0 : i32
      %dma_wait3A_152 = tpu.memref_slice %arg6[%mul3A_145, %dma_wait3A_151] : memref<80x128xi32, #tpu.memory_space<vmem>> -> memref<1x64xi32, #tpu.memory_space<vmem>>
      %dma_wait3A_153 = tpu.memref_squeeze %dma_wait3A_152 : memref<1x64xi32, #tpu.memory_space<vmem>> -> memref<64xi32, #tpu.memory_space<vmem>>
      %dma_wait3A_154 = arith.constant 0 : i32
      %dma_wait3A_155 = arith.constant 0 : i32
      %dma_wait3A_156 = tpu.memref_slice %arg2[%dma_wait3A_154, %dma_wait3A_155] : memref<10240x128xf32, #tpu.memory_space<hbm>> -> memref<10240x128xf32, #tpu.memory_space<hbm>>
      tpu.wait_indirect_dma semaphore(%arg11 : memref<!tpu.dma_semaphore, #tpu.memory_space<semaphore_mem>>) src(%dma_wait3A_156 : memref<10240x128xf32, #tpu.memory_space<hbm>>) dst(%dma_wait3A_150 : memref<64x128xf32, #tpu.memory_space<vmem>>)
      %dma_wait3A_157 = arith.constant 64 : i32
      %dma_wait3A_158 = arith.constant 0 : i32
      %dma_wait3A_159 = tpu.memref_slice %arg8[%dma_wait3A_157, %dma_wait3A_158] : memref<128x128xf32, #tpu.memory_space<vmem>> -> memref<64x128xf32, #tpu.memory_space<vmem>>
      %dma_wait3A_160 = arith.constant 64 : i32
      %dma_wait3A_161 = tpu.memref_slice %arg6[%mul3A_147, %dma_wait3A_160] : memref<80x128xi32, #tpu.memory_space<vmem>> -> memref<1x64xi32, #tpu.memory_space<vmem>>
      %dma_wait3A_162 = tpu.memref_squeeze %dma_wait3A_161 : memref<1x64xi32, #tpu.memory_space<vmem>> -> memref<64xi32, #tpu.memory_space<vmem>>
      %dma_wait3A_163 = arith.constant 0 : i32
      %dma_wait3A_164 = arith.constant 0 : i32
      %dma_wait3A_165 = tpu.memref_slice %arg2[%dma_wait3A_163, %dma_wait3A_164] : memref<10240x128xf32, #tpu.memory_space<hbm>> -> memref<10240x128xf32, #tpu.memory_space<hbm>>
      tpu.wait_indirect_dma semaphore(%arg12 : memref<!tpu.dma_semaphore, #tpu.memory_space<semaphore_mem>>) src(%dma_wait3A_165 : memref<10240x128xf32, #tpu.memory_space<hbm>>) dst(%dma_wait3A_159 : memref<64x128xf32, #tpu.memory_space<vmem>>)
      %mul3A_166 = arith.constant 2 : i32
      %mul3A_167 = arith.muli %mul3A_166, %add3A_143 : i32
      %add3A_168 = arith.constant 1 : i32
      %add3A_169 = arith.addi %mul3A_167, %add3A_168 : i32
      "tpu.region"() ({
        %run_scoped3A = tpu.sem_alloc : memref<!tpu.dma_semaphore, #tpu.memory_space<semaphore_mem>>
        %dma_start3A_175 = arith.constant 0 : i32
        %dma_start3A_176 = tpu.memref_slice %arg6[%add3A_169, %dma_start3A_175] : memref<80x128xi32, #tpu.memory_space<vmem>> -> memref<1x128xi32, #tpu.memory_space<vmem>>
        %dma_start3A_177 = tpu.memref_squeeze %dma_start3A_176 : memref<1x128xi32, #tpu.memory_space<vmem>> -> memref<128xi32, #tpu.memory_space<vmem>>
        %dma_start3A_178 = arith.constant 0 : i32
        %dma_start3A_179 = arith.constant 0 : i32
        %dma_start3A_180 = tpu.memref_slice %arg13[%dma_start3A_178, %dma_start3A_179] : memref<10240x128xf32, #tpu.memory_space<vmem_shared>> -> memref<10240x128xf32, #tpu.memory_space<vmem_shared>>
        tpu.enqueue_indirect_dma source(%arg8 : memref<128x128xf32, #tpu.memory_space<vmem>>) target(%dma_start3A_180 : memref<10240x128xf32, #tpu.memory_space<vmem_shared>>) offsets(%dma_start3A_177 : memref<128xi32, #tpu.memory_space<vmem>>) semaphore(%run_scoped3A : memref<!tpu.dma_semaphore, #tpu.memory_space<semaphore_mem>>) {add = true}
        %dma_wait3A_181 = arith.constant 0 : i32
        %dma_wait3A_182 = tpu.memref_slice %arg6[%add3A_169, %dma_wait3A_181] : memref<80x128xi32, #tpu.memory_space<vmem>> -> memref<1x128xi32, #tpu.memory_space<vmem>>
        %dma_wait3A_183 = tpu.memref_squeeze %dma_wait3A_182 : memref<1x128xi32, #tpu.memory_space<vmem>> -> memref<128xi32, #tpu.memory_space<vmem>>
        %dma_wait3A_184 = arith.constant 0 : i32
        %dma_wait3A_185 = arith.constant 0 : i32
        %dma_wait3A_186 = tpu.memref_slice %arg13[%dma_wait3A_184, %dma_wait3A_185] : memref<10240x128xf32, #tpu.memory_space<vmem_shared>> -> memref<10240x128xf32, #tpu.memory_space<vmem_shared>>
        tpu.wait_indirect_dma semaphore(%run_scoped3A : memref<!tpu.dma_semaphore, #tpu.memory_space<semaphore_mem>>) src(%arg8 : memref<128x128xf32, #tpu.memory_space<vmem>>) dst(%dma_wait3A_186 : memref<10240x128xf32, #tpu.memory_space<vmem_shared>>)
        tpu.yield
      }) : () -> ()
      %lt3A_170 = arith.constant 19 : i32
      %lt3A_171 = arith.cmpi slt, %scan3A_110, %lt3A_170 : i32
      %convert_element_type3A_172 = arith.extui %lt3A_171 : i1 to i32
      %cond3A_173 = arith.constant 0 : i32
      %cond3A_174 = arith.cmpi ne, %convert_element_type3A_172, %cond3A_173 : i32
      scf.if %cond3A_174 {
        %add3A_175 = arith.constant 2 : i32
        %add3A_176 = arith.addi %add3A_143, %add3A_175 : i32
        %mul3A_177 = arith.constant 2 : i32
        %mul3A_178 = arith.muli %mul3A_177, %add3A_176 : i32
        %mul3A_179 = arith.constant 2 : i32
        %mul3A_180 = arith.muli %mul3A_179, %add3A_176 : i32
        %dma_start3A_181 = arith.constant 0 : i32
        %dma_start3A_182 = arith.constant 0 : i32
        %dma_start3A_183 = tpu.memref_slice %arg8[%dma_start3A_181, %dma_start3A_182] : memref<128x128xf32, #tpu.memory_space<vmem>> -> memref<64x128xf32, #tpu.memory_space<vmem>>
        %dma_start3A_184 = arith.constant 0 : i32
        %dma_start3A_185 = tpu.memref_slice %arg6[%mul3A_178, %dma_start3A_184] : memref<80x128xi32, #tpu.memory_space<vmem>> -> memref<1x64xi32, #tpu.memory_space<vmem>>
        %dma_start3A_186 = tpu.memref_squeeze %dma_start3A_185 : memref<1x64xi32, #tpu.memory_space<vmem>> -> memref<64xi32, #tpu.memory_space<vmem>>
        %dma_start3A_187 = arith.constant 0 : i32
        %dma_start3A_188 = arith.constant 0 : i32
        %dma_start3A_189 = tpu.memref_slice %arg2[%dma_start3A_187, %dma_start3A_188] : memref<10240x128xf32, #tpu.memory_space<hbm>> -> memref<10240x128xf32, #tpu.memory_space<hbm>>
        tpu.enqueue_indirect_dma source(%dma_start3A_189 : memref<10240x128xf32, #tpu.memory_space<hbm>>) target(%dma_start3A_183 : memref<64x128xf32, #tpu.memory_space<vmem>>) offsets(%dma_start3A_186 : memref<64xi32, #tpu.memory_space<vmem>>) semaphore(%arg11 : memref<!tpu.dma_semaphore, #tpu.memory_space<semaphore_mem>>)
        %dma_start3A_190 = arith.constant 64 : i32
        %dma_start3A_191 = arith.constant 0 : i32
        %dma_start3A_192 = tpu.memref_slice %arg8[%dma_start3A_190, %dma_start3A_191] : memref<128x128xf32, #tpu.memory_space<vmem>> -> memref<64x128xf32, #tpu.memory_space<vmem>>
        %dma_start3A_193 = arith.constant 64 : i32
        %dma_start3A_194 = tpu.memref_slice %arg6[%mul3A_180, %dma_start3A_193] : memref<80x128xi32, #tpu.memory_space<vmem>> -> memref<1x64xi32, #tpu.memory_space<vmem>>
        %dma_start3A_195 = tpu.memref_squeeze %dma_start3A_194 : memref<1x64xi32, #tpu.memory_space<vmem>> -> memref<64xi32, #tpu.memory_space<vmem>>
        %dma_start3A_196 = arith.constant 0 : i32
        %dma_start3A_197 = arith.constant 0 : i32
        %dma_start3A_198 = tpu.memref_slice %arg2[%dma_start3A_196, %dma_start3A_197] : memref<10240x128xf32, #tpu.memory_space<hbm>> -> memref<10240x128xf32, #tpu.memory_space<hbm>>
        tpu.enqueue_indirect_dma source(%dma_start3A_198 : memref<10240x128xf32, #tpu.memory_space<hbm>>) target(%dma_start3A_192 : memref<64x128xf32, #tpu.memory_space<vmem>>) offsets(%dma_start3A_195 : memref<64xi32, #tpu.memory_space<vmem>>) semaphore(%arg12 : memref<!tpu.dma_semaphore, #tpu.memory_space<semaphore_mem>>)
      } else {
      }
    }
    %scan3A_49 = arith.constant 20 : i32
    %mul3A_50 = arith.constant 80 : i32
    %mul3A_51 = arith.muli %arg0, %mul3A_50 : i32
    %mul3A_52 = arith.constant 2 : i32
    %mul3A_53 = arith.muli %mul3A_51, %mul3A_52 : i32
    %add3A_54 = arith.constant 80 : i32
    %add3A_55 = arith.addi %mul3A_53, %add3A_54 : i32
    "tpu.region"() ({
      %run_scoped3A = tpu.sem_alloc : memref<!tpu.dma_semaphore, #tpu.memory_space<semaphore_mem>>
      %dma_start3A_110 = arith.constant 0 : i32
      %dma_start3A_111 = tpu.memref_slice %arg3[%arg1, %add3A_55, %dma_start3A_110] : memref<16x320x128xi32, #tpu.memory_space<hbm>> -> memref<1x80x128xi32, #tpu.memory_space<hbm>>
      %dma_start3A_112 = tpu.memref_squeeze %dma_start3A_111 : memref<1x80x128xi32, #tpu.memory_space<hbm>> -> memref<80x128xi32, #tpu.memory_space<hbm>>
      %dma_start3A_113 = arith.constant 0 : i32
      %dma_start3A_114 = tpu.memref_slice %arg3[%arg1, %add3A_55, %dma_start3A_113] : memref<16x320x128xi32, #tpu.memory_space<hbm>> -> memref<1x80x128xi32, #tpu.memory_space<hbm>>
      %dma_start3A_115 = tpu.memref_squeeze %dma_start3A_114 : memref<1x80x128xi32, #tpu.memory_space<hbm>> -> memref<80x128xi32, #tpu.memory_space<hbm>>
      tpu.enqueue_dma source(%dma_start3A_115 : memref<80x128xi32, #tpu.memory_space<hbm>>) target(%arg6 : memref<80x128xi32, #tpu.memory_space<vmem>>) target_semaphore(%run_scoped3A : memref<!tpu.dma_semaphore, #tpu.memory_space<semaphore_mem>>)
      %dma_wait3A = arith.constant 0 : i32
      %dma_wait3A_116 = tpu.memref_slice %arg3[%arg1, %add3A_55, %dma_wait3A] : memref<16x320x128xi32, #tpu.memory_space<hbm>> -> memref<1x80x128xi32, #tpu.memory_space<hbm>>
      %dma_wait3A_117 = tpu.memref_squeeze %dma_wait3A_116 : memref<1x80x128xi32, #tpu.memory_space<hbm>> -> memref<80x128xi32, #tpu.memory_space<hbm>>
      %dma_wait3A_118 = arith.constant 0 : i32
      %dma_wait3A_119 = tpu.memref_slice %arg3[%arg1, %add3A_55, %dma_wait3A_118] : memref<16x320x128xi32, #tpu.memory_space<hbm>> -> memref<1x80x128xi32, #tpu.memory_space<hbm>>
      %dma_wait3A_120 = tpu.memref_squeeze %dma_wait3A_119 : memref<1x80x128xi32, #tpu.memory_space<hbm>> -> memref<80x128xi32, #tpu.memory_space<hbm>>
      tpu.wait_dma2 semaphore(%run_scoped3A : memref<!tpu.dma_semaphore, #tpu.memory_space<semaphore_mem>>) src(%dma_wait3A_120 : memref<80x128xi32, #tpu.memory_space<hbm>>) dst(%arg6 : memref<80x128xi32, #tpu.memory_space<vmem>>)
      tpu.yield
    }) : () -> ()
    %dma_start3A_56 = arith.constant 0 : i32
    %dma_start3A_57 = arith.constant 0 : i32
    %dma_start3A_58 = arith.constant 0 : i32
    %dma_start3A_59 = tpu.memref_slice %arg7[%dma_start3A_57, %dma_start3A_58] : memref<128x128xf32, #tpu.memory_space<vmem>> -> memref<64x128xf32, #tpu.memory_space<vmem>>
    %dma_start3A_60 = arith.constant 0 : i32
    %dma_start3A_61 = tpu.memref_slice %arg6[%dma_start3A_56, %dma_start3A_60] : memref<80x128xi32, #tpu.memory_space<vmem>> -> memref<1x64xi32, #tpu.memory_space<vmem>>
    %dma_start3A_62 = tpu.memref_squeeze %dma_start3A_61 : memref<1x64xi32, #tpu.memory_space<vmem>> -> memref<64xi32, #tpu.memory_space<vmem>>
    %dma_start3A_63 = arith.constant 0 : i32
    %dma_start3A_64 = arith.constant 0 : i32
    %dma_start3A_65 = tpu.memref_slice %arg2[%dma_start3A_63, %dma_start3A_64] : memref<10240x128xf32, #tpu.memory_space<hbm>> -> memref<10240x128xf32, #tpu.memory_space<hbm>>
    tpu.enqueue_indirect_dma source(%dma_start3A_65 : memref<10240x128xf32, #tpu.memory_space<hbm>>) target(%dma_start3A_59 : memref<64x128xf32, #tpu.memory_space<vmem>>) offsets(%dma_start3A_62 : memref<64xi32, #tpu.memory_space<vmem>>) semaphore(%arg9 : memref<!tpu.dma_semaphore, #tpu.memory_space<semaphore_mem>>)
    %dma_start3A_66 = arith.constant 0 : i32
    %dma_start3A_67 = arith.constant 64 : i32
    %dma_start3A_68 = arith.constant 0 : i32
    %dma_start3A_69 = tpu.memref_slice %arg7[%dma_start3A_67, %dma_start3A_68] : memref<128x128xf32, #tpu.memory_space<vmem>> -> memref<64x128xf32, #tpu.memory_space<vmem>>
    %dma_start3A_70 = arith.constant 64 : i32
    %dma_start3A_71 = tpu.memref_slice %arg6[%dma_start3A_66, %dma_start3A_70] : memref<80x128xi32, #tpu.memory_space<vmem>> -> memref<1x64xi32, #tpu.memory_space<vmem>>
    %dma_start3A_72 = tpu.memref_squeeze %dma_start3A_71 : memref<1x64xi32, #tpu.memory_space<vmem>> -> memref<64xi32, #tpu.memory_space<vmem>>
    %dma_start3A_73 = arith.constant 0 : i32
    %dma_start3A_74 = arith.constant 0 : i32
    %dma_start3A_75 = tpu.memref_slice %arg2[%dma_start3A_73, %dma_start3A_74] : memref<10240x128xf32, #tpu.memory_space<hbm>> -> memref<10240x128xf32, #tpu.memory_space<hbm>>
    tpu.enqueue_indirect_dma source(%dma_start3A_75 : memref<10240x128xf32, #tpu.memory_space<hbm>>) target(%dma_start3A_69 : memref<64x128xf32, #tpu.memory_space<vmem>>) offsets(%dma_start3A_72 : memref<64xi32, #tpu.memory_space<vmem>>) semaphore(%arg10 : memref<!tpu.dma_semaphore, #tpu.memory_space<semaphore_mem>>)
    %dma_start3A_76 = arith.constant 2 : i32
    %dma_start3A_77 = arith.constant 0 : i32
    %dma_start3A_78 = arith.constant 0 : i32
    %dma_start3A_79 = tpu.memref_slice %arg8[%dma_start3A_77, %dma_start3A_78] : memref<128x128xf32, #tpu.memory_space<vmem>> -> memref<64x128xf32, #tpu.memory_space<vmem>>
    %dma_start3A_80 = arith.constant 0 : i32
    %dma_start3A_81 = tpu.memref_slice %arg6[%dma_start3A_76, %dma_start3A_80] : memref<80x128xi32, #tpu.memory_space<vmem>> -> memref<1x64xi32, #tpu.memory_space<vmem>>
    %dma_start3A_82 = tpu.memref_squeeze %dma_start3A_81 : memref<1x64xi32, #tpu.memory_space<vmem>> -> memref<64xi32, #tpu.memory_space<vmem>>
    %dma_start3A_83 = arith.constant 0 : i32
    %dma_start3A_84 = arith.constant 0 : i32
    %dma_start3A_85 = tpu.memref_slice %arg2[%dma_start3A_83, %dma_start3A_84] : memref<10240x128xf32, #tpu.memory_space<hbm>> -> memref<10240x128xf32, #tpu.memory_space<hbm>>
    tpu.enqueue_indirect_dma source(%dma_start3A_85 : memref<10240x128xf32, #tpu.memory_space<hbm>>) target(%dma_start3A_79 : memref<64x128xf32, #tpu.memory_space<vmem>>) offsets(%dma_start3A_82 : memref<64xi32, #tpu.memory_space<vmem>>) semaphore(%arg11 : memref<!tpu.dma_semaphore, #tpu.memory_space<semaphore_mem>>)
    %dma_start3A_86 = arith.constant 2 : i32
    %dma_start3A_87 = arith.constant 64 : i32
    %dma_start3A_88 = arith.constant 0 : i32
    %dma_start3A_89 = tpu.memref_slice %arg8[%dma_start3A_87, %dma_start3A_88] : memref<128x128xf32, #tpu.memory_space<vmem>> -> memref<64x128xf32, #tpu.memory_space<vmem>>
    %dma_start3A_90 = arith.constant 64 : i32
    %dma_start3A_91 = tpu.memref_slice %arg6[%dma_start3A_86, %dma_start3A_90] : memref<80x128xi32, #tpu.memory_space<vmem>> -> memref<1x64xi32, #tpu.memory_space<vmem>>
    %dma_start3A_92 = tpu.memref_squeeze %dma_start3A_91 : memref<1x64xi32, #tpu.memory_space<vmem>> -> memref<64xi32, #tpu.memory_space<vmem>>
    %dma_start3A_93 = arith.constant 0 : i32
    %dma_start3A_94 = arith.constant 0 : i32
    %dma_start3A_95 = tpu.memref_slice %arg2[%dma_start3A_93, %dma_start3A_94] : memref<10240x128xf32, #tpu.memory_space<hbm>> -> memref<10240x128xf32, #tpu.memory_space<hbm>>
    tpu.enqueue_indirect_dma source(%dma_start3A_95 : memref<10240x128xf32, #tpu.memory_space<hbm>>) target(%dma_start3A_89 : memref<64x128xf32, #tpu.memory_space<vmem>>) offsets(%dma_start3A_92 : memref<64xi32, #tpu.memory_space<vmem>>) semaphore(%arg12 : memref<!tpu.dma_semaphore, #tpu.memory_space<semaphore_mem>>)
    %scan3A_96 = arith.constant 0 : i32
    %scan3A_97 = arith.constant 0 : i32
    %scan3A_98 = arith.constant 20 : i32
    %scan3A_99 = arith.addi %scan3A_97, %scan3A_98 : i32
    %scan3A_100 = arith.constant 1 : i32
    scf.for %scan3A_110 = %scan3A_97 to %scan3A_99 step %scan3A_100  : i32 {
      %mul3A_111 = arith.constant 2 : i32
      %mul3A_112 = arith.muli %scan3A_110, %mul3A_111 : i32
      %add3A_113 = arith.constant 0 : i32
      %add3A_114 = arith.addi %mul3A_112, %add3A_113 : i32
      %mul3A_115 = arith.constant 2 : i32
      %mul3A_116 = arith.muli %mul3A_115, %add3A_114 : i32
      %mul3A_117 = arith.constant 2 : i32
      %mul3A_118 = arith.muli %mul3A_117, %add3A_114 : i32
      %dma_wait3A = arith.constant 0 : i32
      %dma_wait3A_119 = arith.constant 0 : i32
      %dma_wait3A_120 = tpu.memref_slice %arg7[%dma_wait3A, %dma_wait3A_119] : memref<128x128xf32, #tpu.memory_space<vmem>> -> memref<64x128xf32, #tpu.memory_space<vmem>>
      %dma_wait3A_121 = arith.constant 0 : i32
      %dma_wait3A_122 = tpu.memref_slice %arg6[%mul3A_116, %dma_wait3A_121] : memref<80x128xi32, #tpu.memory_space<vmem>> -> memref<1x64xi32, #tpu.memory_space<vmem>>
      %dma_wait3A_123 = tpu.memref_squeeze %dma_wait3A_122 : memref<1x64xi32, #tpu.memory_space<vmem>> -> memref<64xi32, #tpu.memory_space<vmem>>
      %dma_wait3A_124 = arith.constant 0 : i32
      %dma_wait3A_125 = arith.constant 0 : i32
      %dma_wait3A_126 = tpu.memref_slice %arg2[%dma_wait3A_124, %dma_wait3A_125] : memref<10240x128xf32, #tpu.memory_space<hbm>> -> memref<10240x128xf32, #tpu.memory_space<hbm>>
      tpu.wait_indirect_dma semaphore(%arg9 : memref<!tpu.dma_semaphore, #tpu.memory_space<semaphore_mem>>) src(%dma_wait3A_126 : memref<10240x128xf32, #tpu.memory_space<hbm>>) dst(%dma_wait3A_120 : memref<64x128xf32, #tpu.memory_space<vmem>>)
      %dma_wait3A_127 = arith.constant 64 : i32
      %dma_wait3A_128 = arith.constant 0 : i32
      %dma_wait3A_129 = tpu.memref_slice %arg7[%dma_wait3A_127, %dma_wait3A_128] : memref<128x128xf32, #tpu.memory_space<vmem>> -> memref<64x128xf32, #tpu.memory_space<vmem>>
      %dma_wait3A_130 = arith.constant 64 : i32
      %dma_wait3A_131 = tpu.memref_slice %arg6[%mul3A_118, %dma_wait3A_130] : memref<80x128xi32, #tpu.memory_space<vmem>> -> memref<1x64xi32, #tpu.memory_space<vmem>>
      %dma_wait3A_132 = tpu.memref_squeeze %dma_wait3A_131 : memref<1x64xi32, #tpu.memory_space<vmem>> -> memref<64xi32, #tpu.memory_space<vmem>>
      %dma_wait3A_133 = arith.constant 0 : i32
      %dma_wait3A_134 = arith.constant 0 : i32
      %dma_wait3A_135 = tpu.memref_slice %arg2[%dma_wait3A_133, %dma_wait3A_134] : memref<10240x128xf32, #tpu.memory_space<hbm>> -> memref<10240x128xf32, #tpu.memory_space<hbm>>
      tpu.wait_indirect_dma semaphore(%arg10 : memref<!tpu.dma_semaphore, #tpu.memory_space<semaphore_mem>>) src(%dma_wait3A_135 : memref<10240x128xf32, #tpu.memory_space<hbm>>) dst(%dma_wait3A_129 : memref<64x128xf32, #tpu.memory_space<vmem>>)
      %mul3A_136 = arith.constant 2 : i32
      %mul3A_137 = arith.muli %mul3A_136, %add3A_114 : i32
      %add3A_138 = arith.constant 1 : i32
      %add3A_139 = arith.addi %mul3A_137, %add3A_138 : i32
      "tpu.region"() ({
        %run_scoped3A = tpu.sem_alloc : memref<!tpu.dma_semaphore, #tpu.memory_space<semaphore_mem>>
        %dma_start3A_175 = arith.constant 0 : i32
        %dma_start3A_176 = tpu.memref_slice %arg6[%add3A_139, %dma_start3A_175] : memref<80x128xi32, #tpu.memory_space<vmem>> -> memref<1x128xi32, #tpu.memory_space<vmem>>
        %dma_start3A_177 = tpu.memref_squeeze %dma_start3A_176 : memref<1x128xi32, #tpu.memory_space<vmem>> -> memref<128xi32, #tpu.memory_space<vmem>>
        %dma_start3A_178 = arith.constant 0 : i32
        %dma_start3A_179 = arith.constant 0 : i32
        %dma_start3A_180 = tpu.memref_slice %arg13[%dma_start3A_178, %dma_start3A_179] : memref<10240x128xf32, #tpu.memory_space<vmem_shared>> -> memref<10240x128xf32, #tpu.memory_space<vmem_shared>>
        tpu.enqueue_indirect_dma source(%arg7 : memref<128x128xf32, #tpu.memory_space<vmem>>) target(%dma_start3A_180 : memref<10240x128xf32, #tpu.memory_space<vmem_shared>>) offsets(%dma_start3A_177 : memref<128xi32, #tpu.memory_space<vmem>>) semaphore(%run_scoped3A : memref<!tpu.dma_semaphore, #tpu.memory_space<semaphore_mem>>) {add = true}
        %dma_wait3A_181 = arith.constant 0 : i32
        %dma_wait3A_182 = tpu.memref_slice %arg6[%add3A_139, %dma_wait3A_181] : memref<80x128xi32, #tpu.memory_space<vmem>> -> memref<1x128xi32, #tpu.memory_space<vmem>>
        %dma_wait3A_183 = tpu.memref_squeeze %dma_wait3A_182 : memref<1x128xi32, #tpu.memory_space<vmem>> -> memref<128xi32, #tpu.memory_space<vmem>>
        %dma_wait3A_184 = arith.constant 0 : i32
        %dma_wait3A_185 = arith.constant 0 : i32
        %dma_wait3A_186 = tpu.memref_slice %arg13[%dma_wait3A_184, %dma_wait3A_185] : memref<10240x128xf32, #tpu.memory_space<vmem_shared>> -> memref<10240x128xf32, #tpu.memory_space<vmem_shared>>
        tpu.wait_indirect_dma semaphore(%run_scoped3A : memref<!tpu.dma_semaphore, #tpu.memory_space<semaphore_mem>>) src(%arg7 : memref<128x128xf32, #tpu.memory_space<vmem>>) dst(%dma_wait3A_186 : memref<10240x128xf32, #tpu.memory_space<vmem_shared>>)
        tpu.yield
      }) : () -> ()
      %lt3A = arith.constant 19 : i32
      %lt3A_140 = arith.cmpi slt, %scan3A_110, %lt3A : i32
      %convert_element_type3A = arith.extui %lt3A_140 : i1 to i32
      %cond3A = arith.constant 0 : i32
      %cond3A_141 = arith.cmpi ne, %convert_element_type3A, %cond3A : i32
      scf.if %cond3A_141 {
        %add3A_175 = arith.constant 2 : i32
        %add3A_176 = arith.addi %add3A_114, %add3A_175 : i32
        %mul3A_177 = arith.constant 2 : i32
        %mul3A_178 = arith.muli %mul3A_177, %add3A_176 : i32
        %mul3A_179 = arith.constant 2 : i32
        %mul3A_180 = arith.muli %mul3A_179, %add3A_176 : i32
        %dma_start3A_181 = arith.constant 0 : i32
        %dma_start3A_182 = arith.constant 0 : i32
        %dma_start3A_183 = tpu.memref_slice %arg7[%dma_start3A_181, %dma_start3A_182] : memref<128x128xf32, #tpu.memory_space<vmem>> -> memref<64x128xf32, #tpu.memory_space<vmem>>
        %dma_start3A_184 = arith.constant 0 : i32
        %dma_start3A_185 = tpu.memref_slice %arg6[%mul3A_178, %dma_start3A_184] : memref<80x128xi32, #tpu.memory_space<vmem>> -> memref<1x64xi32, #tpu.memory_space<vmem>>
        %dma_start3A_186 = tpu.memref_squeeze %dma_start3A_185 : memref<1x64xi32, #tpu.memory_space<vmem>> -> memref<64xi32, #tpu.memory_space<vmem>>
        %dma_start3A_187 = arith.constant 0 : i32
        %dma_start3A_188 = arith.constant 0 : i32
        %dma_start3A_189 = tpu.memref_slice %arg2[%dma_start3A_187, %dma_start3A_188] : memref<10240x128xf32, #tpu.memory_space<hbm>> -> memref<10240x128xf32, #tpu.memory_space<hbm>>
        tpu.enqueue_indirect_dma source(%dma_start3A_189 : memref<10240x128xf32, #tpu.memory_space<hbm>>) target(%dma_start3A_183 : memref<64x128xf32, #tpu.memory_space<vmem>>) offsets(%dma_start3A_186 : memref<64xi32, #tpu.memory_space<vmem>>) semaphore(%arg9 : memref<!tpu.dma_semaphore, #tpu.memory_space<semaphore_mem>>)
        %dma_start3A_190 = arith.constant 64 : i32
        %dma_start3A_191 = arith.constant 0 : i32
        %dma_start3A_192 = tpu.memref_slice %arg7[%dma_start3A_190, %dma_start3A_191] : memref<128x128xf32, #tpu.memory_space<vmem>> -> memref<64x128xf32, #tpu.memory_space<vmem>>
        %dma_start3A_193 = arith.constant 64 : i32
        %dma_start3A_194 = tpu.memref_slice %arg6[%mul3A_180, %dma_start3A_193] : memref<80x128xi32, #tpu.memory_space<vmem>> -> memref<1x64xi32, #tpu.memory_space<vmem>>
        %dma_start3A_195 = tpu.memref_squeeze %dma_start3A_194 : memref<1x64xi32, #tpu.memory_space<vmem>> -> memref<64xi32, #tpu.memory_space<vmem>>
        %dma_start3A_196 = arith.constant 0 : i32
        %dma_start3A_197 = arith.constant 0 : i32
        %dma_start3A_198 = tpu.memref_slice %arg2[%dma_start3A_196, %dma_start3A_197] : memref<10240x128xf32, #tpu.memory_space<hbm>> -> memref<10240x128xf32, #tpu.memory_space<hbm>>
        tpu.enqueue_indirect_dma source(%dma_start3A_198 : memref<10240x128xf32, #tpu.memory_space<hbm>>) target(%dma_start3A_192 : memref<64x128xf32, #tpu.memory_space<vmem>>) offsets(%dma_start3A_195 : memref<64xi32, #tpu.memory_space<vmem>>) semaphore(%arg10 : memref<!tpu.dma_semaphore, #tpu.memory_space<semaphore_mem>>)
      } else {
      }
      %add3A_142 = arith.constant 1 : i32
      %add3A_143 = arith.addi %mul3A_112, %add3A_142 : i32
      %mul3A_144 = arith.constant 2 : i32
      %mul3A_145 = arith.muli %mul3A_144, %add3A_143 : i32
      %mul3A_146 = arith.constant 2 : i32
      %mul3A_147 = arith.muli %mul3A_146, %add3A_143 : i32
      %dma_wait3A_148 = arith.constant 0 : i32
      %dma_wait3A_149 = arith.constant 0 : i32
      %dma_wait3A_150 = tpu.memref_slice %arg8[%dma_wait3A_148, %dma_wait3A_149] : memref<128x128xf32, #tpu.memory_space<vmem>> -> memref<64x128xf32, #tpu.memory_space<vmem>>
      %dma_wait3A_151 = arith.constant 0 : i32
      %dma_wait3A_152 = tpu.memref_slice %arg6[%mul3A_145, %dma_wait3A_151] : memref<80x128xi32, #tpu.memory_space<vmem>> -> memref<1x64xi32, #tpu.memory_space<vmem>>
      %dma_wait3A_153 = tpu.memref_squeeze %dma_wait3A_152 : memref<1x64xi32, #tpu.memory_space<vmem>> -> memref<64xi32, #tpu.memory_space<vmem>>
      %dma_wait3A_154 = arith.constant 0 : i32
      %dma_wait3A_155 = arith.constant 0 : i32
      %dma_wait3A_156 = tpu.memref_slice %arg2[%dma_wait3A_154, %dma_wait3A_155] : memref<10240x128xf32, #tpu.memory_space<hbm>> -> memref<10240x128xf32, #tpu.memory_space<hbm>>
      tpu.wait_indirect_dma semaphore(%arg11 : memref<!tpu.dma_semaphore, #tpu.memory_space<semaphore_mem>>) src(%dma_wait3A_156 : memref<10240x128xf32, #tpu.memory_space<hbm>>) dst(%dma_wait3A_150 : memref<64x128xf32, #tpu.memory_space<vmem>>)
      %dma_wait3A_157 = arith.constant 64 : i32
      %dma_wait3A_158 = arith.constant 0 : i32
      %dma_wait3A_159 = tpu.memref_slice %arg8[%dma_wait3A_157, %dma_wait3A_158] : memref<128x128xf32, #tpu.memory_space<vmem>> -> memref<64x128xf32, #tpu.memory_space<vmem>>
      %dma_wait3A_160 = arith.constant 64 : i32
      %dma_wait3A_161 = tpu.memref_slice %arg6[%mul3A_147, %dma_wait3A_160] : memref<80x128xi32, #tpu.memory_space<vmem>> -> memref<1x64xi32, #tpu.memory_space<vmem>>
      %dma_wait3A_162 = tpu.memref_squeeze %dma_wait3A_161 : memref<1x64xi32, #tpu.memory_space<vmem>> -> memref<64xi32, #tpu.memory_space<vmem>>
      %dma_wait3A_163 = arith.constant 0 : i32
      %dma_wait3A_164 = arith.constant 0 : i32
      %dma_wait3A_165 = tpu.memref_slice %arg2[%dma_wait3A_163, %dma_wait3A_164] : memref<10240x128xf32, #tpu.memory_space<hbm>> -> memref<10240x128xf32, #tpu.memory_space<hbm>>
      tpu.wait_indirect_dma semaphore(%arg12 : memref<!tpu.dma_semaphore, #tpu.memory_space<semaphore_mem>>) src(%dma_wait3A_165 : memref<10240x128xf32, #tpu.memory_space<hbm>>) dst(%dma_wait3A_159 : memref<64x128xf32, #tpu.memory_space<vmem>>)
      %mul3A_166 = arith.constant 2 : i32
      %mul3A_167 = arith.muli %mul3A_166, %add3A_143 : i32
      %add3A_168 = arith.constant 1 : i32
      %add3A_169 = arith.addi %mul3A_167, %add3A_168 : i32
      "tpu.region"() ({
        %run_scoped3A = tpu.sem_alloc : memref<!tpu.dma_semaphore, #tpu.memory_space<semaphore_mem>>
        %dma_start3A_175 = arith.constant 0 : i32
        %dma_start3A_176 = tpu.memref_slice %arg6[%add3A_169, %dma_start3A_175] : memref<80x128xi32, #tpu.memory_space<vmem>> -> memref<1x128xi32, #tpu.memory_space<vmem>>
        %dma_start3A_177 = tpu.memref_squeeze %dma_start3A_176 : memref<1x128xi32, #tpu.memory_space<vmem>> -> memref<128xi32, #tpu.memory_space<vmem>>
        %dma_start3A_178 = arith.constant 0 : i32
        %dma_start3A_179 = arith.constant 0 : i32
        %dma_start3A_180 = tpu.memref_slice %arg13[%dma_start3A_178, %dma_start3A_179] : memref<10240x128xf32, #tpu.memory_space<vmem_shared>> -> memref<10240x128xf32, #tpu.memory_space<vmem_shared>>
        tpu.enqueue_indirect_dma source(%arg8 : memref<128x128xf32, #tpu.memory_space<vmem>>) target(%dma_start3A_180 : memref<10240x128xf32, #tpu.memory_space<vmem_shared>>) offsets(%dma_start3A_177 : memref<128xi32, #tpu.memory_space<vmem>>) semaphore(%run_scoped3A : memref<!tpu.dma_semaphore, #tpu.memory_space<semaphore_mem>>) {add = true}
        %dma_wait3A_181 = arith.constant 0 : i32
        %dma_wait3A_182 = tpu.memref_slice %arg6[%add3A_169, %dma_wait3A_181] : memref<80x128xi32, #tpu.memory_space<vmem>> -> memref<1x128xi32, #tpu.memory_space<vmem>>
        %dma_wait3A_183 = tpu.memref_squeeze %dma_wait3A_182 : memref<1x128xi32, #tpu.memory_space<vmem>> -> memref<128xi32, #tpu.memory_space<vmem>>
        %dma_wait3A_184 = arith.constant 0 : i32
        %dma_wait3A_185 = arith.constant 0 : i32
        %dma_wait3A_186 = tpu.memref_slice %arg13[%dma_wait3A_184, %dma_wait3A_185] : memref<10240x128xf32, #tpu.memory_space<vmem_shared>> -> memref<10240x128xf32, #tpu.memory_space<vmem_shared>>
        tpu.wait_indirect_dma semaphore(%run_scoped3A : memref<!tpu.dma_semaphore, #tpu.memory_space<semaphore_mem>>) src(%arg8 : memref<128x128xf32, #tpu.memory_space<vmem>>) dst(%dma_wait3A_186 : memref<10240x128xf32, #tpu.memory_space<vmem_shared>>)
        tpu.yield
      }) : () -> ()
      %lt3A_170 = arith.constant 19 : i32
      %lt3A_171 = arith.cmpi slt, %scan3A_110, %lt3A_170 : i32
      %convert_element_type3A_172 = arith.extui %lt3A_171 : i1 to i32
      %cond3A_173 = arith.constant 0 : i32
      %cond3A_174 = arith.cmpi ne, %convert_element_type3A_172, %cond3A_173 : i32
      scf.if %cond3A_174 {
        %add3A_175 = arith.constant 2 : i32
        %add3A_176 = arith.addi %add3A_143, %add3A_175 : i32
        %mul3A_177 = arith.constant 2 : i32
        %mul3A_178 = arith.muli %mul3A_177, %add3A_176 : i32
        %mul3A_179 = arith.constant 2 : i32
        %mul3A_180 = arith.muli %mul3A_179, %add3A_176 : i32
        %dma_start3A_181 = arith.constant 0 : i32
        %dma_start3A_182 = arith.constant 0 : i32
        %dma_start3A_183 = tpu.memref_slice %arg8[%dma_start3A_181, %dma_start3A_182] : memref<128x128xf32, #tpu.memory_space<vmem>> -> memref<64x128xf32, #tpu.memory_space<vmem>>
        %dma_start3A_184 = arith.constant 0 : i32
        %dma_start3A_185 = tpu.memref_slice %arg6[%mul3A_178, %dma_start3A_184] : memref<80x128xi32, #tpu.memory_space<vmem>> -> memref<1x64xi32, #tpu.memory_space<vmem>>
        %dma_start3A_186 = tpu.memref_squeeze %dma_start3A_185 : memref<1x64xi32, #tpu.memory_space<vmem>> -> memref<64xi32, #tpu.memory_space<vmem>>
        %dma_start3A_187 = arith.constant 0 : i32
        %dma_start3A_188 = arith.constant 0 : i32
        %dma_start3A_189 = tpu.memref_slice %arg2[%dma_start3A_187, %dma_start3A_188] : memref<10240x128xf32, #tpu.memory_space<hbm>> -> memref<10240x128xf32, #tpu.memory_space<hbm>>
        tpu.enqueue_indirect_dma source(%dma_start3A_189 : memref<10240x128xf32, #tpu.memory_space<hbm>>) target(%dma_start3A_183 : memref<64x128xf32, #tpu.memory_space<vmem>>) offsets(%dma_start3A_186 : memref<64xi32, #tpu.memory_space<vmem>>) semaphore(%arg11 : memref<!tpu.dma_semaphore, #tpu.memory_space<semaphore_mem>>)
        %dma_start3A_190 = arith.constant 64 : i32
        %dma_start3A_191 = arith.constant 0 : i32
        %dma_start3A_192 = tpu.memref_slice %arg8[%dma_start3A_190, %dma_start3A_191] : memref<128x128xf32, #tpu.memory_space<vmem>> -> memref<64x128xf32, #tpu.memory_space<vmem>>
        %dma_start3A_193 = arith.constant 64 : i32
        %dma_start3A_194 = tpu.memref_slice %arg6[%mul3A_180, %dma_start3A_193] : memref<80x128xi32, #tpu.memory_space<vmem>> -> memref<1x64xi32, #tpu.memory_space<vmem>>
        %dma_start3A_195 = tpu.memref_squeeze %dma_start3A_194 : memref<1x64xi32, #tpu.memory_space<vmem>> -> memref<64xi32, #tpu.memory_space<vmem>>
        %dma_start3A_196 = arith.constant 0 : i32
        %dma_start3A_197 = arith.constant 0 : i32
        %dma_start3A_198 = tpu.memref_slice %arg2[%dma_start3A_196, %dma_start3A_197] : memref<10240x128xf32, #tpu.memory_space<hbm>> -> memref<10240x128xf32, #tpu.memory_space<hbm>>
        tpu.enqueue_indirect_dma source(%dma_start3A_198 : memref<10240x128xf32, #tpu.memory_space<hbm>>) target(%dma_start3A_192 : memref<64x128xf32, #tpu.memory_space<vmem>>) offsets(%dma_start3A_195 : memref<64xi32, #tpu.memory_space<vmem>>) semaphore(%arg12 : memref<!tpu.dma_semaphore, #tpu.memory_space<semaphore_mem>>)
      } else {
      }
    }
    %scan3A_101 = arith.constant 20 : i32
    %barrier3A_102 = arith.constant 0 : index
    tpu.barrier barrier_id(%barrier3A_102)
    %mul3A_103 = arith.constant 640 : i32
    %mul3A_104 = arith.muli %arg1, %mul3A_103 : i32
    %mul3A_105 = arith.constant 10240 : i32
    %mul3A_106 = arith.muli %arg0, %mul3A_105 : i32
    %mul3A_107 = arith.constant 640 : i32
    %mul3A_108 = arith.muli %arg1, %mul3A_107 : i32
    %add3A_109 = arith.addi %mul3A_106, %mul3A_108 : i32
    "tpu.region"() ({
      %run_scoped3A = tpu.sem_alloc : memref<!tpu.dma_semaphore, #tpu.memory_space<semaphore_mem>>
      %dma_start3A_110 = arith.constant 0 : i32
      %dma_start3A_111 = tpu.memref_slice %arg5[%add3A_109, %dma_start3A_110] : memref<20480x128xf32, #tpu.memory_space<hbm>> -> memref<640x128xf32, #tpu.memory_space<hbm>>
      %dma_start3A_112 = arith.constant 0 : i32
      %dma_start3A_113 = tpu.memref_slice %arg13[%mul3A_104, %dma_start3A_112] : memref<10240x128xf32, #tpu.memory_space<vmem_shared>> -> memref<640x128xf32, #tpu.memory_space<vmem_shared>>
      tpu.enqueue_dma source(%dma_start3A_113 : memref<640x128xf32, #tpu.memory_space<vmem_shared>>) target(%dma_start3A_111 : memref<640x128xf32, #tpu.memory_space<hbm>>) target_semaphore(%run_scoped3A : memref<!tpu.dma_semaphore, #tpu.memory_space<semaphore_mem>>)
      %dma_wait3A = arith.constant 0 : i32
      %dma_wait3A_114 = tpu.memref_slice %arg5[%add3A_109, %dma_wait3A] : memref<20480x128xf32, #tpu.memory_space<hbm>> -> memref<640x128xf32, #tpu.memory_space<hbm>>
      %dma_wait3A_115 = arith.constant 0 : i32
      %dma_wait3A_116 = tpu.memref_slice %arg13[%mul3A_104, %dma_wait3A_115] : memref<10240x128xf32, #tpu.memory_space<vmem_shared>> -> memref<640x128xf32, #tpu.memory_space<vmem_shared>>
      tpu.wait_dma2 semaphore(%run_scoped3A : memref<!tpu.dma_semaphore, #tpu.memory_space<semaphore_mem>>) src(%dma_wait3A_116 : memref<640x128xf32, #tpu.memory_space<vmem_shared>>) dst(%dma_wait3A_114 : memref<640x128xf32, #tpu.memory_space<hbm>>)
      tpu.yield
    }) : () -> ()
    return
  }
}

module attributes {stable_mosaic.version = 14 : i64} {
  func.func @_y1_body(%arg0: i32, %arg1: memref<1024x128xf32, #tpu.memory_space<vmem>>, %arg2: memref<2x1024xf32, #tpu.memory_space<vmem>>, %arg3: memref<128x128xf32, #tpu.memory_space<vmem>>, %arg4: memref<1024x128xf32, #tpu.memory_space<vmem>>) attributes {dimension_semantics = [#tpu.dimension_semantics<arbitrary>], iteration_bounds = array<i64: 10>, scalar_prefetch = 0 : i64, scratch_operands = 0 : i64, tpu.core_type = #tpu.core_type<tc>, window_params = [{transform_indices = @transform_0, window_bounds = array<i64: 1024, 128>}, {transform_indices = @transform_1, window_bounds = array<i64: 2, 1024>}, {pipeline_mode = #tpu.pipeline_mode<synchronous>, transform_indices = @transform_2, window_bounds = array<i64: 128, 128>}, {transform_indices = @transform_3, window_bounds = array<i64: 1024, 128>}]} {
    %get3A = arith.constant 0 : index
    %get3A_0 = arith.constant 0 : index
    %get3A_1 = vector.load %arg2[%get3A, %get3A_0] : memref<2x1024xf32, #tpu.memory_space<vmem>>, vector<1x1024xf32>
    %get3A_2 = vector.shape_cast %get3A_1 : vector<1x1024xf32> to vector<1024xf32>
    %get3A_3 = arith.constant 1 : index
    %get3A_4 = arith.constant 0 : index
    %get3A_5 = vector.load %arg2[%get3A_3, %get3A_4] : memref<2x1024xf32, #tpu.memory_space<vmem>>, vector<1x1024xf32>
    %get3A_6 = vector.shape_cast %get3A_5 : vector<1x1024xf32> to vector<1024xf32>
    %add3A = arith.addf %get3A_2, %get3A_6 : vector<1024xf32>
    %add3A_7 = arith.constant 1.000000e+00 : f32
    %add3A_8 = vector.broadcast %add3A_7 : f32 to vector<1024xf32>
    %add3A_9 = arith.addf %add3A, %add3A_8 : vector<1024xf32>
    %rsqrt3A = math.rsqrt %add3A_9 : vector<1024xf32>
    %get3A_10 = arith.constant 0 : index
    %get3A_11 = arith.constant 0 : index
    %get3A_12 = vector.load %arg1[%get3A_10, %get3A_11] : memref<1024x128xf32, #tpu.memory_space<vmem>>, vector<1024x128xf32>
    %get3A_13 = arith.constant 0 : index
    %get3A_14 = arith.constant 0 : index
    %get3A_15 = vector.load %arg3[%get3A_13, %get3A_14] : memref<128x128xf32, #tpu.memory_space<vmem>>, vector<128x128xf32>
    %dot_general3A = arith.constant dense<0.000000e+00> : vector<1024x128xf32>
    %dot_general3A_16 = tpu.matmul %get3A_12, %get3A_15, %dot_general3A {dimension_numbers = #tpu.dot_dimension_numbers<[1], [0], [0], [1], [0, 0, 1, 1], [], []>, transpose_lhs_hint = false} : vector<1024x128xf32>, vector<128x128xf32>, vector<1024x128xf32> -> vector<1024x128xf32>
    %broadcast_in_dim3A = vector.shape_cast %rsqrt3A : vector<1024xf32> to vector<1024x1xf32>
    %mul3A = vector.broadcast %broadcast_in_dim3A : vector<1024x1xf32> to vector<1024x128xf32>
    %mul3A_17 = arith.mulf %dot_general3A_16, %mul3A : vector<1024x128xf32>
    %swap3A = arith.constant 0 : index
    %swap3A_18 = arith.constant 0 : index
    %swap3A_19 = vector.load %arg4[%swap3A, %swap3A_18] : memref<1024x128xf32, #tpu.memory_space<vmem>>, vector<1024x128xf32>
    tpu.vector_store %arg4[%swap3A, %swap3A_18], %mul3A_17 {strides = array<i32>} : memref<1024x128xf32, #tpu.memory_space<vmem>>, vector<1024x128xf32>,
    return
  }
  func.func @transform_0(%arg0: i32) -> (i32, i32) {
    %c0_i32 = arith.constant 0 : i32
    %c0_i32_0 = arith.constant 0 : i32
    return %arg0, %c0_i32 : i32, i32
  }
  func.func @transform_1(%arg0: i32) -> (i32, i32) {
    %c0_i32 = arith.constant 0 : i32
    %c0_i32_0 = arith.constant 0 : i32
    return %c0_i32, %arg0 : i32, i32
  }
  func.func @transform_2(%arg0: i32) -> (i32, i32) {
    %c0_i32 = arith.constant 0 : i32
    %c0_i32_0 = arith.constant 0 : i32
    %c0_i32_1 = arith.constant 0 : i32
    return %c0_i32, %c0_i32_0 : i32, i32
  }
  func.func @transform_3(%arg0: i32) -> (i32, i32) {
    %c0_i32 = arith.constant 0 : i32
    %c0_i32_0 = arith.constant 0 : i32
    return %arg0, %c0_i32 : i32, i32
  }
}

module attributes {stable_mosaic.version = 14 : i64} {
  func.func @_mid_body(%arg0: i32, %arg1: memref<2x1024x128xf32, #tpu.memory_space<vmem>>, %arg2: memref<1024x128xf32, #tpu.memory_space<vmem>>, %arg3: memref<2x1024xf32, #tpu.memory_space<vmem>>, %arg4: memref<128x128xf32, #tpu.memory_space<vmem>>, %arg5: memref<1x128xf32, #tpu.memory_space<vmem>>, %arg6: memref<1024x128xf32, #tpu.memory_space<vmem>>) attributes {dimension_semantics = [#tpu.dimension_semantics<arbitrary>], iteration_bounds = array<i64: 10>, scalar_prefetch = 0 : i64, scratch_operands = 0 : i64, tpu.core_type = #tpu.core_type<tc>, window_params = [{transform_indices = @transform_0, window_bounds = array<i64: 2, 1024, 128>}, {transform_indices = @transform_1, window_bounds = array<i64: 1024, 128>}, {transform_indices = @transform_2, window_bounds = array<i64: 2, 1024>}, {pipeline_mode = #tpu.pipeline_mode<synchronous>, transform_indices = @transform_3, window_bounds = array<i64: 128, 128>}, {pipeline_mode = #tpu.pipeline_mode<synchronous>, transform_indices = @transform_4, window_bounds = array<i64: 1, 128>}, {transform_indices = @transform_5, window_bounds = array<i64: 1024, 128>}]} {
    %get3A = arith.constant 0 : index
    %get3A_0 = arith.constant 0 : index
    %get3A_1 = vector.load %arg3[%get3A, %get3A_0] : memref<2x1024xf32, #tpu.memory_space<vmem>>, vector<1x1024xf32>
    %get3A_2 = vector.shape_cast %get3A_1 : vector<1x1024xf32> to vector<1024xf32>
    %get3A_3 = arith.constant 1 : index
    %get3A_4 = arith.constant 0 : index
    %get3A_5 = vector.load %arg3[%get3A_3, %get3A_4] : memref<2x1024xf32, #tpu.memory_space<vmem>>, vector<1x1024xf32>
    %get3A_6 = vector.shape_cast %get3A_5 : vector<1x1024xf32> to vector<1024xf32>
    %add3A = arith.addf %get3A_2, %get3A_6 : vector<1024xf32>
    %add3A_7 = arith.constant 1.000000e+00 : f32
    %add3A_8 = vector.broadcast %add3A_7 : f32 to vector<1024xf32>
    %add3A_9 = arith.addf %add3A, %add3A_8 : vector<1024xf32>
    %rsqrt3A = math.rsqrt %add3A_9 : vector<1024xf32>
    %get3A_10 = arith.constant 0 : index
    %get3A_11 = arith.constant 0 : index
    %get3A_12 = arith.constant 0 : index
    %get3A_13 = vector.load %arg1[%get3A_10, %get3A_11, %get3A_12] : memref<2x1024x128xf32, #tpu.memory_space<vmem>>, vector<1x1024x128xf32>
    %get3A_14 = vector.shape_cast %get3A_13 : vector<1x1024x128xf32> to vector<1024x128xf32>
    %get3A_15 = arith.constant 1 : index
    %get3A_16 = arith.constant 0 : index
    %get3A_17 = arith.constant 0 : index
    %get3A_18 = vector.load %arg1[%get3A_15, %get3A_16, %get3A_17] : memref<2x1024x128xf32, #tpu.memory_space<vmem>>, vector<1x1024x128xf32>
    %get3A_19 = vector.shape_cast %get3A_18 : vector<1x1024x128xf32> to vector<1024x128xf32>
    %add3A_20 = arith.addf %get3A_14, %get3A_19 : vector<1024x128xf32>
    %get3A_21 = arith.constant 0 : index
    %get3A_22 = arith.constant 0 : index
    %get3A_23 = vector.load %arg2[%get3A_21, %get3A_22] : memref<1024x128xf32, #tpu.memory_space<vmem>>, vector<1024x128xf32>
    %add3A_24 = arith.addf %add3A_20, %get3A_23 : vector<1024x128xf32>
    %broadcast_in_dim3A = vector.shape_cast %rsqrt3A : vector<1024xf32> to vector<1024x1xf32>
    %mul3A = vector.broadcast %broadcast_in_dim3A : vector<1024x1xf32> to vector<1024x128xf32>
    %mul3A_25 = arith.mulf %add3A_24, %mul3A : vector<1024x128xf32>
    %get3A_26 = arith.constant 0 : index
    %get3A_27 = arith.constant 0 : index
    %get3A_28 = vector.load %arg5[%get3A_26, %get3A_27] : memref<1x128xf32, #tpu.memory_space<vmem>>, vector<1x128xf32>
    %add3A_29 = vector.broadcast %get3A_28 : vector<1x128xf32> to vector<1024x128xf32>
    %add3A_30 = arith.addf %mul3A_25, %add3A_29 : vector<1024x128xf32>
    %max3A = arith.constant 0.000000e+00 : f32
    %max3A_31 = vector.broadcast %max3A : f32 to vector<1024x128xf32>
    %max3A_32 = arith.maximumf %add3A_30, %max3A_31 : vector<1024x128xf32>
    %get3A_33 = arith.constant 0 : index
    %get3A_34 = arith.constant 0 : index
    %get3A_35 = vector.load %arg4[%get3A_33, %get3A_34] : memref<128x128xf32, #tpu.memory_space<vmem>>, vector<128x128xf32>
    %dot_general3A = arith.constant dense<0.000000e+00> : vector<1024x128xf32>
    %dot_general3A_36 = tpu.matmul %max3A_32, %get3A_35, %dot_general3A {dimension_numbers = #tpu.dot_dimension_numbers<[1], [0], [0], [1], [0, 0, 1, 1], [], []>, transpose_lhs_hint = false} : vector<1024x128xf32>, vector<128x128xf32>, vector<1024x128xf32> -> vector<1024x128xf32>
    %broadcast_in_dim3A_37 = vector.shape_cast %rsqrt3A : vector<1024xf32> to vector<1024x1xf32>
    %mul3A_38 = vector.broadcast %broadcast_in_dim3A_37 : vector<1024x1xf32> to vector<1024x128xf32>
    %mul3A_39 = arith.mulf %dot_general3A_36, %mul3A_38 : vector<1024x128xf32>
    %swap3A = arith.constant 0 : index
    %swap3A_40 = arith.constant 0 : index
    %swap3A_41 = vector.load %arg6[%swap3A, %swap3A_40] : memref<1024x128xf32, #tpu.memory_space<vmem>>, vector<1024x128xf32>
    tpu.vector_store %arg6[%swap3A, %swap3A_40], %mul3A_39 {strides = array<i32>} : memref<1024x128xf32, #tpu.memory_space<vmem>>, vector<1024x128xf32>,
    return
  }
  func.func @transform_0(%arg0: i32) -> (i32, i32, i32) {
    %c0_i32 = arith.constant 0 : i32
    %c0_i32_0 = arith.constant 0 : i32
    %c0_i32_1 = arith.constant 0 : i32
    return %c0_i32, %arg0, %c0_i32_0 : i32, i32, i32
  }
  func.func @transform_1(%arg0: i32) -> (i32, i32) {
    %c0_i32 = arith.constant 0 : i32
    %c0_i32_0 = arith.constant 0 : i32
    return %arg0, %c0_i32 : i32, i32
  }
  func.func @transform_2(%arg0: i32) -> (i32, i32) {
    %c0_i32 = arith.constant 0 : i32
    %c0_i32_0 = arith.constant 0 : i32
    return %c0_i32, %arg0 : i32, i32
  }
  func.func @transform_3(%arg0: i32) -> (i32, i32) {
    %c0_i32 = arith.constant 0 : i32
    %c0_i32_0 = arith.constant 0 : i32
    %c0_i32_1 = arith.constant 0 : i32
    return %c0_i32, %c0_i32_0 : i32, i32
  }
  func.func @transform_4(%arg0: i32) -> (i32, i32) {
    %c0_i32 = arith.constant 0 : i32
    %c0_i32_0 = arith.constant 0 : i32
    %c0_i32_1 = arith.constant 0 : i32
    return %c0_i32, %c0_i32_0 : i32, i32
  }
  func.func @transform_5(%arg0: i32) -> (i32, i32) {
    %c0_i32 = arith.constant 0 : i32
    %c0_i32_0 = arith.constant 0 : i32
    return %arg0, %c0_i32 : i32, i32
  }
}

module attributes {stable_mosaic.version = 14 : i64} {
  func.func @_final_body(%arg0: i32, %arg1: memref<2x1024x128xf32, #tpu.memory_space<vmem>>, %arg2: memref<1024x128xf32, #tpu.memory_space<vmem>>, %arg3: memref<2x1024xf32, #tpu.memory_space<vmem>>, %arg4: memref<1x1x1024xi32, #tpu.memory_space<vmem>>, %arg5: memref<1x128xf32, #tpu.memory_space<vmem>>, %arg6: memref<128x128xf32, #tpu.memory_space<vmem>>, %arg7: memref<1x128xf32, #tpu.memory_space<vmem>>, %arg8: memref<128x16xf32, #tpu.memory_space<vmem>>, %arg9: memref<1x16xf32, #tpu.memory_space<vmem>>, %arg10: memref<64x16xf32, #tpu.memory_space<vmem>>, %arg11: memref<64x128xf32, #tpu.memory_space<vmem>>, %arg12: memref<64x128xf32, #tpu.memory_space<vmem>>) attributes {dimension_semantics = [#tpu.dimension_semantics<arbitrary>], iteration_bounds = array<i64: 10>, scalar_prefetch = 0 : i64, scratch_operands = 2 : i64, tpu.core_type = #tpu.core_type<tc>, window_params = [{transform_indices = @transform_0, window_bounds = array<i64: 2, 1024, 128>}, {transform_indices = @transform_1, window_bounds = array<i64: 1024, 128>}, {transform_indices = @transform_2, window_bounds = array<i64: 2, 1024>}, {transform_indices = @transform_3, window_bounds = array<i64: 1, 1, 1024>}, {pipeline_mode = #tpu.pipeline_mode<synchronous>, transform_indices = @transform_4, window_bounds = array<i64: 1, 128>}, {pipeline_mode = #tpu.pipeline_mode<synchronous>, transform_indices = @transform_5, window_bounds = array<i64: 128, 128>}, {pipeline_mode = #tpu.pipeline_mode<synchronous>, transform_indices = @transform_6, window_bounds = array<i64: 1, 128>}, {pipeline_mode = #tpu.pipeline_mode<synchronous>, transform_indices = @transform_7, window_bounds = array<i64: 128, 16>}, {pipeline_mode = #tpu.pipeline_mode<synchronous>, transform_indices = @transform_8, window_bounds = array<i64: 1, 16>}, {pipeline_mode = #tpu.pipeline_mode<synchronous>, transform_indices = @transform_9, window_bounds = array<i64: 64, 16>}]} {
    %eq3A = arith.constant 0 : i32
    %eq3A_0 = arith.cmpi eq, %arg0, %eq3A : i32
    %convert_element_type3A = arith.extui %eq3A_0 : i1 to i32
    %cond3A = arith.constant 0 : i32
    %cond3A_1 = arith.cmpi ne, %convert_element_type3A, %cond3A : i32
    scf.if %cond3A_1 {
      %broadcast_in_dim3A_68 = arith.constant 0.000000e+00 : f32
      %broadcast_in_dim3A_69 = vector.broadcast %broadcast_in_dim3A_68 : f32 to vector<64x128xf32>
      %swap3A_70 = arith.constant 0 : index
      %swap3A_71 = arith.constant 0 : index
      %swap3A_72 = vector.load %arg11[%swap3A_70, %swap3A_71] : memref<64x128xf32, #tpu.memory_space<vmem>>, vector<64x128xf32>
      tpu.vector_store %arg11[%swap3A_70, %swap3A_71], %broadcast_in_dim3A_69 {strides = array<i32>} : memref<64x128xf32, #tpu.memory_space<vmem>>, vector<64x128xf32>,
      %broadcast_in_dim3A_73 = arith.constant 0.000000e+00 : f32
      %broadcast_in_dim3A_74 = vector.broadcast %broadcast_in_dim3A_73 : f32 to vector<64x128xf32>
      %swap3A_75 = arith.constant 0 : index
      %swap3A_76 = arith.constant 0 : index
      %swap3A_77 = vector.load %arg12[%swap3A_75, %swap3A_76] : memref<64x128xf32, #tpu.memory_space<vmem>>, vector<64x128xf32>
      tpu.vector_store %arg12[%swap3A_75, %swap3A_76], %broadcast_in_dim3A_74 {strides = array<i32>} : memref<64x128xf32, #tpu.memory_space<vmem>>, vector<64x128xf32>,
    } else {
    }
    %get3A = arith.constant 0 : index
    %get3A_2 = arith.constant 0 : index
    %get3A_3 = vector.load %arg3[%get3A, %get3A_2] : memref<2x1024xf32, #tpu.memory_space<vmem>>, vector<1x1024xf32>
    %get3A_4 = vector.shape_cast %get3A_3 : vector<1x1024xf32> to vector<1024xf32>
    %get3A_5 = arith.constant 1 : index
    %get3A_6 = arith.constant 0 : index
    %get3A_7 = vector.load %arg3[%get3A_5, %get3A_6] : memref<2x1024xf32, #tpu.memory_space<vmem>>, vector<1x1024xf32>
    %get3A_8 = vector.shape_cast %get3A_7 : vector<1x1024xf32> to vector<1024xf32>
    %add3A = arith.addf %get3A_4, %get3A_8 : vector<1024xf32>
    %add3A_9 = arith.constant 1.000000e+00 : f32
    %add3A_10 = vector.broadcast %add3A_9 : f32 to vector<1024xf32>
    %add3A_11 = arith.addf %add3A, %add3A_10 : vector<1024xf32>
    %rsqrt3A = math.rsqrt %add3A_11 : vector<1024xf32>
    %get3A_12 = arith.constant 0 : index
    %get3A_13 = arith.constant 0 : index
    %get3A_14 = arith.constant 0 : index
    %get3A_15 = vector.load %arg1[%get3A_12, %get3A_13, %get3A_14] : memref<2x1024x128xf32, #tpu.memory_space<vmem>>, vector<1x1024x128xf32>
    %get3A_16 = vector.shape_cast %get3A_15 : vector<1x1024x128xf32> to vector<1024x128xf32>
    %get3A_17 = arith.constant 1 : index
    %get3A_18 = arith.constant 0 : index
    %get3A_19 = arith.constant 0 : index
    %get3A_20 = vector.load %arg1[%get3A_17, %get3A_18, %get3A_19] : memref<2x1024x128xf32, #tpu.memory_space<vmem>>, vector<1x1024x128xf32>
    %get3A_21 = vector.shape_cast %get3A_20 : vector<1x1024x128xf32> to vector<1024x128xf32>
    %add3A_22 = arith.addf %get3A_16, %get3A_21 : vector<1024x128xf32>
    %get3A_23 = arith.constant 0 : index
    %get3A_24 = arith.constant 0 : index
    %get3A_25 = vector.load %arg2[%get3A_23, %get3A_24] : memref<1024x128xf32, #tpu.memory_space<vmem>>, vector<1024x128xf32>
    %add3A_26 = arith.addf %add3A_22, %get3A_25 : vector<1024x128xf32>
    %broadcast_in_dim3A = vector.shape_cast %rsqrt3A : vector<1024xf32> to vector<1024x1xf32>
    %mul3A = vector.broadcast %broadcast_in_dim3A : vector<1024x1xf32> to vector<1024x128xf32>
    %mul3A_27 = arith.mulf %add3A_26, %mul3A : vector<1024x128xf32>
    %get3A_28 = arith.constant 0 : index
    %get3A_29 = arith.constant 0 : index
    %get3A_30 = vector.load %arg5[%get3A_28, %get3A_29] : memref<1x128xf32, #tpu.memory_space<vmem>>, vector<1x128xf32>
    %add3A_31 = vector.broadcast %get3A_30 : vector<1x128xf32> to vector<1024x128xf32>
    %add3A_32 = arith.addf %mul3A_27, %add3A_31 : vector<1024x128xf32>
    %max3A = arith.constant 0.000000e+00 : f32
    %max3A_33 = vector.broadcast %max3A : f32 to vector<1024x128xf32>
    %max3A_34 = arith.maximumf %add3A_32, %max3A_33 : vector<1024x128xf32>
    %get3A_35 = arith.constant 0 : index
    %get3A_36 = arith.constant 0 : index
    %get3A_37 = arith.constant 0 : index
    %get3A_38 = vector.load %arg4[%get3A_35, %get3A_36, %get3A_37] : memref<1x1x1024xi32, #tpu.memory_space<vmem>>, vector<1x1x1024xi32>
    %get3A_39 = vector.shape_cast %get3A_38 : vector<1x1x1024xi32> to vector<1024xi32>
    %iota3A = tpu.iota {dimensions = array<i32: 0>} : vector<64x1024xi32>
    %broadcast_in_dim3A_40 = vector.shape_cast %get3A_39 : vector<1024xi32> to vector<1x1024xi32>
    %eq3A_41 = vector.broadcast %broadcast_in_dim3A_40 : vector<1x1024xi32> to vector<64x1024xi32>
    %eq3A_42 = arith.cmpi eq, %iota3A, %eq3A_41 : vector<64x1024xi32>
    %convert_element_type3A_43 = arith.extui %eq3A_42 : vector<64x1024xi1> to vector<64x1024xi32>
    %convert_element_type3A_44 = arith.sitofp %convert_element_type3A_43 : vector<64x1024xi32> to vector<64x1024xf32>
    %get3A_45 = arith.constant 0 : index
    %get3A_46 = arith.constant 0 : index
    %get3A_47 = vector.load %arg11[%get3A_45, %get3A_46] : memref<64x128xf32, #tpu.memory_space<vmem>>, vector<64x128xf32>
    %dot_general3A = arith.constant dense<0.000000e+00> : vector<64x128xf32>
    %dot_general3A_48 = tpu.matmul %convert_element_type3A_44, %max3A_34, %dot_general3A {dimension_numbers = #tpu.dot_dimension_numbers<[1], [0], [0], [1], [0, 0, 1, 1], [], []>, transpose_lhs_hint = false} : vector<64x1024xf32>, vector<1024x128xf32>, vector<64x128xf32> -> vector<64x128xf32>
    %add3A_49 = arith.addf %get3A_47, %dot_general3A_48 : vector<64x128xf32>
    %swap3A = arith.constant 0 : index
    %swap3A_50 = arith.constant 0 : index
    %swap3A_51 = vector.load %arg11[%swap3A, %swap3A_50] : memref<64x128xf32, #tpu.memory_space<vmem>>, vector<64x128xf32>
    tpu.vector_store %arg11[%swap3A, %swap3A_50], %add3A_49 {strides = array<i32>} : memref<64x128xf32, #tpu.memory_space<vmem>>, vector<64x128xf32>,
    %get3A_52 = arith.constant 0 : index
    %get3A_53 = arith.constant 0 : index
    %get3A_54 = vector.load %arg12[%get3A_52, %get3A_53] : memref<64x128xf32, #tpu.memory_space<vmem>>, vector<64x128xf32>
    %reduce_sum3A = arith.constant dense<0.000000e+00> : vector<64xf32>
    %reduce_sum3A_55 = vector.multi_reduction <add>, %convert_element_type3A_44, %reduce_sum3A [1] : vector<64x1024xf32> to vector<64xf32>
    %broadcast_in_dim3A_56 = vector.shape_cast %reduce_sum3A_55 : vector<64xf32> to vector<64x1xf32>
    %broadcast_in_dim3A_57 = vector.shape_cast %broadcast_in_dim3A_56 : vector<64x1xf32> to vector<64x1xf32>
    %broadcast_in_dim3A_58 = vector.broadcast %broadcast_in_dim3A_57 : vector<64x1xf32> to vector<64x128xf32>
    %add3A_59 = arith.addf %get3A_54, %broadcast_in_dim3A_58 : vector<64x128xf32>
    %swap3A_60 = arith.constant 0 : index
    %swap3A_61 = arith.constant 0 : index
    %swap3A_62 = vector.load %arg12[%swap3A_60, %swap3A_61] : memref<64x128xf32, #tpu.memory_space<vmem>>, vector<64x128xf32>
    tpu.vector_store %arg12[%swap3A_60, %swap3A_61], %add3A_59 {strides = array<i32>} : memref<64x128xf32, #tpu.memory_space<vmem>>, vector<64x128xf32>,
    %eq3A_63 = arith.constant 9 : i32
    %eq3A_64 = arith.cmpi eq, %arg0, %eq3A_63 : i32
    %convert_element_type3A_65 = arith.extui %eq3A_64 : i1 to i32
    %cond3A_66 = arith.constant 0 : i32
    %cond3A_67 = arith.cmpi ne, %convert_element_type3A_65, %cond3A_66 : i32
    scf.if %cond3A_67 {
      %get3A_68 = arith.constant 0 : index
      %get3A_69 = arith.constant 0 : index
      %get3A_70 = vector.load %arg11[%get3A_68, %get3A_69] : memref<64x128xf32, #tpu.memory_space<vmem>>, vector<64x128xf32>
      %get3A_71 = arith.constant 0 : index
      %get3A_72 = arith.constant 0 : index
      %get3A_73 = vector.load %arg12[%get3A_71, %get3A_72] : memref<64x128xf32, #tpu.memory_space<vmem>>, vector<64x128xf32>
      %max3A_74 = arith.constant 1.000000e+00 : f32
      %max3A_75 = vector.broadcast %max3A_74 : f32 to vector<64x128xf32>
      %max3A_76 = arith.maximumf %get3A_73, %max3A_75 : vector<64x128xf32>
      %div3A = arith.divf %get3A_70, %max3A_76 : vector<64x128xf32>
      %get3A_77 = arith.constant 0 : index
      %get3A_78 = arith.constant 0 : index
      %get3A_79 = vector.load %arg6[%get3A_77, %get3A_78] : memref<128x128xf32, #tpu.memory_space<vmem>>, vector<128x128xf32>
      %dot_general3A_80 = arith.constant dense<0.000000e+00> : vector<64x128xf32>
      %dot_general3A_81 = tpu.matmul %div3A, %get3A_79, %dot_general3A_80 {dimension_numbers = #tpu.dot_dimension_numbers<[1], [0], [0], [1], [0, 0, 1, 1], [], []>, transpose_lhs_hint = false} : vector<64x128xf32>, vector<128x128xf32>, vector<64x128xf32> -> vector<64x128xf32>
      %get3A_82 = arith.constant 0 : index
      %get3A_83 = arith.constant 0 : index
      %get3A_84 = vector.load %arg7[%get3A_82, %get3A_83] : memref<1x128xf32, #tpu.memory_space<vmem>>, vector<1x128xf32>
      %add3A_85 = vector.broadcast %get3A_84 : vector<1x128xf32> to vector<64x128xf32>
      %add3A_86 = arith.addf %dot_general3A_81, %add3A_85 : vector<64x128xf32>
      %max3A_87 = arith.constant 0.000000e+00 : f32
      %max3A_88 = vector.broadcast %max3A_87 : f32 to vector<64x128xf32>
      %max3A_89 = arith.maximumf %add3A_86, %max3A_88 : vector<64x128xf32>
      %get3A_90 = arith.constant 0 : index
      %get3A_91 = arith.constant 0 : index
      %get3A_92 = vector.load %arg8[%get3A_90, %get3A_91] : memref<128x16xf32, #tpu.memory_space<vmem>>, vector<128x16xf32>
      %dot_general3A_93 = arith.constant dense<0.000000e+00> : vector<64x16xf32>
      %dot_general3A_94 = tpu.matmul %max3A_89, %get3A_92, %dot_general3A_93 {dimension_numbers = #tpu.dot_dimension_numbers<[1], [0], [0], [1], [0, 0, 1, 1], [], []>, transpose_lhs_hint = false} : vector<64x128xf32>, vector<128x16xf32>, vector<64x16xf32> -> vector<64x16xf32>
      %get3A_95 = arith.constant 0 : index
      %get3A_96 = arith.constant 0 : index
      %get3A_97 = vector.load %arg9[%get3A_95, %get3A_96] : memref<1x16xf32, #tpu.memory_space<vmem>>, vector<1x16xf32>
      %add3A_98 = vector.broadcast %get3A_97 : vector<1x16xf32> to vector<64x16xf32>
      %add3A_99 = arith.addf %dot_general3A_94, %add3A_98 : vector<64x16xf32>
      %swap3A_100 = arith.constant 0 : index
      %swap3A_101 = arith.constant 0 : index
      %swap3A_102 = vector.load %arg10[%swap3A_100, %swap3A_101] : memref<64x16xf32, #tpu.memory_space<vmem>>, vector<64x16xf32>
      tpu.vector_store %arg10[%swap3A_100, %swap3A_101], %add3A_99 {strides = array<i32>} : memref<64x16xf32, #tpu.memory_space<vmem>>, vector<64x16xf32>,
    } else {
    }
    return
  }
  func.func @transform_0(%arg0: i32) -> (i32, i32, i32) {
    %c0_i32 = arith.constant 0 : i32
    %c0_i32_0 = arith.constant 0 : i32
    %c0_i32_1 = arith.constant 0 : i32
    return %c0_i32, %arg0, %c0_i32_0 : i32, i32, i32
  }
  func.func @transform_1(%arg0: i32) -> (i32, i32) {
    %c0_i32 = arith.constant 0 : i32
    %c0_i32_0 = arith.constant 0 : i32
    return %arg0, %c0_i32 : i32, i32
  }
  func.func @transform_2(%arg0: i32) -> (i32, i32) {
    %c0_i32 = arith.constant 0 : i32
    %c0_i32_0 = arith.constant 0 : i32
    return %c0_i32, %arg0 : i32, i32
  }
  func.func @transform_3(%arg0: i32) -> (i32, i32, i32) {
    %c0_i32 = arith.constant 0 : i32
    %c0_i32_0 = arith.constant 0 : i32
    %c0_i32_1 = arith.constant 0 : i32
    return %arg0, %c0_i32, %c0_i32_0 : i32, i32, i32
  }
  func.func @transform_4(%arg0: i32) -> (i32, i32) {
    %c0_i32 = arith.constant 0 : i32
    %c0_i32_0 = arith.constant 0 : i32
    %c0_i32_1 = arith.constant 0 : i32
    return %c0_i32, %c0_i32_0 : i32, i32
  }
  func.func @transform_5(%arg0: i32) -> (i32, i32) {
    %c0_i32 = arith.constant 0 : i32
    %c0_i32_0 = arith.constant 0 : i32
    %c0_i32_1 = arith.constant 0 : i32
    return %c0_i32, %c0_i32_0 : i32, i32
  }
  func.func @transform_6(%arg0: i32) -> (i32, i32) {
    %c0_i32 = arith.constant 0 : i32
    %c0_i32_0 = arith.constant 0 : i32
    %c0_i32_1 = arith.constant 0 : i32
    return %c0_i32, %c0_i32_0 : i32, i32
  }
  func.func @transform_7(%arg0: i32) -> (i32, i32) {
    %c0_i32 = arith.constant 0 : i32
    %c0_i32_0 = arith.constant 0 : i32
    %c0_i32_1 = arith.constant 0 : i32
    return %c0_i32, %c0_i32_0 : i32, i32
  }
  func.func @transform_8(%arg0: i32) -> (i32, i32) {
    %c0_i32 = arith.constant 0 : i32
    %c0_i32_0 = arith.constant 0 : i32
    %c0_i32_1 = arith.constant 0 : i32
    return %c0_i32, %c0_i32_0 : i32, i32
  }
  func.func @transform_9(%arg0: i32) -> (i32, i32) {
    %c0_i32 = arith.constant 0 : i32
    %c0_i32_0 = arith.constant 0 : i32
    %c0_i32_1 = arith.constant 0 : i32
    return %c0_i32, %c0_i32_0 : i32, i32
  }
}

</mosaic_0001>

<sc_bundles>
// kernel: kernel.11.cloned.1.call-start
scs
__scs_entry_jumppad:
0x0: {  	(pc) =	sbr.rel $0x88, $3  }
0x1: {  	(tag) =	ssettag $0x0;
	lr =	simm.s32 $0x1  }
0x2: {  	[smem:$0x3F96] =	sst lr;
	_ =	strace $0xD0000000  }
0x3: {  	_ = 	snop  }
0x4: {  	_ = 	snop  }
0x5: {  	_ = 	snop  }
0x6: {  	_ = 	snop  }
0x7: {  	_ = 	snop  }
__scs_overlays_trampoline_lowered:
0x8: {  	[smem:$0x3FA5] =	sst s0  }
0x9: {  	[smem:$0x3FA6] =	sst s1  }
0xa: {  	[smem:$0x3FA7] =	sst s2  }
0xb: {  	[smem:$0x3FA8] =	sst s3  }
0xc: {  	[smem:$0x3FA9] =	sst s4  }
0xd: {  	[smem:$0x3FAA] =	sst s5  }
0xe: {  	[smem:$0x3FAB] =	sst s6  }
0xf: {  	[smem:$0x3FAC] =	sst s7  }
0x10: {  	[smem:$0x3FAD] =	sst s8  }
0x11: {  	[smem:$0x3FAE] =	sst s9;
	s0 =	simm.s32 @!p0 $0x0  }
0x12: {  	s1 =	sld [smem:$0x3F94];
	s0 =	simm.s32 @p0 $0x1  }
0x13: {  	[smem:$0x3FAF] =	sst s0;
	s0 =	simm.s32 @!p1 $0x0  }
0x14: {  	s2 =	sld [smem:$0x3F93];
	s0 =	simm.s32 @p1 $0x1  }
0x15: {  	[smem:$0x3FB0] =	sst s0;
	s0 =	simm.s32 @!p2 $0x0  }
0x16: {  	s3 =	sld [smem:$0x3FDB];
	s0 =	simm.s32 @p2 $0x1  }
0x17: {  	s4 =	simm.s32 $0x1BF5;
	[smem:$0x3FB2] =	sst s0  }
0x18: {  	s0 =	sld [smem:$0x3F95];
	_ =	swait.ge [sflag:s4], $0x0  }
0x19: {  	s7 =	sld [smem:$0x3F96]  }
0x1a: {  	s8 =	sadd.s32 $0xFFFFE003, lr  }
0x1b: {  	s9 =	sadd.s32 $0xFFFFFEF7, lr;
	s5 =	simm.s32 $0xFFFFFFFF;
	p2 =	slt.u32 s8, $0xFFFFF086  }
0x1c: {  	p1 =	slt.u32 s9, $0xF7A;
	s5 =	simm.s32 @!p2 $0x0  }
0x1d: {  	s5 =	simm.s32 @p1 $0x1;
	p0 =	seq.s32 s7, s2  }
0x1e: {  	s7 =	smul.u32 @!p0 $0xF7A, s2;
	p2 =	seq.s32 @!p0 s5, $0x0  }
0x1f: {  	s9 =	smul.u32 $0xF7A, s1;
	s8 =	simm.s32 @!p0 $0x1BF5;
	p2 =	por !p2, p0  }
0x20: {  	[sflag:s8] =	ssyncset.s32 @!p0 $0xFFFFF086;
	s6 =	sadd.s32 @!p0 s3, s7;
	s7 =	simm.s32 @!p0 $0x108  }
0x21: {  	s3 =	sadd.s32 s3, s9;
	s6 =	sadd.s32 @!p0 $0x88, s6;
	s7 =	simm.s32 @p2 $0x1082  }
0x22: {  	[simem:s7], [sflag:s8] =	dma.local @!p0 [hbm:s6], $0xF7A  }
0x23: {  	s9 =	sor.u32 $0xD0000000, s2;
	s6 =	simm.s32 $0x108;
	_ =	swait.ge @!p0 [sflag:s8], $0x0  }
0x24: {  	s3 =	sadd.s32 $0x88, s3;
	s6 =	simm.s32 @!p1 $0x1082;
	[sflag:s4] =	ssyncset.s32 $0xFFFFF086  }
0x25: {  	[simem:s6], [sflag:s4] =	dma.local [hbm:s3], $0xF7A  }
0x26: {  	[smem:$0x3F96] =	sst s1;
	(tag) =	ssettag s2;
	_ =	strace s9  }
0x27: {  	s1 =	sld [smem:$0x3FA6]  }
0x28: {  	s2 =	sld [smem:$0x3FA7]  }
0x29: {  	s4 =	sld [smem:$0x3FA9]  }
0x2a: {  	p0 =	seq.s32 s5, $0x0;
	s5 =	sld [smem:$0x3FAA]  }
0x2b: {  	s6 =	sld [smem:$0x3FAB]  }
0x2c: {  	s7 =	sld [smem:$0x3FAC]  }
0x2d: {  	s3 =	simm.s32 $0x108;
	s8 =	sld [smem:$0x3FAD]  }
0x2e: {  	s3 =	simm.s32 @!p0 $0x1082;
	s9 =	sld [smem:$0x3FAE]  }
0x2f: {  	lr =	sadd.s32 s0, s3;
	s0 =	sld [smem:$0x3FA5]  }
0x30: {  	s3 =	sld [smem:$0x3FA8]  }
0x31: {  	[smem:$0x3FB1] =	sst s10  }
0x32: {  	s10 =	sld [smem:$0x3FAF];
	_ =	sdelay $0x3  }
0x33: {  	p0 =	seq.s32 s10, $0x1;
	s10 =	sld [smem:$0x3FB1];
	_ =	sdelay $0x3  }
0x34: {  	[smem:$0x3FB1] =	sst s10  }
0x35: {  	s10 =	sld [smem:$0x3FB0];
	_ =	sdelay $0x3  }
0x36: {  	p1 =	seq.s32 s10, $0x1;
	s10 =	sld [smem:$0x3FB1];
	_ =	sdelay $0x3  }
0x37: {  	[smem:$0x3FB1] =	sst s10  }
0x38: {  	s10 =	sld [smem:$0x3FB2]  }
0x39: {  	_ = 	snop;
	(pc) =	sbr.ind lr, $3  }
0x3a: {  	_ = 	snop  }
0x3b: {  	_ = 	snop  }
0x3c: {  	p2 =	seq.s32 s10, $0x1;
	s10 =	sld [smem:$0x3FB1]  }
0x3d: {  	_ =	shalt  }
0x3e: {  	_ =	shalt  }
0x3f: {  	_ =	shalt  }
0x40: {  	_ =	shalt  }
0x41: {  	_ =	shalt  }
0x42: {  	_ =	shalt  }
0x43: {  	_ =	shalt  }
0x44: {  	_ =	shalt  }
0x45: {  	_ =	shalt  }
0x46: {  	_ =	shalt  }
0x47: {  	_ =	shalt  }
0x48: {  	_ =	shalt  }
0x49: {  	_ =	shalt  }
0x4a: {  	_ =	shalt  }
0x4b: {  	_ =	shalt  }
0x4c: {  	_ =	shalt  }
0x4d: {  	_ =	shalt  }
0x4e: {  	_ =	shalt  }
0x4f: {  	_ =	shalt  }
0x50: {  	_ =	shalt  }
0x51: {  	_ =	shalt  }
0x52: {  	_ =	shalt  }
0x53: {  	_ =	shalt  }
0x54: {  	_ =	shalt  }
0x55: {  	_ =	shalt  }
0x56: {  	_ =	shalt  }
0x57: {  	_ =	shalt  }
0x58: {  	_ =	shalt  }
0x59: {  	_ =	shalt  }
0x5a: {  	_ =	shalt  }
0x5b: {  	_ =	shalt  }
0x5c: {  	_ =	shalt  }
0x5d: {  	_ =	shalt  }
0x5e: {  	_ =	shalt  }
0x5f: {  	_ =	shalt  }
0x60: {  	_ =	shalt  }
0x61: {  	_ =	shalt  }
0x62: {  	_ =	shalt  }
0x63: {  	_ =	shalt  }
0x64: {  	_ =	shalt  }
0x65: {  	_ =	shalt  }
0x66: {  	_ =	shalt  }
0x67: {  	_ =	shalt  }
0x68: {  	_ =	shalt  }
0x69: {  	_ =	shalt  }
0x6a: {  	_ =	shalt  }
0x6b: {  	_ =	shalt  }
0x6c: {  	_ =	shalt  }
0x6d: {  	_ =	shalt  }
0x6e: {  	_ =	shalt  }
0x6f: {  	_ =	shalt  }
0x70: {  	_ =	shalt  }
0x71: {  	_ =	shalt  }
0x72: {  	_ =	shalt  }
0x73: {  	_ =	shalt  }
0x74: {  	_ =	shalt  }
0x75: {  	_ =	shalt  }
0x76: {  	_ =	shalt  }
0x77: {  	_ =	shalt  }
0x78: {  	_ =	shalt  }
0x79: {  	_ =	shalt  }
0x7a: {  	_ =	shalt  }
0x7b: {  	_ =	shalt  }
0x7c: {  	_ =	shalt  }
0x7d: {  	_ =	shalt  }
0x7e: {  	_ =	shalt  }
0x7f: {  	_ =	shalt  }
0x80: {  	_ =	shalt  }
0x81: {  	_ =	shalt  }
0x82: {  	_ =	shalt  }
0x83: {  	_ =	shalt  }
0x84: {  	_ =	shalt  }
0x85: {  	_ =	shalt  }
0x86: {  	_ =	shalt  }
0x87: {  	_ =	shalt  }
.Lfunc_end0:
.L_simem_size_0:
called_computation.1_lowered:
.L_overlay_start_0:
0x88: {  	s2 =	sld [smem:$0x3FD9]  }
0x89: {  	s3 =	sld [smem:$0x3FFE];
	_ =	sdelay $0x1  }
0x8a: {  	s1 =	srdreg.scid  }
0x8b: {  	s0 =	sand.u32 $0x1, s1  }
0x8c: {  	s16 =	sshll.u32 s0, $0xA;
	s2 =	sadd.s32 s3, s2  }
0x8d: {  	s2 =	sadd.s32 s2, s16  }
0x8e: {  	[smem:$0x3FBD] =	sst s2  }
0x8f: {  	_ = 	snop  }
0x90: {  	(tm) =	ssettm $0x1  }
0x91: {  	s17 =	sld [smem:$0x3FFB];
	_ =	sdelay $0x3  }
0x92: {  	_ =	strace s17  }
0x93: {  	s2 =	sld [smem:$0x3FFC];
	_ =	sdelay $0x3  }
0x94: {  	_ =	strace s2  }
0x95: {  	s2 =	sld [smem:$0x3FFD];
	_ =	sdelay $0x3  }
0x96: {  	_ =	strace s2  }
0x97: {  	_ =	strace $0x8FFFFFFF  }
0x98: {  	s18 =	sld [smem:$0x3FDB];
	_ =	sdelay $0x1  }
0x99: {  	s19 =	simm.s32 $_scs_section_size  }
0x9a: {  	s4 =	simm.s32 $_size__tile_overlayer_lowered;
	s5 =	simm.s32 $_tile_overlayer_lowered  }
0x9b: {  	s22 =	simm.s32 $0x1BFF;
	s21 =	sshll.u32 s5, $0x1;
	s2 =	sadd.s32 s19, s18  }
0x9c: {  	s6 =	simm.s32 $0x0;
	s20 =	sshll.u32 s4, $0x1;
	s4 =	sadd.s32 s21, s2  }
0x9d: {  	[timem:s6], [sflag:s22] =	dma.local [hbm:s4], s20  }
0x9e: {  	_ =	swait.ge [sflag:s22], s20  }
0x9f: {  	s3 =	ssub.s32 $0x0, s20;
	[sflag:s22] =	ssyncset.done $0x0  }
0xa0: {  	[sflag:s22] =	ssyncadd.s32 s3;
	_ =	sdelay $0x1  }
0xa1: {  	s23 =	simm.s32 $0x1B8B  }
0xa2: {  	_ =	swait.ge [sflag:s23], $0x1  }
0xa3: {  	[sflag:s23] =	ssyncset.done $0x0  }
0xa4: {  	s25 =	simm.s32 $0x1B8E;
	s24 =	sld [smem:$0x3FFE];
	[sflag:s23] =	ssyncadd.s32 $0xFFFFFFFF  }
0xa5: {  	s26 =	simm.s32 $execute0_lowered;
	[smem:$0x3FD2] =	sst s25  }
0xa6: {  	s4 =	sshll.u32 s26, $0x1;
	_ =	strace $0x80000049;
	[dreg:$0x1] =	wrdreg $0xFFFFFFFF  }
0xa7: {  	s28 =	simm.s32 $_size_execute0_lowered;
	s2 =	sadd.s32 s2, s4;
	[dreg:$0x0] =	wrdreg $0x0  }
0xa8: {  	s4 =	sshll.u32 s28, $0x1;
	[dreg:$0x2] =	wrdreg s2  }
0xa9: {  	[dreg:$0x3] =	wrdreg s4  }
0xaa: {  	[dreg:$0x4] =	wrdreg $0xC0  }
0xab: {  	_ =	task [dreg:s6], $0x5FFFF  }
0xac: {  	[dreg:$0x1] =	wrdreg $0xFFFFFFFF  }
0xad: {  	[dreg:$0x0] =	wrdreg $0x60  }
0xae: {  	[dreg:$0x2] =	wrdreg s24  }
0xaf: {  	[dreg:$0x3] =	wrdreg $0xA8000  }
0xb0: {  	[dreg:$0x4] =	wrdreg $0x9  }
0xb1: {  	_ =	task.clear_ibuf [dreg:s6], $0x5FFFF;
	_ =	strace $0x90000049  }
0xb2: {  	s29 =	simm.s32 $0x9;
	_ =	strace $0x8000004B  }
0xb3: {  	_ =	swait.ge [sflag:s29], $0x1  }
0xb4: {  	[sflag:s29] =	ssyncadd.s32 $0xFFFFFFFF  }
0xb5: {  	_ =	strace $0x9000004B  }
0xb6: {  	_ =	sfence  }
0xb7: {  	s30 =	sld [smem:$0x0];
	_ =	sdelay $0x2  }
0xb8: {  	s31 =	sshll.u32 s1, $0xD;
	s1 =	sshrl.u32 s1, $0x2  }
0xb9: {  	s3 =	sand.u32 $0x4000, s31;
	s1 =	sadd.s32 s1, s30  }
0xba: {  	s0 =	sor.u32 s3, s0;
	s1 =	sshll.u32 s1, $0x11  }
0xbb: {  	s0 =	sor.u32 s1, s0  }
0xbc: {  	s0 =	sadd.s32 $0x8F2B, s0  }
0xbd: {  	[sflag:s0] =	ssyncadd.remote.s32 $0x1  }
0xbe: {  	_ =	sfence.sel $0xFFFF  }
0xbf: {  	[dreg:$0x0] =	wrdreg $0xFFFFFFFF;
	(pc) =	sbr.abs _section_cstart, $3  }
0xc0: {  	[dreg:$0x1] =	wrdreg $0xFFFFFFFF  }
0xc1: {  	_ =	task.clear_ibuf [dreg:s6], $0x2FFFF;
	_ =	strace $0x9FFFFFFF  }
0xc2: {  	(tm) =	ssettm $0x7FFFFFFF  }
0xc3: {  	_ =	shalt  }
tec
execute0_lowered:
.L_overlay_start_1:
0x0: {  	(tag) =	ssettag $0x1  }
0x1: {  	s1 =	srdreg.scid;
	s6 =	rddreg [dreg:$0x0]  }
0x2: {  	s0 =	stileid.u32;
	s2 =	rddreg [dreg:$0x1]  }
0x3: {  	s3 =	simm.s32 $0x0;
	s14 =	simm.s32 $0x2800;
	s15 =	simm.s32 $0x4800  }
0x4: {  	s16 =	simm.s32 $0x100;
	s17 =	simm.s32 $0x6800;
	s18 =	simm.s32 $0x140  }
0x5: {  	s19 =	simm.s32 $0x8800;
	s20 =	simm.s32 $0x1;
	s21 =	simm.s32 $0x2  }
0x6: {  	s22 =	simm.s32 $0x80;
	s23 =	simm.s32 $0x3;
	s4 =	smul.u32 $0xA000, s0  }
0x7: {  	s24 =	simm.s32 $0x4;
	s25 =	simm.s32 $0x2680;
	s8 =	smul.u32 $0x2800, s0  }
0x8: {  	s7 =	sand.u32 $0x1, s1;
	s1 =	rddreg [dreg:$0x2];
	s26 =	smul.u32 $0x50000, s0  }
0x9: {  	s28 =	simm.s32 $0x0;
	[smem:$0x7FF] =	sst s3;
	s5 =	smul.u32 $0x5000, s7  }
0xa: {  	s31 =	sshll.u32 s0, $0x6;
	s9 =	smul.u32 $0x28000, s7;
	s29 =	ssub.s32 $0x2, s7  }
0xb: {  	_ =	strace $0x8000004A;
	s7 =	sshrl.u32 s29, $0x1;
	s30 =	sshrl.u32 s26, $0x2  }
0xc: {  	s26 =	simm.s32 $0x2780;
	s5 =	sadd.s32 s5, s4;
	s4 =	sadd.s32 $0x17000, s6  }
0xd: {  	s8 =	sadd.s32 s8, s9;
	s12 =	ssub.s32 s29, s7;
	s5 =	sshrl.u32 s5, $0x3  }
0xe: {  	s13 =	sadd.s32 s30, s2;
	s11 =	sadd.s32 s8, s6;
	s10 =	sadd.s32 s5, s6  }
0xf: {  	s5 =	sadd.s32 $0x3F000, s6;
	s6 =	sor.u32 $0x1C05, s31;
	s9 =	sadd.s32 $0x41800, s11  }
0x10: {  	s11 =	sshrl.u32 s13, $0x3;
	s13 =	simm.s32 $0x40;
	s7 =	sadd.s32 $0x3000, s10  }
0x11: {  	s8 =	sadd.s32 $0x3500, s10;
	s10 =	smax.u32 s12, $0x1;
	s12 =	simm.s32 $0x5  }
.LBB2_1:
0x12: {  	[spmem:s11], [sflag:s6] =	dma.local [hbm:s5], $0x2800  }
0x13: {  	_ =	swait.ge [sflag:s12], $0x2800  }
0x14: {  	[sflag:s12] =	ssyncset.done $0x0  }
0x15: {  	[sflag:s12] =	ssyncadd.s32 $0xFFFFD800  }
0x16: {  	[bflag:$0x0] =	sbarrier.arrive $0xFFFF  }
0x17: {  	[tilespmem:s3], [sflag:$0x5] =	stream.linear.gather [hbm4b:s7+s3], $0x2800, $0x38;
	[tilespmem:$0x1E800] =	vst v63  }
0x18: {  	_ =	swait.ge [sflag:s12], $0x2800  }
0x19: {  	[sflag:s12] =	ssyncset.done $0x0  }
0x1a: {  	[sflag:s12] =	ssyncadd.s32 $0xFFFFD800  }
0x1b: {  	[tilespmem:s14], [sflag:$0x1] =	stream.indirect.gather [hbm4b:s4+s13], $0x80, s3, s13, $0xb8;
	[tilespmem:$0x1E800] =	vst v63  }
0x1c: {  	_ = 	snop  }
0x1d: {  	[tilespmem:s15], [sflag:$0x2] =	stream.indirect.gather [hbm4b:s4+s13], $0x80, s13, s13, $0xb8;
	[tilespmem:$0x1E800] =	vst v63  }
0x1e: {  	_ = 	snop  }
0x1f: {  	[tilespmem:s17], [sflag:$0x3] =	stream.indirect.gather [hbm4b:s4+s13], $0x80, s16, s13, $0xb8;
	[tilespmem:$0x1E800] =	vst v63  }
0x20: {  	_ = 	snop  }
0x21: {  	[tilespmem:s19], [sflag:$0x4] =	stream.indirect.gather [hbm4b:s4+s13], $0x80, s18, s13, $0xb8;
	[tilespmem:$0x1E800] =	vst v63  }
0x22: {  	_ =	swait.ge [sflag:s20], $0x2000  }
0x23: {  	[sflag:s20] =	ssyncset.done $0x0  }
0x24: {  	[sflag:s20] =	ssyncadd.s32 $0xFFFFE000  }
0x25: {  	_ =	swait.ge [sflag:s21], $0x2000  }
0x26: {  	[sflag:s21] =	ssyncset.done $0x0  }
0x27: {  	s29 =	simm.s32 $0x80;
	[sflag:s21] =	ssyncadd.s32 $0xFFFFE000  }
0x28: {  	[spmem:s2] =	stream.indirect.scatter.add.f32 [tilespmem:s14], [sflag:$0x5], $0x80, s29, s22, $0xb8;
	[tilespmem:$0x1E800] =	vst v63  }
0x29: {  	_ =	swait.ge [sflag:s12], $0x4000  }
0x2a: {  	[sflag:s12] =	ssyncset.done $0x0  }
0x2b: {  	s29 =	simm.s32 $0x200;
	[sflag:s12] =	ssyncadd.s32 $0xFFFFC000  }
0x2c: {  	[tilespmem:s14], [sflag:$0x1] =	stream.indirect.gather [hbm4b:s4+s13], $0x80, s29, s13, $0xb8;
	[tilespmem:$0x1E800] =	vst v63  }
0x2d: {  	s29 =	simm.s32 $0x240  }
0x2e: {  	[tilespmem:s15], [sflag:$0x2] =	stream.indirect.gather [hbm4b:s4+s13], $0x80, s29, s13, $0xb8;
	[tilespmem:$0x1E800] =	vst v63  }
0x2f: {  	_ =	swait.ge [sflag:s23], $0x2000  }
0x30: {  	[sflag:s23] =	ssyncset.done $0x0  }
0x31: {  	[sflag:s23] =	ssyncadd.s32 $0xFFFFE000  }
0x32: {  	_ =	swait.ge [sflag:s24], $0x2000  }
0x33: {  	[sflag:s24] =	ssyncset.done $0x0  }
0x34: {  	s29 =	simm.s32 $0x180;
	[sflag:s24] =	ssyncadd.s32 $0xFFFFE000  }
0x35: {  	[spmem:s2] =	stream.indirect.scatter.add.f32 [tilespmem:s17], [sflag:$0x5], $0x80, s29, s22, $0xb8;
	[tilespmem:$0x1E800] =	vst v63  }
0x36: {  	_ =	swait.ge [sflag:s12], $0x4000  }
0x37: {  	[sflag:s12] =	ssyncset.done $0x0  }
0x38: {  	s29 =	simm.s32 $0x300;
	[sflag:s12] =	ssyncadd.s32 $0xFFFFC000  }
0x39: {  	[tilespmem:s17], [sflag:$0x3] =	stream.indirect.gather [hbm4b:s4+s13], $0x80, s29, s13, $0xb8;
	[tilespmem:$0x1E800] =	vst v63  }
0x3a: {  	s30 =	simm.s32 $0x340;
	s29 =	simm.s32 $0x800  }
.LBB2_2:
0x3b: {  	[tilespmem:s19], [sflag:$0x4] =	stream.indirect.gather [hbm4b:s4+s13], $0x80, s30, s13, $0xb8;
	[tilespmem:$0x1E800] =	vst v63  }
0x3c: {  	s30 =	smov.u32 s29  }
0x3d: {  	p0 =	sne.s32 s29, $0x9000;
	s29 =	sadd.s32 $0x800, s29;
	_ =	swait.ge [sflag:s20], $0x2000  }
0x3e: {  	[sflag:s20] =	ssyncset.done $0x0  }
0x3f: {  	[sflag:s20] =	ssyncadd.s32 $0xFFFFE000  }
0x40: {  	_ =	swait.ge [sflag:s21], $0x2000  }
0x41: {  	s30 =	sshra.s32 s30, $0x2;
	[sflag:s21] =	ssyncset.done $0x0  }
0x42: {  	s31 =	sadd.s32 $0x80, s30;
	[sflag:s21] =	ssyncadd.s32 $0xFFFFE000  }
0x43: {  	[spmem:s2] =	stream.indirect.scatter.add.f32 [tilespmem:s14], [sflag:$0x5], $0x80, s31, s22, $0xb8;
	[tilespmem:$0x1E800] =	vst v63  }
0x44: {  	_ =	swait.ge [sflag:s12], $0x4000  }
0x45: {  	[sflag:s12] =	ssyncset.done $0x0  }
0x46: {  	s31 =	sadd.s32 $0x200, s30;
	[sflag:s12] =	ssyncadd.s32 $0xFFFFC000  }
0x47: {  	[tilespmem:s14], [sflag:$0x1] =	stream.indirect.gather [hbm4b:s4+s13], $0x80, s31, s13, $0xb8;
	[tilespmem:$0x1E800] =	vst v63  }
0x48: {  	s31 =	sadd.s32 $0x240, s30  }
0x49: {  	[tilespmem:s15], [sflag:$0x2] =	stream.indirect.gather [hbm4b:s4+s13], $0x80, s31, s13, $0xb8;
	[tilespmem:$0x1E800] =	vst v63  }
0x4a: {  	_ =	swait.ge [sflag:s23], $0x2000  }
0x4b: {  	[sflag:s23] =	ssyncset.done $0x0  }
0x4c: {  	[sflag:s23] =	ssyncadd.s32 $0xFFFFE000  }
0x4d: {  	_ =	swait.ge [sflag:s24], $0x2000  }
0x4e: {  	[sflag:s24] =	ssyncset.done $0x0  }
0x4f: {  	s31 =	sadd.s32 $0x180, s30;
	[sflag:s24] =	ssyncadd.s32 $0xFFFFE000  }
0x50: {  	[spmem:s2] =	stream.indirect.scatter.add.f32 [tilespmem:s17], [sflag:$0x5], $0x80, s31, s22, $0xb8;
	[tilespmem:$0x1E800] =	vst v63  }
.Ltmp0:
0x51: {  	_ =	swait.ge [sflag:s12], $0x4000;
	(pc) =	sbr.rel @p0 .LBB2_2-.Ltmp0, $4  }
0x52: {  	[sflag:s12] =	ssyncset.done $0x0  }
0x53: {  	s31 =	sadd.s32 $0x300, s30;
	[sflag:s12] =	ssyncadd.s32 $0xFFFFC000  }
0x54: {  	[tilespmem:s17], [sflag:$0x3] =	stream.indirect.gather [hbm4b:s4+s13], $0x80, s31, s13, $0xb8;
	[tilespmem:$0x1E800] =	vst v63  }
0x55: {  	s30 =	sadd.s32 $0x340, s30  }
0x56: {  	[tilespmem:s19], [sflag:$0x4] =	stream.indirect.gather [hbm4b:s4+s13], $0x80, s30, s13, $0xb8;
	[tilespmem:$0x1E800] =	vst v63  }
0x57: {  	_ =	swait.ge [sflag:s20], $0x2000  }
0x58: {  	[sflag:s20] =	ssyncset.done $0x0  }
0x59: {  	[sflag:s20] =	ssyncadd.s32 $0xFFFFE000  }
0x5a: {  	_ =	swait.ge [sflag:s21], $0x2000  }
0x5b: {  	[sflag:s21] =	ssyncset.done $0x0  }
0x5c: {  	[sflag:s21] =	ssyncadd.s32 $0xFFFFE000  }
0x5d: {  	[spmem:s2] =	stream.indirect.scatter.add.f32 [tilespmem:s14], [sflag:$0x5], $0x80, s25, s22, $0xb8;
	[tilespmem:$0x1E800] =	vst v63  }
0x5e: {  	_ =	swait.ge [sflag:s12], $0x4000  }
0x5f: {  	[sflag:s12] =	ssyncset.done $0x0  }
0x60: {  	[sflag:s12] =	ssyncadd.s32 $0xFFFFC000  }
0x61: {  	_ =	swait.ge [sflag:s23], $0x2000  }
0x62: {  	[sflag:s23] =	ssyncset.done $0x0  }
0x63: {  	[sflag:s23] =	ssyncadd.s32 $0xFFFFE000  }
0x64: {  	_ =	swait.ge [sflag:s24], $0x2000  }
0x65: {  	[sflag:s24] =	ssyncset.done $0x0  }
0x66: {  	[sflag:s24] =	ssyncadd.s32 $0xFFFFE000  }
0x67: {  	[spmem:s2] =	stream.indirect.scatter.add.f32 [tilespmem:s17], [sflag:$0x5], $0x80, s26, s22, $0xb8;
	[tilespmem:$0x1E800] =	vst v63  }
0x68: {  	_ =	swait.ge [sflag:s12], $0x4000  }
0x69: {  	[sflag:s12] =	ssyncset.done $0x0  }
0x6a: {  	s29 =	simm.s32 $0x0;
	[sflag:s12] =	ssyncadd.s32 $0xFFFFC000  }
0x6b: {  	[tilespmem:s29], [sflag:$0x5] =	stream.linear.gather [hbm4b:s8+s29], $0x2800, $0x38;
	[tilespmem:$0x1E800] =	vst v63  }
0x6c: {  	_ =	swait.ge [sflag:s12], $0x2800  }
0x6d: {  	[sflag:s12] =	ssyncset.done $0x0  }
0x6e: {  	[sflag:s12] =	ssyncadd.s32 $0xFFFFD800  }
0x6f: {  	[tilespmem:s14], [sflag:$0x1] =	stream.indirect.gather [hbm4b:s4+s13], $0x80, s29, s13, $0xb8;
	[tilespmem:$0x1E800] =	vst v63  }
0x70: {  	_ = 	snop  }
0x71: {  	[tilespmem:s15], [sflag:$0x2] =	stream.indirect.gather [hbm4b:s4+s13], $0x80, s13, s13, $0xb8;
	[tilespmem:$0x1E800] =	vst v63  }
0x72: {  	_ = 	snop  }
0x73: {  	[tilespmem:s17], [sflag:$0x3] =	stream.indirect.gather [hbm4b:s4+s13], $0x80, s16, s13, $0xb8;
	[tilespmem:$0x1E800] =	vst v63  }
0x74: {  	_ = 	snop  }
0x75: {  	[tilespmem:s19], [sflag:$0x4] =	stream.indirect.gather [hbm4b:s4+s13], $0x80, s18, s13, $0xb8;
	[tilespmem:$0x1E800] =	vst v63  }
0x76: {  	_ =	swait.ge [sflag:s20], $0x2000  }
0x77: {  	[sflag:s20] =	ssyncset.done $0x0  }
0x78: {  	[sflag:s20] =	ssyncadd.s32 $0xFFFFE000  }
0x79: {  	_ =	swait.ge [sflag:s21], $0x2000  }
0x7a: {  	[sflag:s21] =	ssyncset.done $0x0  }
0x7b: {  	s29 =	simm.s32 $0x80;
	[sflag:s21] =	ssyncadd.s32 $0xFFFFE000  }
0x7c: {  	[spmem:s2] =	stream.indirect.scatter.add.f32 [tilespmem:s14], [sflag:$0x5], $0x80, s29, s22, $0xb8;
	[tilespmem:$0x1E800] =	vst v63  }
0x7d: {  	_ =	swait.ge [sflag:s12], $0x4000  }
0x7e: {  	[sflag:s12] =	ssyncset.done $0x0  }
0x7f: {  	s29 =	simm.s32 $0x200;
	[sflag:s12] =	ssyncadd.s32 $0xFFFFC000  }
0x80: {  	[tilespmem:s14], [sflag:$0x1] =	stream.indirect.gather [hbm4b:s4+s13], $0x80, s29, s13, $0xb8;
	[tilespmem:$0x1E800] =	vst v63  }
0x81: {  	s29 =	simm.s32 $0x240  }
0x82: {  	[tilespmem:s15], [sflag:$0x2] =	stream.indirect.gather [hbm4b:s4+s13], $0x80, s29, s13, $0xb8;
	[tilespmem:$0x1E800] =	vst v63  }
0x83: {  	_ =	swait.ge [sflag:s23], $0x2000  }
0x84: {  	[sflag:s23] =	ssyncset.done $0x0  }
0x85: {  	[sflag:s23] =	ssyncadd.s32 $0xFFFFE000  }
0x86: {  	_ =	swait.ge [sflag:s24], $0x2000  }
0x87: {  	[sflag:s24] =	ssyncset.done $0x0  }
0x88: {  	s29 =	simm.s32 $0x180;
	[sflag:s24] =	ssyncadd.s32 $0xFFFFE000  }
0x89: {  	[spmem:s2] =	stream.indirect.scatter.add.f32 [tilespmem:s17], [sflag:$0x5], $0x80, s29, s22, $0xb8;
	[tilespmem:$0x1E800] =	vst v63  }
0x8a: {  	_ =	swait.ge [sflag:s12], $0x4000  }
0x8b: {  	[sflag:s12] =	ssyncset.done $0x0  }
0x8c: {  	s29 =	simm.s32 $0x300;
	[sflag:s12] =	ssyncadd.s32 $0xFFFFC000  }
0x8d: {  	[tilespmem:s17], [sflag:$0x3] =	stream.indirect.gather [hbm4b:s4+s13], $0x80, s29, s13, $0xb8;
	[tilespmem:$0x1E800] =	vst v63  }
0x8e: {  	s30 =	simm.s32 $0x340;
	s29 =	simm.s32 $0x800  }
.LBB2_4:
0x8f: {  	[tilespmem:s19], [sflag:$0x4] =	stream.indirect.gather [hbm4b:s4+s13], $0x80, s30, s13, $0xb8;
	[tilespmem:$0x1E800] =	vst v63  }
0x90: {  	s30 =	smov.u32 s29  }
0x91: {  	p0 =	sne.s32 s29, $0x9000;
	s29 =	sadd.s32 $0x800, s29;
	_ =	swait.ge [sflag:s20], $0x2000  }
0x92: {  	[sflag:s20] =	ssyncset.done $0x0  }
0x93: {  	[sflag:s20] =	ssyncadd.s32 $0xFFFFE000  }
0x94: {  	_ =	swait.ge [sflag:s21], $0x2000  }
0x95: {  	s30 =	sshra.s32 s30, $0x2;
	[sflag:s21] =	ssyncset.done $0x0  }
0x96: {  	s31 =	sadd.s32 $0x80, s30;
	[sflag:s21] =	ssyncadd.s32 $0xFFFFE000  }
0x97: {  	[spmem:s2] =	stream.indirect.scatter.add.f32 [tilespmem:s14], [sflag:$0x5], $0x80, s31, s22, $0xb8;
	[tilespmem:$0x1E800] =	vst v63  }
0x98: {  	_ =	swait.ge [sflag:s12], $0x4000  }
0x99: {  	[sflag:s12] =	ssyncset.done $0x0  }
0x9a: {  	s31 =	sadd.s32 $0x200, s30;
	[sflag:s12] =	ssyncadd.s32 $0xFFFFC000  }
0x9b: {  	[tilespmem:s14], [sflag:$0x1] =	stream.indirect.gather [hbm4b:s4+s13], $0x80, s31, s13, $0xb8;
	[tilespmem:$0x1E800] =	vst v63  }
0x9c: {  	s31 =	sadd.s32 $0x240, s30  }
0x9d: {  	[tilespmem:s15], [sflag:$0x2] =	stream.indirect.gather [hbm4b:s4+s13], $0x80, s31, s13, $0xb8;
	[tilespmem:$0x1E800] =	vst v63  }
0x9e: {  	_ =	swait.ge [sflag:s23], $0x2000  }
0x9f: {  	[sflag:s23] =	ssyncset.done $0x0  }
0xa0: {  	[sflag:s23] =	ssyncadd.s32 $0xFFFFE000  }
0xa1: {  	_ =	swait.ge [sflag:s24], $0x2000  }
0xa2: {  	[sflag:s24] =	ssyncset.done $0x0  }
0xa3: {  	s31 =	sadd.s32 $0x180, s30;
	[sflag:s24] =	ssyncadd.s32 $0xFFFFE000  }
0xa4: {  	[spmem:s2] =	stream.indirect.scatter.add.f32 [tilespmem:s17], [sflag:$0x5], $0x80, s31, s22, $0xb8;
	[tilespmem:$0x1E800] =	vst v63  }
.Ltmp1:
0xa5: {  	_ =	swait.ge [sflag:s12], $0x4000;
	(pc) =	sbr.rel @p0 .LBB2_4-.Ltmp1, $4  }
0xa6: {  	[sflag:s12] =	ssyncset.done $0x0  }
0xa7: {  	s31 =	sadd.s32 $0x300, s30;
	[sflag:s12] =	ssyncadd.s32 $0xFFFFC000  }
0xa8: {  	[tilespmem:s17], [sflag:$0x3] =	stream.indirect.gather [hbm4b:s4+s13], $0x80, s31, s13, $0xb8;
	[tilespmem:$0x1E800] =	vst v63  }
0xa9: {  	s30 =	sadd.s32 $0x340, s30  }
0xaa: {  	[tilespmem:s19], [sflag:$0x4] =	stream.indirect.gather [hbm4b:s4+s13], $0x80, s30, s13, $0xb8;
	[tilespmem:$0x1E800] =	vst v63  }
0xab: {  	_ =	swait.ge [sflag:s20], $0x2000  }
0xac: {  	[sflag:s20] =	ssyncset.done $0x0  }
0xad: {  	[sflag:s20] =	ssyncadd.s32 $0xFFFFE000  }
0xae: {  	_ =	swait.ge [sflag:s21], $0x2000  }
0xaf: {  	[sflag:s21] =	ssyncset.done $0x0  }
0xb0: {  	[sflag:s21] =	ssyncadd.s32 $0xFFFFE000  }
0xb1: {  	[spmem:s2] =	stream.indirect.scatter.add.f32 [tilespmem:s14], [sflag:$0x5], $0x80, s25, s22, $0xb8;
	[tilespmem:$0x1E800] =	vst v63  }
0xb2: {  	_ =	swait.ge [sflag:s12], $0x4000  }
0xb3: {  	[sflag:s12] =	ssyncset.done $0x0  }
0xb4: {  	[sflag:s12] =	ssyncadd.s32 $0xFFFFC000  }
0xb5: {  	_ =	swait.ge [sflag:s23], $0x2000  }
0xb6: {  	[sflag:s23] =	ssyncset.done $0x0  }
0xb7: {  	[sflag:s23] =	ssyncadd.s32 $0xFFFFE000  }
0xb8: {  	_ =	swait.ge [sflag:s24], $0x2000  }
0xb9: {  	[sflag:s24] =	ssyncset.done $0x0  }
0xba: {  	[sflag:s24] =	ssyncadd.s32 $0xFFFFE000  }
0xbb: {  	[spmem:s2] =	stream.indirect.scatter.add.f32 [tilespmem:s17], [sflag:$0x5], $0x80, s26, s22, $0xb8;
	[tilespmem:$0x1E800] =	vst v63  }
0xbc: {  	_ =	swait.ge [sflag:s12], $0x4000  }
0xbd: {  	s28 =	sadd.s32 $0x1, s28;
	[sflag:s12] =	ssyncset.done $0x0  }
0xbe: {  	p0 =	sne.s32 s28, s10;
	[sflag:s12] =	ssyncadd.s32 $0xFFFFC000  }
.Ltmp2:
0xbf: {  	[bflag:$0x0] =	sbarrier.arrive $0xFFFF;
	(pc) =	sbr.rel @p0 .LBB2_1-.Ltmp2, $4  }
0xc0: {  	[hbm:s9], [sflag:s6] =	dma.local [spmem:s11], $0x2800  }
0xc1: {  	_ =	swait.ge [sflag:s12], $0x2800  }
0xc2: {  	[sflag:s12] =	ssyncset.done $0x0  }
0xc3: {  	[sflag:s12] =	ssyncadd.s32 $0xFFFFD800  }
0xc4: {  	_ =	sfence.sel $0x180000  }
0xc5: {  	[bflag:$0x0] =	sbarrier.arrive $0xFFFF  }
0xc6: {  	p0 =	sne.s32 s0, $0x0;
	_ =	strace $0x9000004A  }
0xc7: {  	s0 =	sadd.s32 @!p0 $0x100000, s1;
	[bflag:$0x2] =	sbarrier.arrive $0xFFFF  }
0xc8: {  	[sflag:s0] =	ssyncadd.tile.s32 @!p0 $0x1;
	_ =	shalt  }
.Lfunc_end2:
_tile_overlayer_lowered:
.L_overlay_start_2:
0xc9: {  	(tag) =	ssettag $0x2  }
0xca: {  	s0 =	rddreg [dreg:$0x0];
	s2 =	stileid.u32  }
0xcb: {  	s1 =	rddreg [dreg:$0x1];
	p0 =	sne.s32 s2, $0x0  }
0xcc: {  	s3 =	rddreg [dreg:$0x2];
	[bflag:$0x3] =	sbarrier.arrive $0xFFFF;
	s2 =	simm.s32 @!p0 $0x1C05  }
0xcd: {  	[timem:s3], [sflag:s2] =	dma.local @!p0 [hbm:s0], s1  }
0xce: {  	s0 =	simm.s32 @!p0 $0x5  }
0xcf: {  	_ =	swait.ge @!p0 [sflag:s0], s1  }
0xd0: {  	s1 =	ssub.s32 @!p0 $0x0, s1;
	[sflag:s0] =	ssyncset.done @!p0 $0x0  }
0xd1: {  	[sflag:s0] =	ssyncadd.s32 @!p0 s1  }
0xd2: {  	[bflag:$0x3] =	sbarrier.arrive $0xFFFF  }
0xd3: {  	_ =	shalt  }

// kernel: kernel.14.cloned.1.call-start
scs
__scs_entry_jumppad:
0x0: {  	(pc) =	sbr.rel $0x88, $3  }
0x1: {  	(tag) =	ssettag $0x0;
	lr =	simm.s32 $0x1  }
0x2: {  	[smem:$0x3F96] =	sst lr;
	_ =	strace $0xD0000000  }
0x3: {  	_ = 	snop  }
0x4: {  	_ = 	snop  }
0x5: {  	_ = 	snop  }
0x6: {  	_ = 	snop  }
0x7: {  	_ = 	snop  }
__scs_overlays_trampoline_lowered:
0x8: {  	[smem:$0x3FA5] =	sst s0  }
0x9: {  	[smem:$0x3FA6] =	sst s1  }
0xa: {  	[smem:$0x3FA7] =	sst s2  }
0xb: {  	[smem:$0x3FA8] =	sst s3  }
0xc: {  	[smem:$0x3FA9] =	sst s4  }
0xd: {  	[smem:$0x3FAA] =	sst s5  }
0xe: {  	[smem:$0x3FAB] =	sst s6  }
0xf: {  	[smem:$0x3FAC] =	sst s7  }
0x10: {  	[smem:$0x3FAD] =	sst s8  }
0x11: {  	[smem:$0x3FAE] =	sst s9;
	s0 =	simm.s32 @!p0 $0x0  }
0x12: {  	s1 =	sld [smem:$0x3F94];
	s0 =	simm.s32 @p0 $0x1  }
0x13: {  	[smem:$0x3FAF] =	sst s0;
	s0 =	simm.s32 @!p1 $0x0  }
0x14: {  	s2 =	sld [smem:$0x3F93];
	s0 =	simm.s32 @p1 $0x1  }
0x15: {  	[smem:$0x3FB0] =	sst s0;
	s0 =	simm.s32 @!p2 $0x0  }
0x16: {  	s3 =	sld [smem:$0x3FDB];
	s0 =	simm.s32 @p2 $0x1  }
0x17: {  	s4 =	simm.s32 $0x1BF5;
	[smem:$0x3FB2] =	sst s0  }
0x18: {  	s0 =	sld [smem:$0x3F95];
	_ =	swait.ge [sflag:s4], $0x0  }
0x19: {  	s7 =	sld [smem:$0x3F96]  }
0x1a: {  	s8 =	sadd.s32 $0xFFFFE003, lr  }
0x1b: {  	s9 =	sadd.s32 $0xFFFFFEF7, lr;
	s5 =	simm.s32 $0xFFFFFFFF;
	p2 =	slt.u32 s8, $0xFFFFF086  }
0x1c: {  	p1 =	slt.u32 s9, $0xF7A;
	s5 =	simm.s32 @!p2 $0x0  }
0x1d: {  	s5 =	simm.s32 @p1 $0x1;
	p0 =	seq.s32 s7, s2  }
0x1e: {  	s7 =	smul.u32 @!p0 $0xF7A, s2;
	p2 =	seq.s32 @!p0 s5, $0x0  }
0x1f: {  	s9 =	smul.u32 $0xF7A, s1;
	s8 =	simm.s32 @!p0 $0x1BF5;
	p2 =	por !p2, p0  }
0x20: {  	[sflag:s8] =	ssyncset.s32 @!p0 $0xFFFFF086;
	s6 =	sadd.s32 @!p0 s3, s7;
	s7 =	simm.s32 @!p0 $0x108  }
0x21: {  	s3 =	sadd.s32 s3, s9;
	s6 =	sadd.s32 @!p0 $0x88, s6;
	s7 =	simm.s32 @p2 $0x1082  }
0x22: {  	[simem:s7], [sflag:s8] =	dma.local @!p0 [hbm:s6], $0xF7A  }
0x23: {  	s9 =	sor.u32 $0xD0000000, s2;
	s6 =	simm.s32 $0x108;
	_ =	swait.ge @!p0 [sflag:s8], $0x0  }
0x24: {  	s3 =	sadd.s32 $0x88, s3;
	s6 =	simm.s32 @!p1 $0x1082;
	[sflag:s4] =	ssyncset.s32 $0xFFFFF086  }
0x25: {  	[simem:s6], [sflag:s4] =	dma.local [hbm:s3], $0xF7A  }
0x26: {  	[smem:$0x3F96] =	sst s1;
	(tag) =	ssettag s2;
	_ =	strace s9  }
0x27: {  	s1 =	sld [smem:$0x3FA6]  }
0x28: {  	s2 =	sld [smem:$0x3FA7]  }
0x29: {  	s4 =	sld [smem:$0x3FA9]  }
0x2a: {  	p0 =	seq.s32 s5, $0x0;
	s5 =	sld [smem:$0x3FAA]  }
0x2b: {  	s6 =	sld [smem:$0x3FAB]  }
0x2c: {  	s7 =	sld [smem:$0x3FAC]  }
0x2d: {  	s3 =	simm.s32 $0x108;
	s8 =	sld [smem:$0x3FAD]  }
0x2e: {  	s3 =	simm.s32 @!p0 $0x1082;
	s9 =	sld [smem:$0x3FAE]  }
0x2f: {  	lr =	sadd.s32 s0, s3;
	s0 =	sld [smem:$0x3FA5]  }
0x30: {  	s3 =	sld [smem:$0x3FA8]  }
0x31: {  	[smem:$0x3FB1] =	sst s10  }
0x32: {  	s10 =	sld [smem:$0x3FAF];
	_ =	sdelay $0x3  }
0x33: {  	p0 =	seq.s32 s10, $0x1;
	s10 =	sld [smem:$0x3FB1];
	_ =	sdelay $0x3  }
0x34: {  	[smem:$0x3FB1] =	sst s10  }
0x35: {  	s10 =	sld [smem:$0x3FB0];
	_ =	sdelay $0x3  }
0x36: {  	p1 =	seq.s32 s10, $0x1;
	s10 =	sld [smem:$0x3FB1];
	_ =	sdelay $0x3  }
0x37: {  	[smem:$0x3FB1] =	sst s10  }
0x38: {  	s10 =	sld [smem:$0x3FB2]  }
0x39: {  	_ = 	snop;
	(pc) =	sbr.ind lr, $3  }
0x3a: {  	_ = 	snop  }
0x3b: {  	_ = 	snop  }
0x3c: {  	p2 =	seq.s32 s10, $0x1;
	s10 =	sld [smem:$0x3FB1]  }
0x3d: {  	_ =	shalt  }
0x3e: {  	_ =	shalt  }
0x3f: {  	_ =	shalt  }
0x40: {  	_ =	shalt  }
0x41: {  	_ =	shalt  }
0x42: {  	_ =	shalt  }
0x43: {  	_ =	shalt  }
0x44: {  	_ =	shalt  }
0x45: {  	_ =	shalt  }
0x46: {  	_ =	shalt  }
0x47: {  	_ =	shalt  }
0x48: {  	_ =	shalt  }
0x49: {  	_ =	shalt  }
0x4a: {  	_ =	shalt  }
0x4b: {  	_ =	shalt  }
0x4c: {  	_ =	shalt  }
0x4d: {  	_ =	shalt  }
0x4e: {  	_ =	shalt  }
0x4f: {  	_ =	shalt  }
0x50: {  	_ =	shalt  }
0x51: {  	_ =	shalt  }
0x52: {  	_ =	shalt  }
0x53: {  	_ =	shalt  }
0x54: {  	_ =	shalt  }
0x55: {  	_ =	shalt  }
0x56: {  	_ =	shalt  }
0x57: {  	_ =	shalt  }
0x58: {  	_ =	shalt  }
0x59: {  	_ =	shalt  }
0x5a: {  	_ =	shalt  }
0x5b: {  	_ =	shalt  }
0x5c: {  	_ =	shalt  }
0x5d: {  	_ =	shalt  }
0x5e: {  	_ =	shalt  }
0x5f: {  	_ =	shalt  }
0x60: {  	_ =	shalt  }
0x61: {  	_ =	shalt  }
0x62: {  	_ =	shalt  }
0x63: {  	_ =	shalt  }
0x64: {  	_ =	shalt  }
0x65: {  	_ =	shalt  }
0x66: {  	_ =	shalt  }
0x67: {  	_ =	shalt  }
0x68: {  	_ =	shalt  }
0x69: {  	_ =	shalt  }
0x6a: {  	_ =	shalt  }
0x6b: {  	_ =	shalt  }
0x6c: {  	_ =	shalt  }
0x6d: {  	_ =	shalt  }
0x6e: {  	_ =	shalt  }
0x6f: {  	_ =	shalt  }
0x70: {  	_ =	shalt  }
0x71: {  	_ =	shalt  }
0x72: {  	_ =	shalt  }
0x73: {  	_ =	shalt  }
0x74: {  	_ =	shalt  }
0x75: {  	_ =	shalt  }
0x76: {  	_ =	shalt  }
0x77: {  	_ =	shalt  }
0x78: {  	_ =	shalt  }
0x79: {  	_ =	shalt  }
0x7a: {  	_ =	shalt  }
0x7b: {  	_ =	shalt  }
0x7c: {  	_ =	shalt  }
0x7d: {  	_ =	shalt  }
0x7e: {  	_ =	shalt  }
0x7f: {  	_ =	shalt  }
0x80: {  	_ =	shalt  }
0x81: {  	_ =	shalt  }
0x82: {  	_ =	shalt  }
0x83: {  	_ =	shalt  }
0x84: {  	_ =	shalt  }
0x85: {  	_ =	shalt  }
0x86: {  	_ =	shalt  }
0x87: {  	_ =	shalt  }
.Lfunc_end0:
.L_simem_size_0:
called_computation.2_lowered:
.L_overlay_start_0:
0x88: {  	s2 =	sld [smem:$0x3FD9]  }
0x89: {  	s3 =	sld [smem:$0x3FFE];
	_ =	sdelay $0x1  }
0x8a: {  	s1 =	srdreg.scid  }
0x8b: {  	s0 =	sand.u32 $0x1, s1  }
0x8c: {  	s16 =	sshll.u32 s0, $0xA;
	s2 =	sadd.s32 s3, s2  }
0x8d: {  	s2 =	sadd.s32 s2, s16  }
0x8e: {  	[smem:$0x3FBD] =	sst s2  }
0x8f: {  	_ = 	snop  }
0x90: {  	(tm) =	ssettm $0x1  }
0x91: {  	s17 =	sld [smem:$0x3FFB];
	_ =	sdelay $0x3  }
0x92: {  	_ =	strace s17  }
0x93: {  	s2 =	sld [smem:$0x3FFC];
	_ =	sdelay $0x3  }
0x94: {  	_ =	strace s2  }
0x95: {  	s2 =	sld [smem:$0x3FFD];
	_ =	sdelay $0x3  }
0x96: {  	_ =	strace s2  }
0x97: {  	_ =	strace $0x8FFFFFFF  }
0x98: {  	s18 =	sld [smem:$0x3FDB];
	_ =	sdelay $0x1  }
0x99: {  	s19 =	simm.s32 $_scs_section_size  }
0x9a: {  	s4 =	simm.s32 $_size__tile_overlayer_lowered;
	s5 =	simm.s32 $_tile_overlayer_lowered  }
0x9b: {  	s22 =	simm.s32 $0x1BFF;
	s21 =	sshll.u32 s5, $0x1;
	s2 =	sadd.s32 s19, s18  }
0x9c: {  	s6 =	simm.s32 $0x0;
	s20 =	sshll.u32 s4, $0x1;
	s4 =	sadd.s32 s21, s2  }
0x9d: {  	[timem:s6], [sflag:s22] =	dma.local [hbm:s4], s20  }
0x9e: {  	_ =	swait.ge [sflag:s22], s20  }
0x9f: {  	s3 =	ssub.s32 $0x0, s20;
	[sflag:s22] =	ssyncset.done $0x0  }
0xa0: {  	[sflag:s22] =	ssyncadd.s32 s3;
	_ =	sdelay $0x1  }
0xa1: {  	s23 =	simm.s32 $0x1B8B  }
0xa2: {  	_ =	swait.ge [sflag:s23], $0x1  }
0xa3: {  	[sflag:s23] =	ssyncset.done $0x0  }
0xa4: {  	s25 =	simm.s32 $0x1B8E;
	s24 =	sld [smem:$0x3FFE];
	[sflag:s23] =	ssyncadd.s32 $0xFFFFFFFF  }
0xa5: {  	s26 =	simm.s32 $execute0_lowered;
	[smem:$0x3FD2] =	sst s25  }
0xa6: {  	s4 =	sshll.u32 s26, $0x1;
	_ =	strace $0x8000004C;
	[dreg:$0x1] =	wrdreg $0xFFFFFFFF  }
0xa7: {  	s28 =	simm.s32 $_size_execute0_lowered;
	s2 =	sadd.s32 s2, s4;
	[dreg:$0x0] =	wrdreg $0x0  }
0xa8: {  	s4 =	sshll.u32 s28, $0x1;
	[dreg:$0x2] =	wrdreg s2  }
0xa9: {  	[dreg:$0x3] =	wrdreg s4  }
0xaa: {  	[dreg:$0x4] =	wrdreg $0xC0  }
0xab: {  	_ =	task [dreg:s6], $0x5FFFF  }
0xac: {  	[dreg:$0x1] =	wrdreg $0xFFFFFFFF  }
0xad: {  	[dreg:$0x0] =	wrdreg $0x60  }
0xae: {  	[dreg:$0x2] =	wrdreg s24  }
0xaf: {  	[dreg:$0x3] =	wrdreg $0xA8000  }
0xb0: {  	[dreg:$0x4] =	wrdreg $0x9  }
0xb1: {  	_ =	task.clear_ibuf [dreg:s6], $0x5FFFF;
	_ =	strace $0x9000004C  }
0xb2: {  	s29 =	simm.s32 $0x9;
	_ =	strace $0x8000004E  }
0xb3: {  	_ =	swait.ge [sflag:s29], $0x1  }
0xb4: {  	[sflag:s29] =	ssyncadd.s32 $0xFFFFFFFF  }
0xb5: {  	_ =	strace $0x9000004E  }
0xb6: {  	_ =	sfence  }
0xb7: {  	s30 =	sld [smem:$0x0];
	_ =	sdelay $0x2  }
0xb8: {  	s31 =	sshll.u32 s1, $0xD;
	s1 =	sshrl.u32 s1, $0x2  }
0xb9: {  	s3 =	sand.u32 $0x4000, s31;
	s1 =	sadd.s32 s1, s30  }
0xba: {  	s0 =	sor.u32 s3, s0;
	s1 =	sshll.u32 s1, $0x11  }
0xbb: {  	s0 =	sor.u32 s1, s0  }
0xbc: {  	s0 =	sadd.s32 $0x8F2B, s0  }
0xbd: {  	[sflag:s0] =	ssyncadd.remote.s32 $0x1  }
0xbe: {  	_ =	sfence.sel $0xFFFF  }
0xbf: {  	[dreg:$0x0] =	wrdreg $0xFFFFFFFF;
	(pc) =	sbr.abs _section_cstart, $3  }
0xc0: {  	[dreg:$0x1] =	wrdreg $0xFFFFFFFF  }
0xc1: {  	_ =	task.clear_ibuf [dreg:s6], $0x2FFFF;
	_ =	strace $0x9FFFFFFF  }
0xc2: {  	(tm) =	ssettm $0x7FFFFFFF  }
0xc3: {  	_ =	shalt  }
tec
execute0_lowered:
.L_overlay_start_1:
0x0: {  	(tag) =	ssettag $0x1  }
0x1: {  	s1 =	srdreg.scid;
	s6 =	rddreg [dreg:$0x0]  }
0x2: {  	s0 =	stileid.u32;
	s2 =	rddreg [dreg:$0x1]  }
0x3: {  	s3 =	simm.s32 $0x0;
	s14 =	simm.s32 $0x2800;
	s15 =	simm.s32 $0x4800  }
0x4: {  	s16 =	simm.s32 $0x100;
	s17 =	simm.s32 $0x6800;
	s18 =	simm.s32 $0x140  }
0x5: {  	s19 =	simm.s32 $0x8800;
	s20 =	simm.s32 $0x1;
	s21 =	simm.s32 $0x2  }
0x6: {  	s22 =	simm.s32 $0x80;
	s23 =	simm.s32 $0x3;
	s4 =	smul.u32 $0xA000, s0  }
0x7: {  	s24 =	simm.s32 $0x4;
	s25 =	simm.s32 $0x2680;
	s8 =	smul.u32 $0x2800, s0  }
0x8: {  	s7 =	sand.u32 $0x1, s1;
	s1 =	rddreg [dreg:$0x2];
	s26 =	smul.u32 $0x50000, s0  }
0x9: {  	s28 =	simm.s32 $0x0;
	[smem:$0x7FF] =	sst s3;
	s5 =	smul.u32 $0x5000, s7  }
0xa: {  	s31 =	sshll.u32 s0, $0x6;
	s9 =	smul.u32 $0x28000, s7;
	s29 =	ssub.s32 $0x2, s7  }
0xb: {  	_ =	strace $0x8000004D;
	s7 =	sshrl.u32 s29, $0x1;
	s30 =	sshrl.u32 s26, $0x2  }
0xc: {  	s26 =	simm.s32 $0x2780;
	s5 =	sadd.s32 s5, s4;
	s4 =	sadd.s32 $0x17000, s6  }
0xd: {  	s8 =	sadd.s32 s8, s9;
	s12 =	ssub.s32 s29, s7;
	s5 =	sshrl.u32 s5, $0x3  }
0xe: {  	s13 =	sadd.s32 s30, s2;
	s11 =	sadd.s32 s8, s6;
	s10 =	sadd.s32 s5, s6  }
0xf: {  	s5 =	sadd.s32 $0x3F000, s6;
	s6 =	sor.u32 $0x1C05, s31;
	s9 =	sadd.s32 $0x41800, s11  }
0x10: {  	s11 =	sshrl.u32 s13, $0x3;
	s13 =	simm.s32 $0x40;
	s7 =	sadd.s32 $0x3000, s10  }
0x11: {  	s8 =	sadd.s32 $0x3500, s10;
	s10 =	smax.u32 s12, $0x1;
	s12 =	simm.s32 $0x5  }
.LBB2_1:
0x12: {  	[spmem:s11], [sflag:s6] =	dma.local [hbm:s5], $0x2800  }
0x13: {  	_ =	swait.ge [sflag:s12], $0x2800  }
0x14: {  	[sflag:s12] =	ssyncset.done $0x0  }
0x15: {  	[sflag:s12] =	ssyncadd.s32 $0xFFFFD800  }
0x16: {  	[bflag:$0x0] =	sbarrier.arrive $0xFFFF  }
0x17: {  	[tilespmem:s3], [sflag:$0x5] =	stream.linear.gather [hbm4b:s7+s3], $0x2800, $0x38;
	[tilespmem:$0x1E800] =	vst v63  }
0x18: {  	_ =	swait.ge [sflag:s12], $0x2800  }
0x19: {  	[sflag:s12] =	ssyncset.done $0x0  }
0x1a: {  	[sflag:s12] =	ssyncadd.s32 $0xFFFFD800  }
0x1b: {  	[tilespmem:s14], [sflag:$0x1] =	stream.indirect.gather [hbm4b:s4+s13], $0x80, s3, s13, $0xb8;
	[tilespmem:$0x1E800] =	vst v63  }
0x1c: {  	_ = 	snop  }
0x1d: {  	[tilespmem:s15], [sflag:$0x2] =	stream.indirect.gather [hbm4b:s4+s13], $0x80, s13, s13, $0xb8;
	[tilespmem:$0x1E800] =	vst v63  }
0x1e: {  	_ = 	snop  }
0x1f: {  	[tilespmem:s17], [sflag:$0x3] =	stream.indirect.gather [hbm4b:s4+s13], $0x80, s16, s13, $0xb8;
	[tilespmem:$0x1E800] =	vst v63  }
0x20: {  	_ = 	snop  }
0x21: {  	[tilespmem:s19], [sflag:$0x4] =	stream.indirect.gather [hbm4b:s4+s13], $0x80, s18, s13, $0xb8;
	[tilespmem:$0x1E800] =	vst v63  }
0x22: {  	_ =	swait.ge [sflag:s20], $0x2000  }
0x23: {  	[sflag:s20] =	ssyncset.done $0x0  }
0x24: {  	[sflag:s20] =	ssyncadd.s32 $0xFFFFE000  }
0x25: {  	_ =	swait.ge [sflag:s21], $0x2000  }
0x26: {  	[sflag:s21] =	ssyncset.done $0x0  }
0x27: {  	s29 =	simm.s32 $0x80;
	[sflag:s21] =	ssyncadd.s32 $0xFFFFE000  }
0x28: {  	[spmem:s2] =	stream.indirect.scatter.add.f32 [tilespmem:s14], [sflag:$0x5], $0x80, s29, s22, $0xb8;
	[tilespmem:$0x1E800] =	vst v63  }
0x29: {  	_ =	swait.ge [sflag:s12], $0x4000  }
0x2a: {  	[sflag:s12] =	ssyncset.done $0x0  }
0x2b: {  	s29 =	simm.s32 $0x200;
	[sflag:s12] =	ssyncadd.s32 $0xFFFFC000  }
0x2c: {  	[tilespmem:s14], [sflag:$0x1] =	stream.indirect.gather [hbm4b:s4+s13], $0x80, s29, s13, $0xb8;
	[tilespmem:$0x1E800] =	vst v63  }
0x2d: {  	s29 =	simm.s32 $0x240  }
0x2e: {  	[tilespmem:s15], [sflag:$0x2] =	stream.indirect.gather [hbm4b:s4+s13], $0x80, s29, s13, $0xb8;
	[tilespmem:$0x1E800] =	vst v63  }
0x2f: {  	_ =	swait.ge [sflag:s23], $0x2000  }
0x30: {  	[sflag:s23] =	ssyncset.done $0x0  }
0x31: {  	[sflag:s23] =	ssyncadd.s32 $0xFFFFE000  }
0x32: {  	_ =	swait.ge [sflag:s24], $0x2000  }
0x33: {  	[sflag:s24] =	ssyncset.done $0x0  }
0x34: {  	s29 =	simm.s32 $0x180;
	[sflag:s24] =	ssyncadd.s32 $0xFFFFE000  }
0x35: {  	[spmem:s2] =	stream.indirect.scatter.add.f32 [tilespmem:s17], [sflag:$0x5], $0x80, s29, s22, $0xb8;
	[tilespmem:$0x1E800] =	vst v63  }
0x36: {  	_ =	swait.ge [sflag:s12], $0x4000  }
0x37: {  	[sflag:s12] =	ssyncset.done $0x0  }
0x38: {  	s29 =	simm.s32 $0x300;
	[sflag:s12] =	ssyncadd.s32 $0xFFFFC000  }
0x39: {  	[tilespmem:s17], [sflag:$0x3] =	stream.indirect.gather [hbm4b:s4+s13], $0x80, s29, s13, $0xb8;
	[tilespmem:$0x1E800] =	vst v63  }
0x3a: {  	s30 =	simm.s32 $0x340;
	s29 =	simm.s32 $0x800  }
.LBB2_2:
0x3b: {  	[tilespmem:s19], [sflag:$0x4] =	stream.indirect.gather [hbm4b:s4+s13], $0x80, s30, s13, $0xb8;
	[tilespmem:$0x1E800] =	vst v63  }
0x3c: {  	s30 =	smov.u32 s29  }
0x3d: {  	p0 =	sne.s32 s29, $0x9000;
	s29 =	sadd.s32 $0x800, s29;
	_ =	swait.ge [sflag:s20], $0x2000  }
0x3e: {  	[sflag:s20] =	ssyncset.done $0x0  }
0x3f: {  	[sflag:s20] =	ssyncadd.s32 $0xFFFFE000  }
0x40: {  	_ =	swait.ge [sflag:s21], $0x2000  }
0x41: {  	s30 =	sshra.s32 s30, $0x2;
	[sflag:s21] =	ssyncset.done $0x0  }
0x42: {  	s31 =	sadd.s32 $0x80, s30;
	[sflag:s21] =	ssyncadd.s32 $0xFFFFE000  }
0x43: {  	[spmem:s2] =	stream.indirect.scatter.add.f32 [tilespmem:s14], [sflag:$0x5], $0x80, s31, s22, $0xb8;
	[tilespmem:$0x1E800] =	vst v63  }
0x44: {  	_ =	swait.ge [sflag:s12], $0x4000  }
0x45: {  	[sflag:s12] =	ssyncset.done $0x0  }
0x46: {  	s31 =	sadd.s32 $0x200, s30;
	[sflag:s12] =	ssyncadd.s32 $0xFFFFC000  }
0x47: {  	[tilespmem:s14], [sflag:$0x1] =	stream.indirect.gather [hbm4b:s4+s13], $0x80, s31, s13, $0xb8;
	[tilespmem:$0x1E800] =	vst v63  }
0x48: {  	s31 =	sadd.s32 $0x240, s30  }
0x49: {  	[tilespmem:s15], [sflag:$0x2] =	stream.indirect.gather [hbm4b:s4+s13], $0x80, s31, s13, $0xb8;
	[tilespmem:$0x1E800] =	vst v63  }
0x4a: {  	_ =	swait.ge [sflag:s23], $0x2000  }
0x4b: {  	[sflag:s23] =	ssyncset.done $0x0  }
0x4c: {  	[sflag:s23] =	ssyncadd.s32 $0xFFFFE000  }
0x4d: {  	_ =	swait.ge [sflag:s24], $0x2000  }
0x4e: {  	[sflag:s24] =	ssyncset.done $0x0  }
0x4f: {  	s31 =	sadd.s32 $0x180, s30;
	[sflag:s24] =	ssyncadd.s32 $0xFFFFE000  }
0x50: {  	[spmem:s2] =	stream.indirect.scatter.add.f32 [tilespmem:s17], [sflag:$0x5], $0x80, s31, s22, $0xb8;
	[tilespmem:$0x1E800] =	vst v63  }
.Ltmp0:
0x51: {  	_ =	swait.ge [sflag:s12], $0x4000;
	(pc) =	sbr.rel @p0 .LBB2_2-.Ltmp0, $4  }
0x52: {  	[sflag:s12] =	ssyncset.done $0x0  }
0x53: {  	s31 =	sadd.s32 $0x300, s30;
	[sflag:s12] =	ssyncadd.s32 $0xFFFFC000  }
0x54: {  	[tilespmem:s17], [sflag:$0x3] =	stream.indirect.gather [hbm4b:s4+s13], $0x80, s31, s13, $0xb8;
	[tilespmem:$0x1E800] =	vst v63  }
0x55: {  	s30 =	sadd.s32 $0x340, s30  }
0x56: {  	[tilespmem:s19], [sflag:$0x4] =	stream.indirect.gather [hbm4b:s4+s13], $0x80, s30, s13, $0xb8;
	[tilespmem:$0x1E800] =	vst v63  }
0x57: {  	_ =	swait.ge [sflag:s20], $0x2000  }
0x58: {  	[sflag:s20] =	ssyncset.done $0x0  }
0x59: {  	[sflag:s20] =	ssyncadd.s32 $0xFFFFE000  }
0x5a: {  	_ =	swait.ge [sflag:s21], $0x2000  }
0x5b: {  	[sflag:s21] =	ssyncset.done $0x0  }
0x5c: {  	[sflag:s21] =	ssyncadd.s32 $0xFFFFE000  }
0x5d: {  	[spmem:s2] =	stream.indirect.scatter.add.f32 [tilespmem:s14], [sflag:$0x5], $0x80, s25, s22, $0xb8;
	[tilespmem:$0x1E800] =	vst v63  }
0x5e: {  	_ =	swait.ge [sflag:s12], $0x4000  }
0x5f: {  	[sflag:s12] =	ssyncset.done $0x0  }
0x60: {  	[sflag:s12] =	ssyncadd.s32 $0xFFFFC000  }
0x61: {  	_ =	swait.ge [sflag:s23], $0x2000  }
0x62: {  	[sflag:s23] =	ssyncset.done $0x0  }
0x63: {  	[sflag:s23] =	ssyncadd.s32 $0xFFFFE000  }
0x64: {  	_ =	swait.ge [sflag:s24], $0x2000  }
0x65: {  	[sflag:s24] =	ssyncset.done $0x0  }
0x66: {  	[sflag:s24] =	ssyncadd.s32 $0xFFFFE000  }
0x67: {  	[spmem:s2] =	stream.indirect.scatter.add.f32 [tilespmem:s17], [sflag:$0x5], $0x80, s26, s22, $0xb8;
	[tilespmem:$0x1E800] =	vst v63  }
0x68: {  	_ =	swait.ge [sflag:s12], $0x4000  }
0x69: {  	[sflag:s12] =	ssyncset.done $0x0  }
0x6a: {  	s29 =	simm.s32 $0x0;
	[sflag:s12] =	ssyncadd.s32 $0xFFFFC000  }
0x6b: {  	[tilespmem:s29], [sflag:$0x5] =	stream.linear.gather [hbm4b:s8+s29], $0x2800, $0x38;
	[tilespmem:$0x1E800] =	vst v63  }
0x6c: {  	_ =	swait.ge [sflag:s12], $0x2800  }
0x6d: {  	[sflag:s12] =	ssyncset.done $0x0  }
0x6e: {  	[sflag:s12] =	ssyncadd.s32 $0xFFFFD800  }
0x6f: {  	[tilespmem:s14], [sflag:$0x1] =	stream.indirect.gather [hbm4b:s4+s13], $0x80, s29, s13, $0xb8;
	[tilespmem:$0x1E800] =	vst v63  }
0x70: {  	_ = 	snop  }
0x71: {  	[tilespmem:s15], [sflag:$0x2] =	stream.indirect.gather [hbm4b:s4+s13], $0x80, s13, s13, $0xb8;
	[tilespmem:$0x1E800] =	vst v63  }
0x72: {  	_ = 	snop  }
0x73: {  	[tilespmem:s17], [sflag:$0x3] =	stream.indirect.gather [hbm4b:s4+s13], $0x80, s16, s13, $0xb8;
	[tilespmem:$0x1E800] =	vst v63  }
0x74: {  	_ = 	snop  }
0x75: {  	[tilespmem:s19], [sflag:$0x4] =	stream.indirect.gather [hbm4b:s4+s13], $0x80, s18, s13, $0xb8;
	[tilespmem:$0x1E800] =	vst v63  }
0x76: {  	_ =	swait.ge [sflag:s20], $0x2000  }
0x77: {  	[sflag:s20] =	ssyncset.done $0x0  }
0x78: {  	[sflag:s20] =	ssyncadd.s32 $0xFFFFE000  }
0x79: {  	_ =	swait.ge [sflag:s21], $0x2000  }
0x7a: {  	[sflag:s21] =	ssyncset.done $0x0  }
0x7b: {  	s29 =	simm.s32 $0x80;
	[sflag:s21] =	ssyncadd.s32 $0xFFFFE000  }
0x7c: {  	[spmem:s2] =	stream.indirect.scatter.add.f32 [tilespmem:s14], [sflag:$0x5], $0x80, s29, s22, $0xb8;
	[tilespmem:$0x1E800] =	vst v63  }
0x7d: {  	_ =	swait.ge [sflag:s12], $0x4000  }
0x7e: {  	[sflag:s12] =	ssyncset.done $0x0  }
0x7f: {  	s29 =	simm.s32 $0x200;
	[sflag:s12] =	ssyncadd.s32 $0xFFFFC000  }
0x80: {  	[tilespmem:s14], [sflag:$0x1] =	stream.indirect.gather [hbm4b:s4+s13], $0x80, s29, s13, $0xb8;
	[tilespmem:$0x1E800] =	vst v63  }
0x81: {  	s29 =	simm.s32 $0x240  }
0x82: {  	[tilespmem:s15], [sflag:$0x2] =	stream.indirect.gather [hbm4b:s4+s13], $0x80, s29, s13, $0xb8;
	[tilespmem:$0x1E800] =	vst v63  }
0x83: {  	_ =	swait.ge [sflag:s23], $0x2000  }
0x84: {  	[sflag:s23] =	ssyncset.done $0x0  }
0x85: {  	[sflag:s23] =	ssyncadd.s32 $0xFFFFE000  }
0x86: {  	_ =	swait.ge [sflag:s24], $0x2000  }
0x87: {  	[sflag:s24] =	ssyncset.done $0x0  }
0x88: {  	s29 =	simm.s32 $0x180;
	[sflag:s24] =	ssyncadd.s32 $0xFFFFE000  }
0x89: {  	[spmem:s2] =	stream.indirect.scatter.add.f32 [tilespmem:s17], [sflag:$0x5], $0x80, s29, s22, $0xb8;
	[tilespmem:$0x1E800] =	vst v63  }
0x8a: {  	_ =	swait.ge [sflag:s12], $0x4000  }
0x8b: {  	[sflag:s12] =	ssyncset.done $0x0  }
0x8c: {  	s29 =	simm.s32 $0x300;
	[sflag:s12] =	ssyncadd.s32 $0xFFFFC000  }
0x8d: {  	[tilespmem:s17], [sflag:$0x3] =	stream.indirect.gather [hbm4b:s4+s13], $0x80, s29, s13, $0xb8;
	[tilespmem:$0x1E800] =	vst v63  }
0x8e: {  	s30 =	simm.s32 $0x340;
	s29 =	simm.s32 $0x800  }
.LBB2_4:
0x8f: {  	[tilespmem:s19], [sflag:$0x4] =	stream.indirect.gather [hbm4b:s4+s13], $0x80, s30, s13, $0xb8;
	[tilespmem:$0x1E800] =	vst v63  }
0x90: {  	s30 =	smov.u32 s29  }
0x91: {  	p0 =	sne.s32 s29, $0x9000;
	s29 =	sadd.s32 $0x800, s29;
	_ =	swait.ge [sflag:s20], $0x2000  }
0x92: {  	[sflag:s20] =	ssyncset.done $0x0  }
0x93: {  	[sflag:s20] =	ssyncadd.s32 $0xFFFFE000  }
0x94: {  	_ =	swait.ge [sflag:s21], $0x2000  }
0x95: {  	s30 =	sshra.s32 s30, $0x2;
	[sflag:s21] =	ssyncset.done $0x0  }
0x96: {  	s31 =	sadd.s32 $0x80, s30;
	[sflag:s21] =	ssyncadd.s32 $0xFFFFE000  }
0x97: {  	[spmem:s2] =	stream.indirect.scatter.add.f32 [tilespmem:s14], [sflag:$0x5], $0x80, s31, s22, $0xb8;
	[tilespmem:$0x1E800] =	vst v63  }
0x98: {  	_ =	swait.ge [sflag:s12], $0x4000  }
0x99: {  	[sflag:s12] =	ssyncset.done $0x0  }
0x9a: {  	s31 =	sadd.s32 $0x200, s30;
	[sflag:s12] =	ssyncadd.s32 $0xFFFFC000  }
0x9b: {  	[tilespmem:s14], [sflag:$0x1] =	stream.indirect.gather [hbm4b:s4+s13], $0x80, s31, s13, $0xb8;
	[tilespmem:$0x1E800] =	vst v63  }
0x9c: {  	s31 =	sadd.s32 $0x240, s30  }
0x9d: {  	[tilespmem:s15], [sflag:$0x2] =	stream.indirect.gather [hbm4b:s4+s13], $0x80, s31, s13, $0xb8;
	[tilespmem:$0x1E800] =	vst v63  }
0x9e: {  	_ =	swait.ge [sflag:s23], $0x2000  }
0x9f: {  	[sflag:s23] =	ssyncset.done $0x0  }
0xa0: {  	[sflag:s23] =	ssyncadd.s32 $0xFFFFE000  }
0xa1: {  	_ =	swait.ge [sflag:s24], $0x2000  }
0xa2: {  	[sflag:s24] =	ssyncset.done $0x0  }
0xa3: {  	s31 =	sadd.s32 $0x180, s30;
	[sflag:s24] =	ssyncadd.s32 $0xFFFFE000  }
0xa4: {  	[spmem:s2] =	stream.indirect.scatter.add.f32 [tilespmem:s17], [sflag:$0x5], $0x80, s31, s22, $0xb8;
	[tilespmem:$0x1E800] =	vst v63  }
.Ltmp1:
0xa5: {  	_ =	swait.ge [sflag:s12], $0x4000;
	(pc) =	sbr.rel @p0 .LBB2_4-.Ltmp1, $4  }
0xa6: {  	[sflag:s12] =	ssyncset.done $0x0  }
0xa7: {  	s31 =	sadd.s32 $0x300, s30;
	[sflag:s12] =	ssyncadd.s32 $0xFFFFC000  }
0xa8: {  	[tilespmem:s17], [sflag:$0x3] =	stream.indirect.gather [hbm4b:s4+s13], $0x80, s31, s13, $0xb8;
	[tilespmem:$0x1E800] =	vst v63  }
0xa9: {  	s30 =	sadd.s32 $0x340, s30  }
0xaa: {  	[tilespmem:s19], [sflag:$0x4] =	stream.indirect.gather [hbm4b:s4+s13], $0x80, s30, s13, $0xb8;
	[tilespmem:$0x1E800] =	vst v63  }
0xab: {  	_ =	swait.ge [sflag:s20], $0x2000  }
0xac: {  	[sflag:s20] =	ssyncset.done $0x0  }
0xad: {  	[sflag:s20] =	ssyncadd.s32 $0xFFFFE000  }
0xae: {  	_ =	swait.ge [sflag:s21], $0x2000  }
0xaf: {  	[sflag:s21] =	ssyncset.done $0x0  }
0xb0: {  	[sflag:s21] =	ssyncadd.s32 $0xFFFFE000  }
0xb1: {  	[spmem:s2] =	stream.indirect.scatter.add.f32 [tilespmem:s14], [sflag:$0x5], $0x80, s25, s22, $0xb8;
	[tilespmem:$0x1E800] =	vst v63  }
0xb2: {  	_ =	swait.ge [sflag:s12], $0x4000  }
0xb3: {  	[sflag:s12] =	ssyncset.done $0x0  }
0xb4: {  	[sflag:s12] =	ssyncadd.s32 $0xFFFFC000  }
0xb5: {  	_ =	swait.ge [sflag:s23], $0x2000  }
0xb6: {  	[sflag:s23] =	ssyncset.done $0x0  }
0xb7: {  	[sflag:s23] =	ssyncadd.s32 $0xFFFFE000  }
0xb8: {  	_ =	swait.ge [sflag:s24], $0x2000  }
0xb9: {  	[sflag:s24] =	ssyncset.done $0x0  }
0xba: {  	[sflag:s24] =	ssyncadd.s32 $0xFFFFE000  }
0xbb: {  	[spmem:s2] =	stream.indirect.scatter.add.f32 [tilespmem:s17], [sflag:$0x5], $0x80, s26, s22, $0xb8;
	[tilespmem:$0x1E800] =	vst v63  }
0xbc: {  	_ =	swait.ge [sflag:s12], $0x4000  }
0xbd: {  	s28 =	sadd.s32 $0x1, s28;
	[sflag:s12] =	ssyncset.done $0x0  }
0xbe: {  	p0 =	sne.s32 s28, s10;
	[sflag:s12] =	ssyncadd.s32 $0xFFFFC000  }
.Ltmp2:
0xbf: {  	[bflag:$0x0] =	sbarrier.arrive $0xFFFF;
	(pc) =	sbr.rel @p0 .LBB2_1-.Ltmp2, $4  }
0xc0: {  	[hbm:s9], [sflag:s6] =	dma.local [spmem:s11], $0x2800  }
0xc1: {  	_ =	swait.ge [sflag:s12], $0x2800  }
0xc2: {  	[sflag:s12] =	ssyncset.done $0x0  }
0xc3: {  	[sflag:s12] =	ssyncadd.s32 $0xFFFFD800  }
0xc4: {  	_ =	sfence.sel $0x180000  }
0xc5: {  	[bflag:$0x0] =	sbarrier.arrive $0xFFFF  }
0xc6: {  	p0 =	sne.s32 s0, $0x0;
	_ =	strace $0x9000004D  }
0xc7: {  	s0 =	sadd.s32 @!p0 $0x100000, s1;
	[bflag:$0x2] =	sbarrier.arrive $0xFFFF  }
0xc8: {  	[sflag:s0] =	ssyncadd.tile.s32 @!p0 $0x1;
	_ =	shalt  }
.Lfunc_end2:
_tile_overlayer_lowered:
.L_overlay_start_2:
0xc9: {  	(tag) =	ssettag $0x2  }
0xca: {  	s0 =	rddreg [dreg:$0x0];
	s2 =	stileid.u32  }
0xcb: {  	s1 =	rddreg [dreg:$0x1];
	p0 =	sne.s32 s2, $0x0  }
0xcc: {  	s3 =	rddreg [dreg:$0x2];
	[bflag:$0x3] =	sbarrier.arrive $0xFFFF;
	s2 =	simm.s32 @!p0 $0x1C05  }
0xcd: {  	[timem:s3], [sflag:s2] =	dma.local @!p0 [hbm:s0], s1  }
0xce: {  	s0 =	simm.s32 @!p0 $0x5  }
0xcf: {  	_ =	swait.ge @!p0 [sflag:s0], s1  }
0xd0: {  	s1 =	ssub.s32 @!p0 $0x0, s1;
	[sflag:s0] =	ssyncset.done @!p0 $0x0  }
0xd1: {  	[sflag:s0] =	ssyncadd.s32 @!p0 s1  }
0xd2: {  	[bflag:$0x3] =	sbarrier.arrive $0xFFFF  }
0xd3: {  	_ =	shalt  }

// kernel: kernel.8.cloned.1.call-start
scs
__scs_entry_jumppad:
0x0: {  	(pc) =	sbr.rel $0x88, $3  }
0x1: {  	(tag) =	ssettag $0x0;
	lr =	simm.s32 $0x1  }
0x2: {  	[smem:$0x3F96] =	sst lr;
	_ =	strace $0xD0000000  }
0x3: {  	_ = 	snop  }
0x4: {  	_ = 	snop  }
0x5: {  	_ = 	snop  }
0x6: {  	_ = 	snop  }
0x7: {  	_ = 	snop  }
__scs_overlays_trampoline_lowered:
0x8: {  	[smem:$0x3FA5] =	sst s0  }
0x9: {  	[smem:$0x3FA6] =	sst s1  }
0xa: {  	[smem:$0x3FA7] =	sst s2  }
0xb: {  	[smem:$0x3FA8] =	sst s3  }
0xc: {  	[smem:$0x3FA9] =	sst s4  }
0xd: {  	[smem:$0x3FAA] =	sst s5  }
0xe: {  	[smem:$0x3FAB] =	sst s6  }
0xf: {  	[smem:$0x3FAC] =	sst s7  }
0x10: {  	[smem:$0x3FAD] =	sst s8  }
0x11: {  	[smem:$0x3FAE] =	sst s9;
	s0 =	simm.s32 @!p0 $0x0  }
0x12: {  	s1 =	sld [smem:$0x3F94];
	s0 =	simm.s32 @p0 $0x1  }
0x13: {  	[smem:$0x3FAF] =	sst s0;
	s0 =	simm.s32 @!p1 $0x0  }
0x14: {  	s2 =	sld [smem:$0x3F93];
	s0 =	simm.s32 @p1 $0x1  }
0x15: {  	[smem:$0x3FB0] =	sst s0;
	s0 =	simm.s32 @!p2 $0x0  }
0x16: {  	s3 =	sld [smem:$0x3FDB];
	s0 =	simm.s32 @p2 $0x1  }
0x17: {  	s4 =	simm.s32 $0x1BF5;
	[smem:$0x3FB2] =	sst s0  }
0x18: {  	s0 =	sld [smem:$0x3F95];
	_ =	swait.ge [sflag:s4], $0x0  }
0x19: {  	s7 =	sld [smem:$0x3F96]  }
0x1a: {  	s8 =	sadd.s32 $0xFFFFE003, lr  }
0x1b: {  	s9 =	sadd.s32 $0xFFFFFEF7, lr;
	s5 =	simm.s32 $0xFFFFFFFF;
	p2 =	slt.u32 s8, $0xFFFFF086  }
0x1c: {  	p1 =	slt.u32 s9, $0xF7A;
	s5 =	simm.s32 @!p2 $0x0  }
0x1d: {  	s5 =	simm.s32 @p1 $0x1;
	p0 =	seq.s32 s7, s2  }
0x1e: {  	s7 =	smul.u32 @!p0 $0xF7A, s2;
	p2 =	seq.s32 @!p0 s5, $0x0  }
0x1f: {  	s9 =	smul.u32 $0xF7A, s1;
	s8 =	simm.s32 @!p0 $0x1BF5;
	p2 =	por !p2, p0  }
0x20: {  	[sflag:s8] =	ssyncset.s32 @!p0 $0xFFFFF086;
	s6 =	sadd.s32 @!p0 s3, s7;
	s7 =	simm.s32 @!p0 $0x108  }
0x21: {  	s3 =	sadd.s32 s3, s9;
	s6 =	sadd.s32 @!p0 $0x88, s6;
	s7 =	simm.s32 @p2 $0x1082  }
0x22: {  	[simem:s7], [sflag:s8] =	dma.local @!p0 [hbm:s6], $0xF7A  }
0x23: {  	s9 =	sor.u32 $0xD0000000, s2;
	s6 =	simm.s32 $0x108;
	_ =	swait.ge @!p0 [sflag:s8], $0x0  }
0x24: {  	s3 =	sadd.s32 $0x88, s3;
	s6 =	simm.s32 @!p1 $0x1082;
	[sflag:s4] =	ssyncset.s32 $0xFFFFF086  }
0x25: {  	[simem:s6], [sflag:s4] =	dma.local [hbm:s3], $0xF7A  }
0x26: {  	[smem:$0x3F96] =	sst s1;
	(tag) =	ssettag s2;
	_ =	strace s9  }
0x27: {  	s1 =	sld [smem:$0x3FA6]  }
0x28: {  	s2 =	sld [smem:$0x3FA7]  }
0x29: {  	s4 =	sld [smem:$0x3FA9]  }
0x2a: {  	p0 =	seq.s32 s5, $0x0;
	s5 =	sld [smem:$0x3FAA]  }
0x2b: {  	s6 =	sld [smem:$0x3FAB]  }
0x2c: {  	s7 =	sld [smem:$0x3FAC]  }
0x2d: {  	s3 =	simm.s32 $0x108;
	s8 =	sld [smem:$0x3FAD]  }
0x2e: {  	s3 =	simm.s32 @!p0 $0x1082;
	s9 =	sld [smem:$0x3FAE]  }
0x2f: {  	lr =	sadd.s32 s0, s3;
	s0 =	sld [smem:$0x3FA5]  }
0x30: {  	s3 =	sld [smem:$0x3FA8]  }
0x31: {  	[smem:$0x3FB1] =	sst s10  }
0x32: {  	s10 =	sld [smem:$0x3FAF];
	_ =	sdelay $0x3  }
0x33: {  	p0 =	seq.s32 s10, $0x1;
	s10 =	sld [smem:$0x3FB1];
	_ =	sdelay $0x3  }
0x34: {  	[smem:$0x3FB1] =	sst s10  }
0x35: {  	s10 =	sld [smem:$0x3FB0];
	_ =	sdelay $0x3  }
0x36: {  	p1 =	seq.s32 s10, $0x1;
	s10 =	sld [smem:$0x3FB1];
	_ =	sdelay $0x3  }
0x37: {  	[smem:$0x3FB1] =	sst s10  }
0x38: {  	s10 =	sld [smem:$0x3FB2]  }
0x39: {  	_ = 	snop;
	(pc) =	sbr.ind lr, $3  }
0x3a: {  	_ = 	snop  }
0x3b: {  	_ = 	snop  }
0x3c: {  	p2 =	seq.s32 s10, $0x1;
	s10 =	sld [smem:$0x3FB1]  }
0x3d: {  	_ =	shalt  }
0x3e: {  	_ =	shalt  }
0x3f: {  	_ =	shalt  }
0x40: {  	_ =	shalt  }
0x41: {  	_ =	shalt  }
0x42: {  	_ =	shalt  }
0x43: {  	_ =	shalt  }
0x44: {  	_ =	shalt  }
0x45: {  	_ =	shalt  }
0x46: {  	_ =	shalt  }
0x47: {  	_ =	shalt  }
0x48: {  	_ =	shalt  }
0x49: {  	_ =	shalt  }
0x4a: {  	_ =	shalt  }
0x4b: {  	_ =	shalt  }
0x4c: {  	_ =	shalt  }
0x4d: {  	_ =	shalt  }
0x4e: {  	_ =	shalt  }
0x4f: {  	_ =	shalt  }
0x50: {  	_ =	shalt  }
0x51: {  	_ =	shalt  }
0x52: {  	_ =	shalt  }
0x53: {  	_ =	shalt  }
0x54: {  	_ =	shalt  }
0x55: {  	_ =	shalt  }
0x56: {  	_ =	shalt  }
0x57: {  	_ =	shalt  }
0x58: {  	_ =	shalt  }
0x59: {  	_ =	shalt  }
0x5a: {  	_ =	shalt  }
0x5b: {  	_ =	shalt  }
0x5c: {  	_ =	shalt  }
0x5d: {  	_ =	shalt  }
0x5e: {  	_ =	shalt  }
0x5f: {  	_ =	shalt  }
0x60: {  	_ =	shalt  }
0x61: {  	_ =	shalt  }
0x62: {  	_ =	shalt  }
0x63: {  	_ =	shalt  }
0x64: {  	_ =	shalt  }
0x65: {  	_ =	shalt  }
0x66: {  	_ =	shalt  }
0x67: {  	_ =	shalt  }
0x68: {  	_ =	shalt  }
0x69: {  	_ =	shalt  }
0x6a: {  	_ =	shalt  }
0x6b: {  	_ =	shalt  }
0x6c: {  	_ =	shalt  }
0x6d: {  	_ =	shalt  }
0x6e: {  	_ =	shalt  }
0x6f: {  	_ =	shalt  }
0x70: {  	_ =	shalt  }
0x71: {  	_ =	shalt  }
0x72: {  	_ =	shalt  }
0x73: {  	_ =	shalt  }
0x74: {  	_ =	shalt  }
0x75: {  	_ =	shalt  }
0x76: {  	_ =	shalt  }
0x77: {  	_ =	shalt  }
0x78: {  	_ =	shalt  }
0x79: {  	_ =	shalt  }
0x7a: {  	_ =	shalt  }
0x7b: {  	_ =	shalt  }
0x7c: {  	_ =	shalt  }
0x7d: {  	_ =	shalt  }
0x7e: {  	_ =	shalt  }
0x7f: {  	_ =	shalt  }
0x80: {  	_ =	shalt  }
0x81: {  	_ =	shalt  }
0x82: {  	_ =	shalt  }
0x83: {  	_ =	shalt  }
0x84: {  	_ =	shalt  }
0x85: {  	_ =	shalt  }
0x86: {  	_ =	shalt  }
0x87: {  	_ =	shalt  }
.Lfunc_end0:
.L_simem_size_0:
called_computation_lowered:
.L_overlay_start_0:
0x88: {  	s2 =	sld [smem:$0x3FD9]  }
0x89: {  	s3 =	sld [smem:$0x3FFE];
	_ =	sdelay $0x1  }
0x8a: {  	s1 =	srdreg.scid  }
0x8b: {  	s0 =	sand.u32 $0x1, s1  }
0x8c: {  	s17 =	sshll.u32 s0, $0xA;
	s2 =	sadd.s32 s3, s2  }
0x8d: {  	s2 =	sadd.s32 s2, s17  }
0x8e: {  	[smem:$0x3FBD] =	sst s2  }
0x8f: {  	_ = 	snop  }
0x90: {  	s2 =	sld [smem:$0x3FD0];
	(tm) =	ssettm $0x1  }
0x91: {  	s18 =	sld [smem:$0x3FFB];
	_ =	sdelay $0x3  }
0x92: {  	_ =	strace s18  }
0x93: {  	s3 =	sld [smem:$0x3FFC];
	_ =	sdelay $0x3  }
0x94: {  	_ =	strace s3  }
0x95: {  	s3 =	sld [smem:$0x3FFD];
	_ =	sdelay $0x3  }
0x96: {  	_ =	strace s3  }
0x97: {  	_ =	strace $0x8FFFFFFF  }
0x98: {  	s19 =	sld [smem:$0x3FDB];
	_ =	sdelay $0x1  }
0x99: {  	s4 =	simm.s32 $_scs_section_size  }
0x9a: {  	s5 =	simm.s32 $_size__tile_overlayer_lowered;
	s6 =	simm.s32 $_tile_overlayer_lowered  }
0x9b: {  	s22 =	simm.s32 $0x1BFF;
	s21 =	sshll.u32 s6, $0x1;
	s3 =	sadd.s32 s4, s19  }
0x9c: {  	s7 =	simm.s32 $0x0;
	s20 =	sshll.u32 s5, $0x1;
	s5 =	sadd.s32 s21, s3  }
0x9d: {  	[timem:s7], [sflag:s22] =	dma.local [hbm:s5], s20  }
0x9e: {  	_ =	swait.ge [sflag:s22], s20  }
0x9f: {  	s4 =	ssub.s32 $0x0, s20;
	[sflag:s22] =	ssyncset.done $0x0  }
0xa0: {  	[sflag:s22] =	ssyncadd.s32 s4;
	_ =	sdelay $0x1  }
0xa1: {  	s23 =	simm.s32 $0x1B8B  }
0xa2: {  	_ =	swait.ge [sflag:s23], $0x1  }
0xa3: {  	[sflag:s23] =	ssyncset.done $0x0  }
0xa4: {  	s25 =	simm.s32 $0x1B8E;
	s24 =	sld [smem:$0x3FFE];
	[sflag:s23] =	ssyncadd.s32 $0xFFFFFFFF  }
0xa5: {  	s26 =	simm.s32 $execute0_lowered;
	[smem:$0x3FD2] =	sst s25  }
0xa6: {  	s5 =	sshll.u32 s26, $0x1;
	_ =	strace $0x80000046;
	[dreg:$0x1] =	wrdreg $0xFFFFFFFF  }
0xa7: {  	s28 =	simm.s32 $_size_execute0_lowered;
	s3 =	sadd.s32 s3, s5;
	[dreg:$0x0] =	wrdreg $0x0  }
0xa8: {  	s5 =	sshll.u32 s28, $0x1;
	[dreg:$0x2] =	wrdreg s3  }
0xa9: {  	[dreg:$0x3] =	wrdreg s5  }
0xaa: {  	[dreg:$0x4] =	wrdreg $0xC0  }
0xab: {  	_ =	task [dreg:s7], $0x5FFFF  }
0xac: {  	[dreg:$0x1] =	wrdreg $0xFFFFFFFF  }
0xad: {  	[dreg:$0x0] =	wrdreg $0x60  }
0xae: {  	[dreg:$0x2] =	wrdreg s24  }
0xaf: {  	[dreg:$0x3] =	wrdreg s2  }
0xb0: {  	[dreg:$0x4] =	wrdreg $0x50800  }
0xb1: {  	[dreg:$0x5] =	wrdreg $0x9  }
0xb2: {  	_ =	task.clear_ibuf [dreg:s7], $0x6FFFF;
	_ =	strace $0x90000046  }
0xb3: {  	s29 =	simm.s32 $0x9;
	_ =	strace $0x80000048  }
0xb4: {  	_ =	swait.ge [sflag:s29], $0x1  }
0xb5: {  	[sflag:s29] =	ssyncadd.s32 $0xFFFFFFFF  }
0xb6: {  	_ =	strace $0x90000048  }
0xb7: {  	_ =	sfence  }
0xb8: {  	s30 =	sld [smem:$0x0];
	_ =	sdelay $0x2  }
0xb9: {  	s31 =	sshll.u32 s1, $0xD;
	s1 =	sshrl.u32 s1, $0x2  }
0xba: {  	s3 =	sand.u32 $0x4000, s31;
	s1 =	sadd.s32 s1, s30  }
0xbb: {  	s0 =	sor.u32 s3, s0;
	s1 =	sshll.u32 s1, $0x11  }
0xbc: {  	s0 =	sor.u32 s1, s0  }
0xbd: {  	s0 =	sadd.s32 $0x8F2B, s0  }
0xbe: {  	[sflag:s0] =	ssyncadd.remote.s32 $0x1  }
0xbf: {  	_ =	sfence.sel $0xFFFF  }
0xc0: {  	[dreg:$0x0] =	wrdreg $0xFFFFFFFF;
	(pc) =	sbr.abs _section_cstart, $3  }
0xc1: {  	[dreg:$0x1] =	wrdreg $0xFFFFFFFF  }
0xc2: {  	_ =	task.clear_ibuf [dreg:s7], $0x2FFFF;
	_ =	strace $0x9FFFFFFF  }
0xc3: {  	(tm) =	ssettm $0x7FFFFFFF  }
tec
execute0_lowered:
.L_overlay_start_1:
0x0: {  	(tag) =	ssettag $0x1  }
0x1: {  	s1 =	srdreg.scid;
	s5 =	rddreg [dreg:$0x0]  }
0x2: {  	s0 =	stileid.u32;
	s2 =	rddreg [dreg:$0x1]  }
0x3: {  	s3 =	rddreg [dreg:$0x2];
	s4 =	simm.s32 $0x0;
	s7 =	smul.u32 $0xA000, s0  }
0x4: {  	s12 =	simm.s32 $0x5000;
	s6 =	sand.u32 $0x1, s1;
	s9 =	smul.u32 $0x280, s0  }
0x5: {  	s13 =	simm.s32 $0x0;
	s1 =	rddreg [dreg:$0x3];
	s8 =	smul.u32 $0x5000, s6  }
0x6: {  	[smem:$0x7FF] =	sst s4;
	s10 =	smul.u32 $0x2800, s6;
	s6 =	ssub.s32 $0x2, s6  }
0x7: {  	s31 =	sshll.u32 s0, $0x6;
	_ =	strace $0x80000047;
	s29 =	sshrl.u32 s6, $0x1  }
0x8: {  	s11 =	sadd.s32 s9, s3;
	s7 =	sadd.s32 s8, s7;
	s28 =	sadd.s32 s9, s10  }
0x9: {  	s30 =	ssub.s32 s6, s29;
	s9 =	sor.u32 $0x1C01, s31;
	s7 =	sshrl.u32 s7, $0x3  }
0xa: {  	s10 =	sshrl.u32 s11, $0x3;
	s8 =	sshrl.u32 s28, $0x3;
	s7 =	sadd.s32 s7, s5  }
0xb: {  	s11 =	simm.s32 $0x80;
	s8 =	sadd.s32 s8, s5;
	s5 =	sadd.s32 $0x3000, s7  }
0xc: {  	v0 =	vimm.f32 $1.000000000e+00;
	s6 =	sadd.s32 $0x17000, s8;
	s7 =	smax.u32 s30, $0x1;
	s8 =	simm.s32 $0x1  }
.LBB2_1:
0xd: {  	[tilespmem:$0x5000] =	vst v0  }
0xe: {  	[tilespmem:$0x5010] =	vst v0  }
0xf: {  	[tilespmem:$0x5020] =	vst v0  }
0x10: {  	[tilespmem:$0x5030] =	vst v0  }
0x11: {  	[tilespmem:$0x5040] =	vst v0  }
0x12: {  	[tilespmem:$0x5050] =	vst v0  }
0x13: {  	[tilespmem:$0x5060] =	vst v0  }
0x14: {  	[tilespmem:$0x5070] =	vst v0  }
0x15: {  	[tilespmem:s4], [sflag:$0x1] =	stream.linear.gather [hbm4b:s5+s4], $0x5000, $0x38;
	[tilespmem:$0x5300] =	vst v63  }
0x16: {  	_ =	swait.ge [sflag:s8], $0x5000  }
0x17: {  	[sflag:s8] =	ssyncset.done $0x0  }
0x18: {  	[sflag:s8] =	ssyncadd.s32 $0xFFFFB000  }
0x19: {  	[spmem:s10], [sflag:s9] =	dma.local [hbm:s2], $0x50  }
0x1a: {  	_ =	swait.ge [sflag:s8], $0x50  }
0x1b: {  	[sflag:s8] =	ssyncset.done $0x0  }
0x1c: {  	[sflag:s8] =	ssyncadd.s32 $0xFFFFFFB0  }
0x1d: {  	s14 =	simm.s32 $0x80;
	[bflag:$0x0] =	sbarrier.arrive $0xFFFF  }
0x1e: {  	[spmem:s3] =	stream.indirect.scatter.add.f32 [tilespmem:s12], [sflag:$0x1], $0x1, s14, s11, $0xb8;
	[tilespmem:$0x5300] =	vst v63  }
0x1f: {  	_ =	swait.ge [sflag:s8], $0x80  }
0x20: {  	s14 =	simm.s32 $0x600;
	[sflag:s8] =	ssyncset.done $0x0  }
.LBB2_2:
0x21: {  	s15 =	sshra.s32 s14, $0x2;
	[sflag:s8] =	ssyncadd.s32 $0xFFFFFF80;
	p0 =	sne.s32 s14, $0x13E00  }
0x22: {  	[spmem:s3] =	stream.indirect.scatter.add.f32 [tilespmem:s12], [sflag:$0x1], $0x1, s15, s11, $0xb8;
	[tilespmem:$0x5300] =	vst v63  }
.Ltmp0:
0x23: {  	_ = 	snop;
	(pc) =	sbr.rel @p0 .LBB2_2-.Ltmp0, $4  }
0x24: {  	_ = 	snop  }
0x25: {  	s14 =	sadd.s32 $0x400, s14  }
0x26: {  	_ =	swait.ge [sflag:s8], $0x80  }
0x27: {  	[sflag:s8] =	ssyncset.done $0x0  }
0x28: {  	s13 =	sadd.s32 $0x1, s13  }
0x29: {  	[sflag:s8] =	ssyncadd.s32 $0xFFFFFF80;
	p0 =	sne.s32 s13, s7  }
.Ltmp1:
0x2a: {  	[bflag:$0x0] =	sbarrier.arrive $0xFFFF;
	(pc) =	sbr.rel @p0 .LBB2_1-.Ltmp1, $4  }
0x2b: {  	[hbm:s6], [sflag:s9] =	dma.local [spmem:s10], $0x50  }
0x2c: {  	_ =	swait.ge [sflag:s8], $0x50  }
0x2d: {  	[sflag:s8] =	ssyncset.done $0x0  }
0x2e: {  	[sflag:s8] =	ssyncadd.s32 $0xFFFFFFB0  }
0x2f: {  	_ =	sfence.sel $0x180000  }
0x30: {  	[bflag:$0x0] =	sbarrier.arrive $0xFFFF  }
0x31: {  	p0 =	sne.s32 s0, $0x0;
	_ =	strace $0x90000047  }
0x32: {  	s0 =	sadd.s32 @!p0 $0x100000, s1;
	[bflag:$0x2] =	sbarrier.arrive $0xFFFF  }
0x33: {  	[sflag:s0] =	ssyncadd.tile.s32 @!p0 $0x1;
	_ =	shalt  }
.Lfunc_end2:
_tile_overlayer_lowered:
.L_overlay_start_2:
0x34: {  	(tag) =	ssettag $0x2  }
0x35: {  	s0 =	rddreg [dreg:$0x0];
	s2 =	stileid.u32  }
0x36: {  	s1 =	rddreg [dreg:$0x1];
	p0 =	sne.s32 s2, $0x0  }
0x37: {  	s3 =	rddreg [dreg:$0x2];
	[bflag:$0x3] =	sbarrier.arrive $0xFFFF;
	s2 =	simm.s32 @!p0 $0x1C01  }
0x38: {  	[timem:s3], [sflag:s2] =	dma.local @!p0 [hbm:s0], s1  }
0x39: {  	s0 =	simm.s32 @!p0 $0x1  }
0x3a: {  	_ =	swait.ge @!p0 [sflag:s0], s1  }
0x3b: {  	s1 =	ssub.s32 @!p0 $0x0, s1;
	[sflag:s0] =	ssyncset.done @!p0 $0x0  }
0x3c: {  	[sflag:s0] =	ssyncadd.s32 @!p0 s1  }
0x3d: {  	[bflag:$0x3] =	sbarrier.arrive $0xFFFF  }
0x3e: {  	_ =	shalt  }

</sc_bundles>
